<compile_context>
chip_gen: v7x
topology: tpu7x:2x2x1
jax: 0.10.2.dev20260603
libtpu: 0.0.44.dev20260713+nightly
codegen_flags: <defaults>
</compile_context>

<pallas_src>
import functools

import jax
import jax.numpy as jnp
from jax import lax
from jax.experimental import pallas as pl
from jax.experimental.pallas import tpu as pltpu
from jax.experimental.pallas import tpu_sc as plsc

N_NODES = 10000
N_EDGES = 320000
D = 128
N_GRAPHS = 64
N_CLASSES = 10

NC = 2
NS = 16
NW = NC * NS

CHUNK = 125
CH_PER_TILE = 80
EDGES_PER_TILE = CH_PER_TILE * CHUNK
ACC_ROWS = 10112
ROWS_PER_TILE = ACC_ROWS // NS
ZCH = 104
WB_ROWS = 624

DEG_W = 16

_mesh = plsc.VectorSubcoreMesh(core_axis_name="c", subcore_axis_name="s")


def _fill_vmem(ref, rows, width, value):
    vec = jnp.full((16,), value, jnp.float32)

    def body(i, _):
        for j in range(width // 16):
            ref[i, pl.ds(j * 16, 16)] = vec
        return 0

    lax.fori_loop(0, rows, body, 0)


def _zero_spmem_slice(tile_id, zbuf, table):
    n_full = ROWS_PER_TILE // ZCH
    rem = ROWS_PER_TILE - n_full * ZCH
    base = tile_id * ROWS_PER_TILE
    for k in range(n_full):
        pltpu.sync_copy(zbuf.at[pl.ds(0, ZCH)],
                        table.at[pl.ds(base + k * ZCH, ZCH)])
    pltpu.sync_copy(zbuf.at[pl.ds(0, rem)],
                    table.at[pl.ds(base + n_full * ZCH, rem)])


def _writeback(c, s, table, out_hbm):
    base = s * WB_ROWS
    pltpu.sync_copy(table.at[pl.ds(base, WB_ROWS)],
                    out_hbm.at[c, pl.ds(base, WB_ROWS)])

    @pl.when(s == NS - 1)
    def _():
        tail = NS * WB_ROWS
        pltpu.sync_copy(table.at[pl.ds(tail, N_NODES - tail)],
                        out_hbm.at[c, pl.ds(tail, N_NODES - tail)])


@functools.partial(
    pl.kernel,
    out_type=jax.ShapeDtypeStruct((NC, N_NODES, DEG_W), jnp.float32),
    mesh=_mesh,
    scratch_types=[
        pltpu.VMEM((CH_PER_TILE, CHUNK), jnp.int32),
        pltpu.VMEM((CHUNK, DEG_W), jnp.float32),
        pltpu.VMEM_SHARED((ACC_ROWS, DEG_W), jnp.float32),
    ],
)
def _deg_kernel(dst_hbm, out_hbm, dstv, ones_v, table):
    c = lax.axis_index("c")
    s = lax.axis_index("s")
    wid = c * NS + s

    pltpu.sync_copy(dst_hbm.at[wid], dstv)

    _fill_vmem(ones_v, CHUNK, DEG_W, 0.0)
    _zero_spmem_slice(s, ones_v, table)
    _fill_vmem(ones_v, CHUNK, DEG_W, 1.0)

    plsc.subcore_barrier()

    def body(j, _):
        pltpu.sync_copy(ones_v, table.at[dstv.at[j]], add=True)
        return 0

    lax.fori_loop(0, CH_PER_TILE, body, 0)

    plsc.subcore_barrier()

    _writeback(c, s, table, out_hbm)


@functools.partial(
    pl.kernel,
    out_type=jax.ShapeDtypeStruct((NC, N_NODES, D), jnp.float32),
    mesh=_mesh,
    scratch_types=[
        pltpu.VMEM((CH_PER_TILE, CHUNK), jnp.int32),
        pltpu.VMEM((CH_PER_TILE, CHUNK), jnp.int32),
        pltpu.VMEM((CHUNK, D), jnp.float32),
        pltpu.VMEM_SHARED((ACC_ROWS, D), jnp.float32),
        pltpu.SemaphoreType.DMA,
    ],
)
def _agg_kernel(g_hbm, src_hbm, dst_hbm, out_hbm, srcv, dstv, bufa,
                acc, sema):
    c = lax.axis_index("c")
    s = lax.axis_index("s")
    wid = c * NS + s

    pltpu.sync_copy(src_hbm.at[wid], srcv)
    pltpu.sync_copy(dst_hbm.at[wid], dstv)

    _fill_vmem(bufa, CHUNK, D, 0.0)
    _zero_spmem_slice(s, bufa, acc)

    plsc.subcore_barrier()

    def body(j, _):
        pltpu.async_copy(g_hbm.at[srcv.at[j]], bufa, sema).wait()
        pltpu.sync_copy(bufa, acc.at[dstv.at[j]], add=True)
        return 0

    lax.fori_loop(0, CH_PER_TILE, body, 0)

    plsc.subcore_barrier()

    _writeback(c, s, acc, out_hbm)


ROW_BLK = 1000


def _l1_body(degp_ref, x_ref, w_ref, g_ref, dis_ref):
    deg = degp_ref[0, :, 0:1] + degp_ref[1, :, 0:1] + 1.0
    dis = lax.rsqrt(deg)
    h = jnp.dot(x_ref[...], w_ref[...], preferred_element_type=jnp.float32)
    g_ref[...] = dis * h
    dis_ref[...] = dis


def _layer1(degp, x, W1):
    return pl.pallas_call(
        _l1_body,
        grid=(N_NODES // ROW_BLK,),
        in_specs=[
            pl.BlockSpec((NC, ROW_BLK, DEG_W), lambda i: (0, i, 0)),
            pl.BlockSpec((ROW_BLK, D), lambda i: (i, 0)),
            pl.BlockSpec((D, D), lambda i: (0, 0)),
        ],
        out_specs=[
            pl.BlockSpec((ROW_BLK, D), lambda i: (i, 0)),
            pl.BlockSpec((ROW_BLK, 1), lambda i: (i, 0)),
        ],
        out_shape=[
            jax.ShapeDtypeStruct((N_NODES, D), jnp.float32),
            jax.ShapeDtypeStruct((N_NODES, 1), jnp.float32),
        ],
    )(degp, x, W1)


def _mid_body(accp_ref, g_ref, dis_ref, b_ref, w_ref, out_ref):
    acc = accp_ref[0] + accp_ref[1]
    dis = dis_ref[...]
    a = jnp.maximum(dis * (acc + g_ref[...]) + b_ref[...], 0.0)
    out_ref[...] = dis * jnp.dot(a, w_ref[...],
                                 preferred_element_type=jnp.float32)


def _mid_layer(accp, g, dis, b, W):
    return pl.pallas_call(
        _mid_body,
        grid=(N_NODES // ROW_BLK,),
        in_specs=[
            pl.BlockSpec((NC, ROW_BLK, D), lambda i: (0, i, 0)),
            pl.BlockSpec((ROW_BLK, D), lambda i: (i, 0)),
            pl.BlockSpec((ROW_BLK, 1), lambda i: (i, 0)),
            pl.BlockSpec((1, D), lambda i: (0, 0)),
            pl.BlockSpec((D, D), lambda i: (0, 0)),
        ],
        out_specs=pl.BlockSpec((ROW_BLK, D), lambda i: (i, 0)),
        out_shape=jax.ShapeDtypeStruct((N_NODES, D), jnp.float32),
    )(accp, g, dis, b.reshape(1, D), W)


def _final_body(accp_ref, g_ref, dis_ref, b_ref, batch_ref, wlin_ref,
                blin_ref, out_ref):
    acc = accp_ref[0] + accp_ref[1]
    dis = dis_ref[...]
    a = jnp.maximum(dis * (acc + g_ref[...]) + b_ref[...], 0.0)
    batch_row = batch_ref[0:1, :]
    gids = lax.broadcasted_iota(jnp.int32, (N_GRAPHS, N_NODES), 0)
    mask = (gids == batch_row).astype(jnp.float32)
    sums = jnp.dot(mask, a, preferred_element_type=jnp.float32)
    cnts = jnp.sum(mask, axis=1, keepdims=True)
    pooled = sums / jnp.maximum(cnts, 1.0)
    out_ref[...] = jnp.dot(pooled, wlin_ref[...],
                           preferred_element_type=jnp.float32) + blin_ref[...]


def _final(accp, g, dis, b4, batch8, Wlin, blin):
    return pl.pallas_call(
        _final_body,
        out_shape=jax.ShapeDtypeStruct((N_GRAPHS, N_CLASSES), jnp.float32),
    )(accp, g, dis, b4.reshape(1, D), batch8, Wlin,
      blin.reshape(1, N_CLASSES))


def kernel(x, edge_index, batch, W1, b1, W2, b2, W3, b3, W4, b4, Wlin, blin):
    src_p = edge_index[0].astype(jnp.int32).reshape(NW, CH_PER_TILE, CHUNK)
    dst_p = edge_index[1].astype(jnp.int32).reshape(NW, CH_PER_TILE, CHUNK)
    batch8 = jnp.broadcast_to(batch.astype(jnp.int32)[None, :], (8, N_NODES))

    degp = _deg_kernel(dst_p)
    g1, dis = _layer1(degp, x, W1)
    acc1 = _agg_kernel(g1, src_p, dst_p)
    g2 = _mid_layer(acc1, g1, dis, b1, W2)
    acc2 = _agg_kernel(g2, src_p, dst_p)
    g3 = _mid_layer(acc2, g2, dis, b2, W3)
    acc3 = _agg_kernel(g3, src_p, dst_p)
    g4 = _mid_layer(acc3, g3, dis, b3, W4)
    acc4 = _agg_kernel(g4, src_p, dst_p)
    return _final(acc4, g4, dis, b4, batch8, Wlin, blin)

# --- scband reference (transcript-rebuilt; emitter-appended) ---
"""Pipeline reference for scband-deep-gnn-17686675325464 (READ-ONLY COPY).

The authoritative reference and input builder live on the scoring server;
editing this copy changes nothing except your own understanding.
"""

import jax, jax.numpy as jnp
import numpy as np

N_NODES = 10000
N_EDGES = 320000
D_IN = 128
D_HID = 128
N_CLASSES = 10
N_GRAPHS = 64


def _gcn_conv(x, src, dst, W, b, n_nodes):
    # PyG GCNConv with add_self_loops=True, normalize=True
    h = x @ W
    loop = jnp.arange(n_nodes, dtype=src.dtype)
    src2 = jnp.concatenate([src, loop])
    dst2 = jnp.concatenate([dst, loop])
    deg = jax.ops.segment_sum(jnp.ones_like(dst2, dtype=h.dtype), dst2, num_segments=n_nodes)
    dis = jnp.where(deg > 0, jax.lax.rsqrt(jnp.maximum(deg, 1e-12)), 0.0)
    norm = dis[src2] * dis[dst2]
    msg = h[src2] * norm[:, None]
    out = jax.ops.segment_sum(msg, dst2, num_segments=n_nodes)
    return out + b


def setup_inputs(seed: int = 0) -> dict:
    key = jax.random.key(seed)
    ks = jax.random.split(key, 16)
    x = jax.random.normal(ks[0], (N_NODES, D_IN), dtype=jnp.float32)
    edge_index = jax.random.randint(ks[1], (2, N_EDGES), 0, N_NODES, dtype=jnp.int64)
    batch = jnp.sort(jax.random.randint(ks[2], (N_NODES,), 0, N_GRAPHS, dtype=jnp.int64))
    W1 = jax.random.normal(ks[3], (D_IN, D_HID), dtype=jnp.float32) * 0.05
    b1 = jnp.zeros((D_HID,), dtype=jnp.float32)
    W2 = jax.random.normal(ks[4], (D_HID, D_HID), dtype=jnp.float32) * 0.05
    b2 = jnp.zeros((D_HID,), dtype=jnp.float32)
    W3 = jax.random.normal(ks[5], (D_HID, D_HID), dtype=jnp.float32) * 0.05
    b3 = jnp.zeros((D_HID,), dtype=jnp.float32)
    W4 = jax.random.normal(ks[6], (D_HID, D_HID), dtype=jnp.float32) * 0.05
    b4 = jnp.zeros((D_HID,), dtype=jnp.float32)
    Wlin = jax.random.normal(ks[7], (D_HID, N_CLASSES), dtype=jnp.float32) * 0.05
    blin = jnp.zeros((N_CLASSES,), dtype=jnp.float32)
    return {"x": x, "edge_index": edge_index, "batch": batch,
            "W1": W1, "b1": b1, "W2": W2, "b2": b2,
            "W3": W3, "b3": b3, "W4": W4, "b4": b4,
            "Wlin": Wlin, "blin": blin}


def reference(x, edge_index, batch, W1, b1, W2, b2, W3, b3, W4, b4, Wlin, blin):
    src = edge_index[0]
    dst = edge_index[1]
    h = jax.nn.relu(_gcn_conv(x, src, dst, W1, b1, N_NODES))
    h = jax.nn.relu(_gcn_conv(h, src, dst, W2, b2, N_NODES))
    h = jax.nn.relu(_gcn_conv(h, src, dst, W3, b3, N_NODES))
    h = jax.nn.relu(_gcn_conv(h, src, dst, W4, b4, N_NODES))
    # dropout is identity in eval mode
    sums = jax.ops.segment_sum(h, batch, num_segments=N_GRAPHS)
    cnts = jax.ops.segment_sum(jnp.ones((h.shape[0],), dtype=h.dtype), batch, num_segments=N_GRAPHS)
    pooled = sums / jnp.maximum(cnts, 1.0)[:, None]
    return pooled @ Wlin + blin

if __name__ == "__main__":
    import jax
    _d = setup_inputs()
    print(jax.jit(kernel)(*tuple(_d.values())))

</pallas_src>

<mosaic_0001>
#map = affine_map<(d0, d1) -> (0, 0)>
#map1 = affine_map<(d0, d1) -> (0, 0, 0)>
module attributes {stable_mosaic.version = 14 : i64} {
  func.func @_agg_kernel(%arg0: i32, %arg1: i32, %arg2: memref<10000x128xf32, #tpu.memory_space<hbm>>, %arg3: memref<32x80x125xi32, #tpu.memory_space<hbm>>, %arg4: memref<32x80x125xi32, #tpu.memory_space<hbm>>, %arg5: memref<2x10000x128xf32, #tpu.memory_space<hbm>>, %arg6: memref<80x125xi32, #tpu.memory_space<vmem>>, %arg7: memref<80x125xi32, #tpu.memory_space<vmem>>, %arg8: memref<125x128xf32, #tpu.memory_space<vmem>>, %arg9: memref<10112x128xf32, #tpu.memory_space<vmem_shared>>, %arg10: memref<!tpu.dma_semaphore, #tpu.memory_space<semaphore_mem>>) attributes {dimension_semantics = [#tpu.dimension_semantics<core_parallel>, #tpu.dimension_semantics<subcore_parallel>], iteration_bounds = array<i64: 2, 16>, scalar_prefetch = 0 : i64, scratch_operands = 5 : i64, tpu.core_type = #tpu.core_type<sc_vector_subcore>, window_params = [{transform_indices = #map}, {transform_indices = #map1}, {transform_indices = #map1}, {transform_indices = #map1}]} {
    %mul3A = arith.constant 16 : i32
    %mul3A_0 = arith.muli %arg0, %mul3A : i32
    %add3A = arith.addi %mul3A_0, %arg1 : i32
    "tpu.region"() ({
      %run_scoped3A = tpu.sem_alloc : memref<!tpu.dma_semaphore, #tpu.memory_space<semaphore_mem>>
      %dma_start3A = arith.constant 0 : i32
      %dma_start3A_36 = arith.constant 0 : i32
      %dma_start3A_37 = tpu.memref_slice %arg3[%add3A, %dma_start3A, %dma_start3A_36] : memref<32x80x125xi32, #tpu.memory_space<hbm>> -> memref<1x80x125xi32, #tpu.memory_space<hbm>>
      %dma_start3A_38 = tpu.memref_squeeze %dma_start3A_37 : memref<1x80x125xi32, #tpu.memory_space<hbm>> -> memref<80x125xi32, #tpu.memory_space<hbm>>
      %dma_start3A_39 = arith.constant 0 : i32
      %dma_start3A_40 = arith.constant 0 : i32
      %dma_start3A_41 = tpu.memref_slice %arg3[%add3A, %dma_start3A_39, %dma_start3A_40] : memref<32x80x125xi32, #tpu.memory_space<hbm>> -> memref<1x80x125xi32, #tpu.memory_space<hbm>>
      %dma_start3A_42 = tpu.memref_squeeze %dma_start3A_41 : memref<1x80x125xi32, #tpu.memory_space<hbm>> -> memref<80x125xi32, #tpu.memory_space<hbm>>
      tpu.enqueue_dma source(%dma_start3A_42 : memref<80x125xi32, #tpu.memory_space<hbm>>) target(%arg6 : memref<80x125xi32, #tpu.memory_space<vmem>>) target_semaphore(%run_scoped3A : memref<!tpu.dma_semaphore, #tpu.memory_space<semaphore_mem>>)
      %dma_wait3A = arith.constant 0 : i32
      %dma_wait3A_43 = arith.constant 0 : i32
      %dma_wait3A_44 = tpu.memref_slice %arg3[%add3A, %dma_wait3A, %dma_wait3A_43] : memref<32x80x125xi32, #tpu.memory_space<hbm>> -> memref<1x80x125xi32, #tpu.memory_space<hbm>>
      %dma_wait3A_45 = tpu.memref_squeeze %dma_wait3A_44 : memref<1x80x125xi32, #tpu.memory_space<hbm>> -> memref<80x125xi32, #tpu.memory_space<hbm>>
      %dma_wait3A_46 = arith.constant 0 : i32
      %dma_wait3A_47 = arith.constant 0 : i32
      %dma_wait3A_48 = tpu.memref_slice %arg3[%add3A, %dma_wait3A_46, %dma_wait3A_47] : memref<32x80x125xi32, #tpu.memory_space<hbm>> -> memref<1x80x125xi32, #tpu.memory_space<hbm>>
      %dma_wait3A_49 = tpu.memref_squeeze %dma_wait3A_48 : memref<1x80x125xi32, #tpu.memory_space<hbm>> -> memref<80x125xi32, #tpu.memory_space<hbm>>
      tpu.wait_dma2 semaphore(%run_scoped3A : memref<!tpu.dma_semaphore, #tpu.memory_space<semaphore_mem>>) src(%dma_wait3A_49 : memref<80x125xi32, #tpu.memory_space<hbm>>) dst(%arg6 : memref<80x125xi32, #tpu.memory_space<vmem>>)
      tpu.yield
    }) : () -> ()
    "tpu.region"() ({
      %run_scoped3A = tpu.sem_alloc : memref<!tpu.dma_semaphore, #tpu.memory_space<semaphore_mem>>
      %dma_start3A = arith.constant 0 : i32
      %dma_start3A_36 = arith.constant 0 : i32
      %dma_start3A_37 = tpu.memref_slice %arg4[%add3A, %dma_start3A, %dma_start3A_36] : memref<32x80x125xi32, #tpu.memory_space<hbm>> -> memref<1x80x125xi32, #tpu.memory_space<hbm>>
      %dma_start3A_38 = tpu.memref_squeeze %dma_start3A_37 : memref<1x80x125xi32, #tpu.memory_space<hbm>> -> memref<80x125xi32, #tpu.memory_space<hbm>>
      %dma_start3A_39 = arith.constant 0 : i32
      %dma_start3A_40 = arith.constant 0 : i32
      %dma_start3A_41 = tpu.memref_slice %arg4[%add3A, %dma_start3A_39, %dma_start3A_40] : memref<32x80x125xi32, #tpu.memory_space<hbm>> -> memref<1x80x125xi32, #tpu.memory_space<hbm>>
      %dma_start3A_42 = tpu.memref_squeeze %dma_start3A_41 : memref<1x80x125xi32, #tpu.memory_space<hbm>> -> memref<80x125xi32, #tpu.memory_space<hbm>>
      tpu.enqueue_dma source(%dma_start3A_42 : memref<80x125xi32, #tpu.memory_space<hbm>>) target(%arg7 : memref<80x125xi32, #tpu.memory_space<vmem>>) target_semaphore(%run_scoped3A : memref<!tpu.dma_semaphore, #tpu.memory_space<semaphore_mem>>)
      %dma_wait3A = arith.constant 0 : i32
      %dma_wait3A_43 = arith.constant 0 : i32
      %dma_wait3A_44 = tpu.memref_slice %arg4[%add3A, %dma_wait3A, %dma_wait3A_43] : memref<32x80x125xi32, #tpu.memory_space<hbm>> -> memref<1x80x125xi32, #tpu.memory_space<hbm>>
      %dma_wait3A_45 = tpu.memref_squeeze %dma_wait3A_44 : memref<1x80x125xi32, #tpu.memory_space<hbm>> -> memref<80x125xi32, #tpu.memory_space<hbm>>
      %dma_wait3A_46 = arith.constant 0 : i32
      %dma_wait3A_47 = arith.constant 0 : i32
      %dma_wait3A_48 = tpu.memref_slice %arg4[%add3A, %dma_wait3A_46, %dma_wait3A_47] : memref<32x80x125xi32, #tpu.memory_space<hbm>> -> memref<1x80x125xi32, #tpu.memory_space<hbm>>
      %dma_wait3A_49 = tpu.memref_squeeze %dma_wait3A_48 : memref<1x80x125xi32, #tpu.memory_space<hbm>> -> memref<80x125xi32, #tpu.memory_space<hbm>>
      tpu.wait_dma2 semaphore(%run_scoped3A : memref<!tpu.dma_semaphore, #tpu.memory_space<semaphore_mem>>) src(%dma_wait3A_49 : memref<80x125xi32, #tpu.memory_space<hbm>>) dst(%arg7 : memref<80x125xi32, #tpu.memory_space<vmem>>)
      tpu.yield
    }) : () -> ()
    %broadcast_in_dim3A = arith.constant 0.000000e+00 : f32
    %broadcast_in_dim3A_1 = vector.broadcast %broadcast_in_dim3A : f32 to vector<16xf32>
    %scan3A = arith.constant 0 : i32
    %scan3A_2 = arith.constant 0 : i32
    %scan3A_3 = arith.constant 125 : i32
    %scan3A_4 = arith.addi %scan3A_2, %scan3A_3 : i32
    %scan3A_5 = arith.constant 1 : i32
    %scan3A_6 = scf.for %scan3A_36 = %scan3A_2 to %scan3A_4 step %scan3A_5 iter_args(%scan3A_37 = %scan3A) -> (i32)  : i32 {
      %swap3A = arith.index_cast %scan3A_36 : i32 to index
      %swap3A_38 = arith.constant 0 : index
      %swap3A_39 = tpu.vector_load %arg8[%swap3A, %swap3A_38] {strides = array<i32>} : memref<125x128xf32, #tpu.memory_space<vmem>>, vector<1x16xf32>,
      %swap3A_40 = vector.shape_cast %swap3A_39 : vector<1x16xf32> to vector<16xf32>
      %swap3A_41 = vector.shape_cast %broadcast_in_dim3A_1 : vector<16xf32> to vector<1x16xf32>
      tpu.vector_store %arg8[%swap3A, %swap3A_38], %swap3A_41 {strides = array<i32>} : memref<125x128xf32, #tpu.memory_space<vmem>>, vector<1x16xf32>,
      %swap3A_42 = arith.index_cast %scan3A_36 : i32 to index
      %swap3A_43 = arith.constant 16 : index
      %swap3A_44 = tpu.vector_load %arg8[%swap3A_42, %swap3A_43] {strides = array<i32>} : memref<125x128xf32, #tpu.memory_space<vmem>>, vector<1x16xf32>,
      %swap3A_45 = vector.shape_cast %swap3A_44 : vector<1x16xf32> to vector<16xf32>
      %swap3A_46 = vector.shape_cast %broadcast_in_dim3A_1 : vector<16xf32> to vector<1x16xf32>
      tpu.vector_store %arg8[%swap3A_42, %swap3A_43], %swap3A_46 {strides = array<i32>} : memref<125x128xf32, #tpu.memory_space<vmem>>, vector<1x16xf32>,
      %swap3A_47 = arith.index_cast %scan3A_36 : i32 to index
      %swap3A_48 = arith.constant 32 : index
      %swap3A_49 = tpu.vector_load %arg8[%swap3A_47, %swap3A_48] {strides = array<i32>} : memref<125x128xf32, #tpu.memory_space<vmem>>, vector<1x16xf32>,
      %swap3A_50 = vector.shape_cast %swap3A_49 : vector<1x16xf32> to vector<16xf32>
      %swap3A_51 = vector.shape_cast %broadcast_in_dim3A_1 : vector<16xf32> to vector<1x16xf32>
      tpu.vector_store %arg8[%swap3A_47, %swap3A_48], %swap3A_51 {strides = array<i32>} : memref<125x128xf32, #tpu.memory_space<vmem>>, vector<1x16xf32>,
      %swap3A_52 = arith.index_cast %scan3A_36 : i32 to index
      %swap3A_53 = arith.constant 48 : index
      %swap3A_54 = tpu.vector_load %arg8[%swap3A_52, %swap3A_53] {strides = array<i32>} : memref<125x128xf32, #tpu.memory_space<vmem>>, vector<1x16xf32>,
      %swap3A_55 = vector.shape_cast %swap3A_54 : vector<1x16xf32> to vector<16xf32>
      %swap3A_56 = vector.shape_cast %broadcast_in_dim3A_1 : vector<16xf32> to vector<1x16xf32>
      tpu.vector_store %arg8[%swap3A_52, %swap3A_53], %swap3A_56 {strides = array<i32>} : memref<125x128xf32, #tpu.memory_space<vmem>>, vector<1x16xf32>,
      %swap3A_57 = arith.index_cast %scan3A_36 : i32 to index
      %swap3A_58 = arith.constant 64 : index
      %swap3A_59 = tpu.vector_load %arg8[%swap3A_57, %swap3A_58] {strides = array<i32>} : memref<125x128xf32, #tpu.memory_space<vmem>>, vector<1x16xf32>,
      %swap3A_60 = vector.shape_cast %swap3A_59 : vector<1x16xf32> to vector<16xf32>
      %swap3A_61 = vector.shape_cast %broadcast_in_dim3A_1 : vector<16xf32> to vector<1x16xf32>
      tpu.vector_store %arg8[%swap3A_57, %swap3A_58], %swap3A_61 {strides = array<i32>} : memref<125x128xf32, #tpu.memory_space<vmem>>, vector<1x16xf32>,
      %swap3A_62 = arith.index_cast %scan3A_36 : i32 to index
      %swap3A_63 = arith.constant 80 : index
      %swap3A_64 = tpu.vector_load %arg8[%swap3A_62, %swap3A_63] {strides = array<i32>} : memref<125x128xf32, #tpu.memory_space<vmem>>, vector<1x16xf32>,
      %swap3A_65 = vector.shape_cast %swap3A_64 : vector<1x16xf32> to vector<16xf32>
      %swap3A_66 = vector.shape_cast %broadcast_in_dim3A_1 : vector<16xf32> to vector<1x16xf32>
      tpu.vector_store %arg8[%swap3A_62, %swap3A_63], %swap3A_66 {strides = array<i32>} : memref<125x128xf32, #tpu.memory_space<vmem>>, vector<1x16xf32>,
      %swap3A_67 = arith.index_cast %scan3A_36 : i32 to index
      %swap3A_68 = arith.constant 96 : index
      %swap3A_69 = tpu.vector_load %arg8[%swap3A_67, %swap3A_68] {strides = array<i32>} : memref<125x128xf32, #tpu.memory_space<vmem>>, vector<1x16xf32>,
      %swap3A_70 = vector.shape_cast %swap3A_69 : vector<1x16xf32> to vector<16xf32>
      %swap3A_71 = vector.shape_cast %broadcast_in_dim3A_1 : vector<16xf32> to vector<1x16xf32>
      tpu.vector_store %arg8[%swap3A_67, %swap3A_68], %swap3A_71 {strides = array<i32>} : memref<125x128xf32, #tpu.memory_space<vmem>>, vector<1x16xf32>,
      %swap3A_72 = arith.index_cast %scan3A_36 : i32 to index
      %swap3A_73 = arith.constant 112 : index
      %swap3A_74 = tpu.vector_load %arg8[%swap3A_72, %swap3A_73] {strides = array<i32>} : memref<125x128xf32, #tpu.memory_space<vmem>>, vector<1x16xf32>,
      %swap3A_75 = vector.shape_cast %swap3A_74 : vector<1x16xf32> to vector<16xf32>
      %swap3A_76 = vector.shape_cast %broadcast_in_dim3A_1 : vector<16xf32> to vector<1x16xf32>
      tpu.vector_store %arg8[%swap3A_72, %swap3A_73], %swap3A_76 {strides = array<i32>} : memref<125x128xf32, #tpu.memory_space<vmem>>, vector<1x16xf32>,
      %scan3A_77 = arith.constant 0 : i32
      scf.yield %scan3A_77 : i32
    }
    %scan3A_7 = arith.constant 125 : i32
    %mul3A_8 = arith.constant 632 : i32
    %mul3A_9 = arith.muli %arg1, %mul3A_8 : i32
    %add3A_10 = arith.constant 0 : i32
    %add3A_11 = arith.addi %mul3A_9, %add3A_10 : i32
    "tpu.region"() ({
      %run_scoped3A = tpu.sem_alloc : memref<!tpu.dma_semaphore, #tpu.memory_space<semaphore_mem>>
      %dma_start3A = arith.constant 0 : i32
      %dma_start3A_36 = arith.constant 0 : i32
      %dma_start3A_37 = tpu.memref_slice %arg8[%dma_start3A, %dma_start3A_36] : memref<125x128xf32, #tpu.memory_space<vmem>> -> memref<104x128xf32, #tpu.memory_space<vmem>>
      %dma_start3A_38 = arith.constant 0 : i32
      %dma_start3A_39 = tpu.memref_slice %arg9[%add3A_11, %dma_start3A_38] : memref<10112x128xf32, #tpu.memory_space<vmem_shared>> -> memref<104x128xf32, #tpu.memory_space<vmem_shared>>
      %dma_start3A_40 = arith.constant 0 : i32
      %dma_start3A_41 = tpu.memref_slice %arg9[%add3A_11, %dma_start3A_40] : memref<10112x128xf32, #tpu.memory_space<vmem_shared>> -> memref<104x128xf32, #tpu.memory_space<vmem_shared>>
      %dma_start3A_42 = arith.constant 0 : i32
      %dma_start3A_43 = arith.constant 0 : i32
      %dma_start3A_44 = tpu.memref_slice %arg8[%dma_start3A_42, %dma_start3A_43] : memref<125x128xf32, #tpu.memory_space<vmem>> -> memref<104x128xf32, #tpu.memory_space<vmem>>
      tpu.enqueue_dma source(%dma_start3A_44 : memref<104x128xf32, #tpu.memory_space<vmem>>) target(%dma_start3A_41 : memref<104x128xf32, #tpu.memory_space<vmem_shared>>) target_semaphore(%run_scoped3A : memref<!tpu.dma_semaphore, #tpu.memory_space<semaphore_mem>>)
      %dma_wait3A = arith.constant 0 : i32
      %dma_wait3A_45 = arith.constant 0 : i32
      %dma_wait3A_46 = tpu.memref_slice %arg8[%dma_wait3A, %dma_wait3A_45] : memref<125x128xf32, #tpu.memory_space<vmem>> -> memref<104x128xf32, #tpu.memory_space<vmem>>
      %dma_wait3A_47 = arith.constant 0 : i32
      %dma_wait3A_48 = tpu.memref_slice %arg9[%add3A_11, %dma_wait3A_47] : memref<10112x128xf32, #tpu.memory_space<vmem_shared>> -> memref<104x128xf32, #tpu.memory_space<vmem_shared>>
      %dma_wait3A_49 = arith.constant 0 : i32
      %dma_wait3A_50 = tpu.memref_slice %arg9[%add3A_11, %dma_wait3A_49] : memref<10112x128xf32, #tpu.memory_space<vmem_shared>> -> memref<104x128xf32, #tpu.memory_space<vmem_shared>>
      %dma_wait3A_51 = arith.constant 0 : i32
      %dma_wait3A_52 = arith.constant 0 : i32
      %dma_wait3A_53 = tpu.memref_slice %arg8[%dma_wait3A_51, %dma_wait3A_52] : memref<125x128xf32, #tpu.memory_space<vmem>> -> memref<104x128xf32, #tpu.memory_space<vmem>>
      tpu.wait_dma2 semaphore(%run_scoped3A : memref<!tpu.dma_semaphore, #tpu.memory_space<semaphore_mem>>) src(%dma_wait3A_53 : memref<104x128xf32, #tpu.memory_space<vmem>>) dst(%dma_wait3A_50 : memref<104x128xf32, #tpu.memory_space<vmem_shared>>)
      tpu.yield
    }) : () -> ()
    %add3A_12 = arith.constant 104 : i32
    %add3A_13 = arith.addi %mul3A_9, %add3A_12 : i32
    "tpu.region"() ({
      %run_scoped3A = tpu.sem_alloc : memref<!tpu.dma_semaphore, #tpu.memory_space<semaphore_mem>>
      %dma_start3A = arith.constant 0 : i32
      %dma_start3A_36 = arith.constant 0 : i32
      %dma_start3A_37 = tpu.memref_slice %arg8[%dma_start3A, %dma_start3A_36] : memref<125x128xf32, #tpu.memory_space<vmem>> -> memref<104x128xf32, #tpu.memory_space<vmem>>
      %dma_start3A_38 = arith.constant 0 : i32
      %dma_start3A_39 = tpu.memref_slice %arg9[%add3A_13, %dma_start3A_38] : memref<10112x128xf32, #tpu.memory_space<vmem_shared>> -> memref<104x128xf32, #tpu.memory_space<vmem_shared>>
      %dma_start3A_40 = arith.constant 0 : i32
      %dma_start3A_41 = tpu.memref_slice %arg9[%add3A_13, %dma_start3A_40] : memref<10112x128xf32, #tpu.memory_space<vmem_shared>> -> memref<104x128xf32, #tpu.memory_space<vmem_shared>>
      %dma_start3A_42 = arith.constant 0 : i32
      %dma_start3A_43 = arith.constant 0 : i32
      %dma_start3A_44 = tpu.memref_slice %arg8[%dma_start3A_42, %dma_start3A_43] : memref<125x128xf32, #tpu.memory_space<vmem>> -> memref<104x128xf32, #tpu.memory_space<vmem>>
      tpu.enqueue_dma source(%dma_start3A_44 : memref<104x128xf32, #tpu.memory_space<vmem>>) target(%dma_start3A_41 : memref<104x128xf32, #tpu.memory_space<vmem_shared>>) target_semaphore(%run_scoped3A : memref<!tpu.dma_semaphore, #tpu.memory_space<semaphore_mem>>)
      %dma_wait3A = arith.constant 0 : i32
      %dma_wait3A_45 = arith.constant 0 : i32
      %dma_wait3A_46 = tpu.memref_slice %arg8[%dma_wait3A, %dma_wait3A_45] : memref<125x128xf32, #tpu.memory_space<vmem>> -> memref<104x128xf32, #tpu.memory_space<vmem>>
      %dma_wait3A_47 = arith.constant 0 : i32
      %dma_wait3A_48 = tpu.memref_slice %arg9[%add3A_13, %dma_wait3A_47] : memref<10112x128xf32, #tpu.memory_space<vmem_shared>> -> memref<104x128xf32, #tpu.memory_space<vmem_shared>>
      %dma_wait3A_49 = arith.constant 0 : i32
      %dma_wait3A_50 = tpu.memref_slice %arg9[%add3A_13, %dma_wait3A_49] : memref<10112x128xf32, #tpu.memory_space<vmem_shared>> -> memref<104x128xf32, #tpu.memory_space<vmem_shared>>
      %dma_wait3A_51 = arith.constant 0 : i32
      %dma_wait3A_52 = arith.constant 0 : i32
      %dma_wait3A_53 = tpu.memref_slice %arg8[%dma_wait3A_51, %dma_wait3A_52] : memref<125x128xf32, #tpu.memory_space<vmem>> -> memref<104x128xf32, #tpu.memory_space<vmem>>
      tpu.wait_dma2 semaphore(%run_scoped3A : memref<!tpu.dma_semaphore, #tpu.memory_space<semaphore_mem>>) src(%dma_wait3A_53 : memref<104x128xf32, #tpu.memory_space<vmem>>) dst(%dma_wait3A_50 : memref<104x128xf32, #tpu.memory_space<vmem_shared>>)
      tpu.yield
    }) : () -> ()
    %add3A_14 = arith.constant 208 : i32
    %add3A_15 = arith.addi %mul3A_9, %add3A_14 : i32
    "tpu.region"() ({
      %run_scoped3A = tpu.sem_alloc : memref<!tpu.dma_semaphore, #tpu.memory_space<semaphore_mem>>
      %dma_start3A = arith.constant 0 : i32
      %dma_start3A_36 = arith.constant 0 : i32
      %dma_start3A_37 = tpu.memref_slice %arg8[%dma_start3A, %dma_start3A_36] : memref<125x128xf32, #tpu.memory_space<vmem>> -> memref<104x128xf32, #tpu.memory_space<vmem>>
      %dma_start3A_38 = arith.constant 0 : i32
      %dma_start3A_39 = tpu.memref_slice %arg9[%add3A_15, %dma_start3A_38] : memref<10112x128xf32, #tpu.memory_space<vmem_shared>> -> memref<104x128xf32, #tpu.memory_space<vmem_shared>>
      %dma_start3A_40 = arith.constant 0 : i32
      %dma_start3A_41 = tpu.memref_slice %arg9[%add3A_15, %dma_start3A_40] : memref<10112x128xf32, #tpu.memory_space<vmem_shared>> -> memref<104x128xf32, #tpu.memory_space<vmem_shared>>
      %dma_start3A_42 = arith.constant 0 : i32
      %dma_start3A_43 = arith.constant 0 : i32
      %dma_start3A_44 = tpu.memref_slice %arg8[%dma_start3A_42, %dma_start3A_43] : memref<125x128xf32, #tpu.memory_space<vmem>> -> memref<104x128xf32, #tpu.memory_space<vmem>>
      tpu.enqueue_dma source(%dma_start3A_44 : memref<104x128xf32, #tpu.memory_space<vmem>>) target(%dma_start3A_41 : memref<104x128xf32, #tpu.memory_space<vmem_shared>>) target_semaphore(%run_scoped3A : memref<!tpu.dma_semaphore, #tpu.memory_space<semaphore_mem>>)
      %dma_wait3A = arith.constant 0 : i32
      %dma_wait3A_45 = arith.constant 0 : i32
      %dma_wait3A_46 = tpu.memref_slice %arg8[%dma_wait3A, %dma_wait3A_45] : memref<125x128xf32, #tpu.memory_space<vmem>> -> memref<104x128xf32, #tpu.memory_space<vmem>>
      %dma_wait3A_47 = arith.constant 0 : i32
      %dma_wait3A_48 = tpu.memref_slice %arg9[%add3A_15, %dma_wait3A_47] : memref<10112x128xf32, #tpu.memory_space<vmem_shared>> -> memref<104x128xf32, #tpu.memory_space<vmem_shared>>
      %dma_wait3A_49 = arith.constant 0 : i32
      %dma_wait3A_50 = tpu.memref_slice %arg9[%add3A_15, %dma_wait3A_49] : memref<10112x128xf32, #tpu.memory_space<vmem_shared>> -> memref<104x128xf32, #tpu.memory_space<vmem_shared>>
      %dma_wait3A_51 = arith.constant 0 : i32
      %dma_wait3A_52 = arith.constant 0 : i32
      %dma_wait3A_53 = tpu.memref_slice %arg8[%dma_wait3A_51, %dma_wait3A_52] : memref<125x128xf32, #tpu.memory_space<vmem>> -> memref<104x128xf32, #tpu.memory_space<vmem>>
      tpu.wait_dma2 semaphore(%run_scoped3A : memref<!tpu.dma_semaphore, #tpu.memory_space<semaphore_mem>>) src(%dma_wait3A_53 : memref<104x128xf32, #tpu.memory_space<vmem>>) dst(%dma_wait3A_50 : memref<104x128xf32, #tpu.memory_space<vmem_shared>>)
      tpu.yield
    }) : () -> ()
    %add3A_16 = arith.constant 312 : i32
    %add3A_17 = arith.addi %mul3A_9, %add3A_16 : i32
    "tpu.region"() ({
      %run_scoped3A = tpu.sem_alloc : memref<!tpu.dma_semaphore, #tpu.memory_space<semaphore_mem>>
      %dma_start3A = arith.constant 0 : i32
      %dma_start3A_36 = arith.constant 0 : i32
      %dma_start3A_37 = tpu.memref_slice %arg8[%dma_start3A, %dma_start3A_36] : memref<125x128xf32, #tpu.memory_space<vmem>> -> memref<104x128xf32, #tpu.memory_space<vmem>>
      %dma_start3A_38 = arith.constant 0 : i32
      %dma_start3A_39 = tpu.memref_slice %arg9[%add3A_17, %dma_start3A_38] : memref<10112x128xf32, #tpu.memory_space<vmem_shared>> -> memref<104x128xf32, #tpu.memory_space<vmem_shared>>
      %dma_start3A_40 = arith.constant 0 : i32
      %dma_start3A_41 = tpu.memref_slice %arg9[%add3A_17, %dma_start3A_40] : memref<10112x128xf32, #tpu.memory_space<vmem_shared>> -> memref<104x128xf32, #tpu.memory_space<vmem_shared>>
      %dma_start3A_42 = arith.constant 0 : i32
      %dma_start3A_43 = arith.constant 0 : i32
      %dma_start3A_44 = tpu.memref_slice %arg8[%dma_start3A_42, %dma_start3A_43] : memref<125x128xf32, #tpu.memory_space<vmem>> -> memref<104x128xf32, #tpu.memory_space<vmem>>
      tpu.enqueue_dma source(%dma_start3A_44 : memref<104x128xf32, #tpu.memory_space<vmem>>) target(%dma_start3A_41 : memref<104x128xf32, #tpu.memory_space<vmem_shared>>) target_semaphore(%run_scoped3A : memref<!tpu.dma_semaphore, #tpu.memory_space<semaphore_mem>>)
      %dma_wait3A = arith.constant 0 : i32
      %dma_wait3A_45 = arith.constant 0 : i32
      %dma_wait3A_46 = tpu.memref_slice %arg8[%dma_wait3A, %dma_wait3A_45] : memref<125x128xf32, #tpu.memory_space<vmem>> -> memref<104x128xf32, #tpu.memory_space<vmem>>
      %dma_wait3A_47 = arith.constant 0 : i32
      %dma_wait3A_48 = tpu.memref_slice %arg9[%add3A_17, %dma_wait3A_47] : memref<10112x128xf32, #tpu.memory_space<vmem_shared>> -> memref<104x128xf32, #tpu.memory_space<vmem_shared>>
      %dma_wait3A_49 = arith.constant 0 : i32
      %dma_wait3A_50 = tpu.memref_slice %arg9[%add3A_17, %dma_wait3A_49] : memref<10112x128xf32, #tpu.memory_space<vmem_shared>> -> memref<104x128xf32, #tpu.memory_space<vmem_shared>>
      %dma_wait3A_51 = arith.constant 0 : i32
      %dma_wait3A_52 = arith.constant 0 : i32
      %dma_wait3A_53 = tpu.memref_slice %arg8[%dma_wait3A_51, %dma_wait3A_52] : memref<125x128xf32, #tpu.memory_space<vmem>> -> memref<104x128xf32, #tpu.memory_space<vmem>>
      tpu.wait_dma2 semaphore(%run_scoped3A : memref<!tpu.dma_semaphore, #tpu.memory_space<semaphore_mem>>) src(%dma_wait3A_53 : memref<104x128xf32, #tpu.memory_space<vmem>>) dst(%dma_wait3A_50 : memref<104x128xf32, #tpu.memory_space<vmem_shared>>)
      tpu.yield
    }) : () -> ()
    %add3A_18 = arith.constant 416 : i32
    %add3A_19 = arith.addi %mul3A_9, %add3A_18 : i32
    "tpu.region"() ({
      %run_scoped3A = tpu.sem_alloc : memref<!tpu.dma_semaphore, #tpu.memory_space<semaphore_mem>>
      %dma_start3A = arith.constant 0 : i32
      %dma_start3A_36 = arith.constant 0 : i32
      %dma_start3A_37 = tpu.memref_slice %arg8[%dma_start3A, %dma_start3A_36] : memref<125x128xf32, #tpu.memory_space<vmem>> -> memref<104x128xf32, #tpu.memory_space<vmem>>
      %dma_start3A_38 = arith.constant 0 : i32
      %dma_start3A_39 = tpu.memref_slice %arg9[%add3A_19, %dma_start3A_38] : memref<10112x128xf32, #tpu.memory_space<vmem_shared>> -> memref<104x128xf32, #tpu.memory_space<vmem_shared>>
      %dma_start3A_40 = arith.constant 0 : i32
      %dma_start3A_41 = tpu.memref_slice %arg9[%add3A_19, %dma_start3A_40] : memref<10112x128xf32, #tpu.memory_space<vmem_shared>> -> memref<104x128xf32, #tpu.memory_space<vmem_shared>>
      %dma_start3A_42 = arith.constant 0 : i32
      %dma_start3A_43 = arith.constant 0 : i32
      %dma_start3A_44 = tpu.memref_slice %arg8[%dma_start3A_42, %dma_start3A_43] : memref<125x128xf32, #tpu.memory_space<vmem>> -> memref<104x128xf32, #tpu.memory_space<vmem>>
      tpu.enqueue_dma source(%dma_start3A_44 : memref<104x128xf32, #tpu.memory_space<vmem>>) target(%dma_start3A_41 : memref<104x128xf32, #tpu.memory_space<vmem_shared>>) target_semaphore(%run_scoped3A : memref<!tpu.dma_semaphore, #tpu.memory_space<semaphore_mem>>)
      %dma_wait3A = arith.constant 0 : i32
      %dma_wait3A_45 = arith.constant 0 : i32
      %dma_wait3A_46 = tpu.memref_slice %arg8[%dma_wait3A, %dma_wait3A_45] : memref<125x128xf32, #tpu.memory_space<vmem>> -> memref<104x128xf32, #tpu.memory_space<vmem>>
      %dma_wait3A_47 = arith.constant 0 : i32
      %dma_wait3A_48 = tpu.memref_slice %arg9[%add3A_19, %dma_wait3A_47] : memref<10112x128xf32, #tpu.memory_space<vmem_shared>> -> memref<104x128xf32, #tpu.memory_space<vmem_shared>>
      %dma_wait3A_49 = arith.constant 0 : i32
      %dma_wait3A_50 = tpu.memref_slice %arg9[%add3A_19, %dma_wait3A_49] : memref<10112x128xf32, #tpu.memory_space<vmem_shared>> -> memref<104x128xf32, #tpu.memory_space<vmem_shared>>
      %dma_wait3A_51 = arith.constant 0 : i32
      %dma_wait3A_52 = arith.constant 0 : i32
      %dma_wait3A_53 = tpu.memref_slice %arg8[%dma_wait3A_51, %dma_wait3A_52] : memref<125x128xf32, #tpu.memory_space<vmem>> -> memref<104x128xf32, #tpu.memory_space<vmem>>
      tpu.wait_dma2 semaphore(%run_scoped3A : memref<!tpu.dma_semaphore, #tpu.memory_space<semaphore_mem>>) src(%dma_wait3A_53 : memref<104x128xf32, #tpu.memory_space<vmem>>) dst(%dma_wait3A_50 : memref<104x128xf32, #tpu.memory_space<vmem_shared>>)
      tpu.yield
    }) : () -> ()
    %add3A_20 = arith.constant 520 : i32
    %add3A_21 = arith.addi %mul3A_9, %add3A_20 : i32
    "tpu.region"() ({
      %run_scoped3A = tpu.sem_alloc : memref<!tpu.dma_semaphore, #tpu.memory_space<semaphore_mem>>
      %dma_start3A = arith.constant 0 : i32
      %dma_start3A_36 = arith.constant 0 : i32
      %dma_start3A_37 = tpu.memref_slice %arg8[%dma_start3A, %dma_start3A_36] : memref<125x128xf32, #tpu.memory_space<vmem>> -> memref<104x128xf32, #tpu.memory_space<vmem>>
      %dma_start3A_38 = arith.constant 0 : i32
      %dma_start3A_39 = tpu.memref_slice %arg9[%add3A_21, %dma_start3A_38] : memref<10112x128xf32, #tpu.memory_space<vmem_shared>> -> memref<104x128xf32, #tpu.memory_space<vmem_shared>>
      %dma_start3A_40 = arith.constant 0 : i32
      %dma_start3A_41 = tpu.memref_slice %arg9[%add3A_21, %dma_start3A_40] : memref<10112x128xf32, #tpu.memory_space<vmem_shared>> -> memref<104x128xf32, #tpu.memory_space<vmem_shared>>
      %dma_start3A_42 = arith.constant 0 : i32
      %dma_start3A_43 = arith.constant 0 : i32
      %dma_start3A_44 = tpu.memref_slice %arg8[%dma_start3A_42, %dma_start3A_43] : memref<125x128xf32, #tpu.memory_space<vmem>> -> memref<104x128xf32, #tpu.memory_space<vmem>>
      tpu.enqueue_dma source(%dma_start3A_44 : memref<104x128xf32, #tpu.memory_space<vmem>>) target(%dma_start3A_41 : memref<104x128xf32, #tpu.memory_space<vmem_shared>>) target_semaphore(%run_scoped3A : memref<!tpu.dma_semaphore, #tpu.memory_space<semaphore_mem>>)
      %dma_wait3A = arith.constant 0 : i32
      %dma_wait3A_45 = arith.constant 0 : i32
      %dma_wait3A_46 = tpu.memref_slice %arg8[%dma_wait3A, %dma_wait3A_45] : memref<125x128xf32, #tpu.memory_space<vmem>> -> memref<104x128xf32, #tpu.memory_space<vmem>>
      %dma_wait3A_47 = arith.constant 0 : i32
      %dma_wait3A_48 = tpu.memref_slice %arg9[%add3A_21, %dma_wait3A_47] : memref<10112x128xf32, #tpu.memory_space<vmem_shared>> -> memref<104x128xf32, #tpu.memory_space<vmem_shared>>
      %dma_wait3A_49 = arith.constant 0 : i32
      %dma_wait3A_50 = tpu.memref_slice %arg9[%add3A_21, %dma_wait3A_49] : memref<10112x128xf32, #tpu.memory_space<vmem_shared>> -> memref<104x128xf32, #tpu.memory_space<vmem_shared>>
      %dma_wait3A_51 = arith.constant 0 : i32
      %dma_wait3A_52 = arith.constant 0 : i32
      %dma_wait3A_53 = tpu.memref_slice %arg8[%dma_wait3A_51, %dma_wait3A_52] : memref<125x128xf32, #tpu.memory_space<vmem>> -> memref<104x128xf32, #tpu.memory_space<vmem>>
      tpu.wait_dma2 semaphore(%run_scoped3A : memref<!tpu.dma_semaphore, #tpu.memory_space<semaphore_mem>>) src(%dma_wait3A_53 : memref<104x128xf32, #tpu.memory_space<vmem>>) dst(%dma_wait3A_50 : memref<104x128xf32, #tpu.memory_space<vmem_shared>>)
      tpu.yield
    }) : () -> ()
    %add3A_22 = arith.constant 624 : i32
    %add3A_23 = arith.addi %mul3A_9, %add3A_22 : i32
    "tpu.region"() ({
      %run_scoped3A = tpu.sem_alloc : memref<!tpu.dma_semaphore, #tpu.memory_space<semaphore_mem>>
      %dma_start3A = arith.constant 0 : i32
      %dma_start3A_36 = arith.constant 0 : i32
      %dma_start3A_37 = tpu.memref_slice %arg8[%dma_start3A, %dma_start3A_36] : memref<125x128xf32, #tpu.memory_space<vmem>> -> memref<8x128xf32, #tpu.memory_space<vmem>>
      %dma_start3A_38 = arith.constant 0 : i32
      %dma_start3A_39 = tpu.memref_slice %arg9[%add3A_23, %dma_start3A_38] : memref<10112x128xf32, #tpu.memory_space<vmem_shared>> -> memref<8x128xf32, #tpu.memory_space<vmem_shared>>
      %dma_start3A_40 = arith.constant 0 : i32
      %dma_start3A_41 = tpu.memref_slice %arg9[%add3A_23, %dma_start3A_40] : memref<10112x128xf32, #tpu.memory_space<vmem_shared>> -> memref<8x128xf32, #tpu.memory_space<vmem_shared>>
      %dma_start3A_42 = arith.constant 0 : i32
      %dma_start3A_43 = arith.constant 0 : i32
      %dma_start3A_44 = tpu.memref_slice %arg8[%dma_start3A_42, %dma_start3A_43] : memref<125x128xf32, #tpu.memory_space<vmem>> -> memref<8x128xf32, #tpu.memory_space<vmem>>
      tpu.enqueue_dma source(%dma_start3A_44 : memref<8x128xf32, #tpu.memory_space<vmem>>) target(%dma_start3A_41 : memref<8x128xf32, #tpu.memory_space<vmem_shared>>) target_semaphore(%run_scoped3A : memref<!tpu.dma_semaphore, #tpu.memory_space<semaphore_mem>>)
      %dma_wait3A = arith.constant 0 : i32
      %dma_wait3A_45 = arith.constant 0 : i32
      %dma_wait3A_46 = tpu.memref_slice %arg8[%dma_wait3A, %dma_wait3A_45] : memref<125x128xf32, #tpu.memory_space<vmem>> -> memref<8x128xf32, #tpu.memory_space<vmem>>
      %dma_wait3A_47 = arith.constant 0 : i32
      %dma_wait3A_48 = tpu.memref_slice %arg9[%add3A_23, %dma_wait3A_47] : memref<10112x128xf32, #tpu.memory_space<vmem_shared>> -> memref<8x128xf32, #tpu.memory_space<vmem_shared>>
      %dma_wait3A_49 = arith.constant 0 : i32
      %dma_wait3A_50 = tpu.memref_slice %arg9[%add3A_23, %dma_wait3A_49] : memref<10112x128xf32, #tpu.memory_space<vmem_shared>> -> memref<8x128xf32, #tpu.memory_space<vmem_shared>>
      %dma_wait3A_51 = arith.constant 0 : i32
      %dma_wait3A_52 = arith.constant 0 : i32
      %dma_wait3A_53 = tpu.memref_slice %arg8[%dma_wait3A_51, %dma_wait3A_52] : memref<125x128xf32, #tpu.memory_space<vmem>> -> memref<8x128xf32, #tpu.memory_space<vmem>>
      tpu.wait_dma2 semaphore(%run_scoped3A : memref<!tpu.dma_semaphore, #tpu.memory_space<semaphore_mem>>) src(%dma_wait3A_53 : memref<8x128xf32, #tpu.memory_space<vmem>>) dst(%dma_wait3A_50 : memref<8x128xf32, #tpu.memory_space<vmem_shared>>)
      tpu.yield
    }) : () -> ()
    %barrier3A = arith.constant 0 : index
    tpu.barrier barrier_id(%barrier3A)
    %scan3A_24 = arith.constant 0 : i32
    %scan3A_25 = arith.constant 0 : i32
    %scan3A_26 = arith.constant 80 : i32
    %scan3A_27 = arith.addi %scan3A_25, %scan3A_26 : i32
    %scan3A_28 = arith.constant 1 : i32
    %scan3A_29 = scf.for %scan3A_36 = %scan3A_25 to %scan3A_27 step %scan3A_28 iter_args(%scan3A_37 = %scan3A_24) -> (i32)  : i32 {
      %dma_start3A = arith.constant 0 : i32
      %dma_start3A_38 = tpu.memref_slice %arg6[%scan3A_36, %dma_start3A] : memref<80x125xi32, #tpu.memory_space<vmem>> -> memref<1x125xi32, #tpu.memory_space<vmem>>
      %dma_start3A_39 = tpu.memref_squeeze %dma_start3A_38 : memref<1x125xi32, #tpu.memory_space<vmem>> -> memref<125xi32, #tpu.memory_space<vmem>>
      %dma_start3A_40 = arith.constant 0 : i32
      %dma_start3A_41 = arith.constant 0 : i32
      %dma_start3A_42 = tpu.memref_slice %arg2[%dma_start3A_40, %dma_start3A_41] : memref<10000x128xf32, #tpu.memory_space<hbm>> -> memref<10000x128xf32, #tpu.memory_space<hbm>>
      tpu.enqueue_indirect_dma source(%dma_start3A_42 : memref<10000x128xf32, #tpu.memory_space<hbm>>) target(%arg8 : memref<125x128xf32, #tpu.memory_space<vmem>>) offsets(%dma_start3A_39 : memref<125xi32, #tpu.memory_space<vmem>>) semaphore(%arg10 : memref<!tpu.dma_semaphore, #tpu.memory_space<semaphore_mem>>)
      %dma_wait3A = arith.constant 0 : i32
      %dma_wait3A_43 = tpu.memref_slice %arg6[%scan3A_36, %dma_wait3A] : memref<80x125xi32, #tpu.memory_space<vmem>> -> memref<1x125xi32, #tpu.memory_space<vmem>>
      %dma_wait3A_44 = tpu.memref_squeeze %dma_wait3A_43 : memref<1x125xi32, #tpu.memory_space<vmem>> -> memref<125xi32, #tpu.memory_space<vmem>>
      %dma_wait3A_45 = arith.constant 0 : i32
      %dma_wait3A_46 = arith.constant 0 : i32
      %dma_wait3A_47 = tpu.memref_slice %arg2[%dma_wait3A_45, %dma_wait3A_46] : memref<10000x128xf32, #tpu.memory_space<hbm>> -> memref<10000x128xf32, #tpu.memory_space<hbm>>
      tpu.wait_indirect_dma semaphore(%arg10 : memref<!tpu.dma_semaphore, #tpu.memory_space<semaphore_mem>>) src(%dma_wait3A_47 : memref<10000x128xf32, #tpu.memory_space<hbm>>) dst(%arg8 : memref<125x128xf32, #tpu.memory_space<vmem>>)
      "tpu.region"() ({
        %run_scoped3A = tpu.sem_alloc : memref<!tpu.dma_semaphore, #tpu.memory_space<semaphore_mem>>
        %dma_start3A_49 = arith.constant 0 : i32
        %dma_start3A_50 = tpu.memref_slice %arg7[%scan3A_36, %dma_start3A_49] : memref<80x125xi32, #tpu.memory_space<vmem>> -> memref<1x125xi32, #tpu.memory_space<vmem>>
        %dma_start3A_51 = tpu.memref_squeeze %dma_start3A_50 : memref<1x125xi32, #tpu.memory_space<vmem>> -> memref<125xi32, #tpu.memory_space<vmem>>
        %dma_start3A_52 = arith.constant 0 : i32
        %dma_start3A_53 = arith.constant 0 : i32
        %dma_start3A_54 = tpu.memref_slice %arg9[%dma_start3A_52, %dma_start3A_53] : memref<10112x128xf32, #tpu.memory_space<vmem_shared>> -> memref<10112x128xf32, #tpu.memory_space<vmem_shared>>
        tpu.enqueue_indirect_dma source(%arg8 : memref<125x128xf32, #tpu.memory_space<vmem>>) target(%dma_start3A_54 : memref<10112x128xf32, #tpu.memory_space<vmem_shared>>) offsets(%dma_start3A_51 : memref<125xi32, #tpu.memory_space<vmem>>) semaphore(%run_scoped3A : memref<!tpu.dma_semaphore, #tpu.memory_space<semaphore_mem>>) {add = true}
        %dma_wait3A_55 = arith.constant 0 : i32
        %dma_wait3A_56 = tpu.memref_slice %arg7[%scan3A_36, %dma_wait3A_55] : memref<80x125xi32, #tpu.memory_space<vmem>> -> memref<1x125xi32, #tpu.memory_space<vmem>>
        %dma_wait3A_57 = tpu.memref_squeeze %dma_wait3A_56 : memref<1x125xi32, #tpu.memory_space<vmem>> -> memref<125xi32, #tpu.memory_space<vmem>>
        %dma_wait3A_58 = arith.constant 0 : i32
        %dma_wait3A_59 = arith.constant 0 : i32
        %dma_wait3A_60 = tpu.memref_slice %arg9[%dma_wait3A_58, %dma_wait3A_59] : memref<10112x128xf32, #tpu.memory_space<vmem_shared>> -> memref<10112x128xf32, #tpu.memory_space<vmem_shared>>
        tpu.wait_indirect_dma semaphore(%run_scoped3A : memref<!tpu.dma_semaphore, #tpu.memory_space<semaphore_mem>>) src(%arg8 : memref<125x128xf32, #tpu.memory_space<vmem>>) dst(%dma_wait3A_60 : memref<10112x128xf32, #tpu.memory_space<vmem_shared>>)
        tpu.yield
      }) : () -> ()
      %scan3A_48 = arith.constant 0 : i32
      scf.yield %scan3A_48 : i32
    }
    %scan3A_30 = arith.constant 80 : i32
    %barrier3A_31 = arith.constant 0 : index
    tpu.barrier barrier_id(%barrier3A_31)
    %mul3A_32 = arith.constant 624 : i32
    %mul3A_33 = arith.muli %arg1, %mul3A_32 : i32
    "tpu.region"() ({
      %run_scoped3A = tpu.sem_alloc : memref<!tpu.dma_semaphore, #tpu.memory_space<semaphore_mem>>
      %dma_start3A = arith.constant 0 : i32
      %dma_start3A_36 = tpu.memref_slice %arg5[%arg0, %mul3A_33, %dma_start3A] : memref<2x10000x128xf32, #tpu.memory_space<hbm>> -> memref<1x624x128xf32, #tpu.memory_space<hbm>>
      %dma_start3A_37 = tpu.memref_squeeze %dma_start3A_36 : memref<1x624x128xf32, #tpu.memory_space<hbm>> -> memref<624x128xf32, #tpu.memory_space<hbm>>
      %dma_start3A_38 = arith.constant 0 : i32
      %dma_start3A_39 = tpu.memref_slice %arg9[%mul3A_33, %dma_start3A_38] : memref<10112x128xf32, #tpu.memory_space<vmem_shared>> -> memref<624x128xf32, #tpu.memory_space<vmem_shared>>
      tpu.enqueue_dma source(%dma_start3A_39 : memref<624x128xf32, #tpu.memory_space<vmem_shared>>) target(%dma_start3A_37 : memref<624x128xf32, #tpu.memory_space<hbm>>) target_semaphore(%run_scoped3A : memref<!tpu.dma_semaphore, #tpu.memory_space<semaphore_mem>>)
      %dma_wait3A = arith.constant 0 : i32
      %dma_wait3A_40 = tpu.memref_slice %arg5[%arg0, %mul3A_33, %dma_wait3A] : memref<2x10000x128xf32, #tpu.memory_space<hbm>> -> memref<1x624x128xf32, #tpu.memory_space<hbm>>
      %dma_wait3A_41 = tpu.memref_squeeze %dma_wait3A_40 : memref<1x624x128xf32, #tpu.memory_space<hbm>> -> memref<624x128xf32, #tpu.memory_space<hbm>>
      %dma_wait3A_42 = arith.constant 0 : i32
      %dma_wait3A_43 = tpu.memref_slice %arg9[%mul3A_33, %dma_wait3A_42] : memref<10112x128xf32, #tpu.memory_space<vmem_shared>> -> memref<624x128xf32, #tpu.memory_space<vmem_shared>>
      tpu.wait_dma2 semaphore(%run_scoped3A : memref<!tpu.dma_semaphore, #tpu.memory_space<semaphore_mem>>) src(%dma_wait3A_43 : memref<624x128xf32, #tpu.memory_space<vmem_shared>>) dst(%dma_wait3A_41 : memref<624x128xf32, #tpu.memory_space<hbm>>)
      tpu.yield
    }) : () -> ()
    %eq3A = arith.constant 15 : i32
    %eq3A_34 = arith.cmpi eq, %arg1, %eq3A : i32
    %convert_element_type3A = arith.extui %eq3A_34 : i1 to i32
    %cond3A = arith.constant 0 : i32
    %cond3A_35 = arith.cmpi ne, %convert_element_type3A, %cond3A : i32
    scf.if %cond3A_35 {
      "tpu.region"() ({
        %run_scoped3A = tpu.sem_alloc : memref<!tpu.dma_semaphore, #tpu.memory_space<semaphore_mem>>
        %dma_start3A = arith.constant 9984 : i32
        %dma_start3A_36 = arith.constant 0 : i32
        %dma_start3A_37 = tpu.memref_slice %arg5[%arg0, %dma_start3A, %dma_start3A_36] : memref<2x10000x128xf32, #tpu.memory_space<hbm>> -> memref<1x16x128xf32, #tpu.memory_space<hbm>>
        %dma_start3A_38 = tpu.memref_squeeze %dma_start3A_37 : memref<1x16x128xf32, #tpu.memory_space<hbm>> -> memref<16x128xf32, #tpu.memory_space<hbm>>
        %dma_start3A_39 = arith.constant 9984 : i32
        %dma_start3A_40 = arith.constant 0 : i32
        %dma_start3A_41 = tpu.memref_slice %arg9[%dma_start3A_39, %dma_start3A_40] : memref<10112x128xf32, #tpu.memory_space<vmem_shared>> -> memref<16x128xf32, #tpu.memory_space<vmem_shared>>
        tpu.enqueue_dma source(%dma_start3A_41 : memref<16x128xf32, #tpu.memory_space<vmem_shared>>) target(%dma_start3A_38 : memref<16x128xf32, #tpu.memory_space<hbm>>) target_semaphore(%run_scoped3A : memref<!tpu.dma_semaphore, #tpu.memory_space<semaphore_mem>>)
        %dma_wait3A = arith.constant 9984 : i32
        %dma_wait3A_42 = arith.constant 0 : i32
        %dma_wait3A_43 = tpu.memref_slice %arg5[%arg0, %dma_wait3A, %dma_wait3A_42] : memref<2x10000x128xf32, #tpu.memory_space<hbm>> -> memref<1x16x128xf32, #tpu.memory_space<hbm>>
        %dma_wait3A_44 = tpu.memref_squeeze %dma_wait3A_43 : memref<1x16x128xf32, #tpu.memory_space<hbm>> -> memref<16x128xf32, #tpu.memory_space<hbm>>
        %dma_wait3A_45 = arith.constant 9984 : i32
        %dma_wait3A_46 = arith.constant 0 : i32
        %dma_wait3A_47 = tpu.memref_slice %arg9[%dma_wait3A_45, %dma_wait3A_46] : memref<10112x128xf32, #tpu.memory_space<vmem_shared>> -> memref<16x128xf32, #tpu.memory_space<vmem_shared>>
        tpu.wait_dma2 semaphore(%run_scoped3A : memref<!tpu.dma_semaphore, #tpu.memory_space<semaphore_mem>>) src(%dma_wait3A_47 : memref<16x128xf32, #tpu.memory_space<vmem_shared>>) dst(%dma_wait3A_44 : memref<16x128xf32, #tpu.memory_space<hbm>>)
        tpu.yield
      }) : () -> ()
    } else {
    }
    return
  }
}

#map = affine_map<(d0, d1) -> (0, 0)>
#map1 = affine_map<(d0, d1) -> (0, 0, 0)>
module attributes {stable_mosaic.version = 14 : i64} {
  func.func @_agg_kernel(%arg0: i32, %arg1: i32, %arg2: memref<10000x128xf32, #tpu.memory_space<hbm>>, %arg3: memref<32x80x125xi32, #tpu.memory_space<hbm>>, %arg4: memref<32x80x125xi32, #tpu.memory_space<hbm>>, %arg5: memref<2x10000x128xf32, #tpu.memory_space<hbm>>, %arg6: memref<80x125xi32, #tpu.memory_space<vmem>>, %arg7: memref<80x125xi32, #tpu.memory_space<vmem>>, %arg8: memref<125x128xf32, #tpu.memory_space<vmem>>, %arg9: memref<10112x128xf32, #tpu.memory_space<vmem_shared>>, %arg10: memref<!tpu.dma_semaphore, #tpu.memory_space<semaphore_mem>>) attributes {dimension_semantics = [#tpu.dimension_semantics<core_parallel>, #tpu.dimension_semantics<subcore_parallel>], iteration_bounds = array<i64: 2, 16>, scalar_prefetch = 0 : i64, scratch_operands = 5 : i64, tpu.core_type = #tpu.core_type<sc_vector_subcore>, window_params = [{transform_indices = #map}, {transform_indices = #map1}, {transform_indices = #map1}, {transform_indices = #map1}]} {
    %mul3A = arith.constant 16 : i32
    %mul3A_0 = arith.muli %arg0, %mul3A : i32
    %add3A = arith.addi %mul3A_0, %arg1 : i32
    "tpu.region"() ({
      %run_scoped3A = tpu.sem_alloc : memref<!tpu.dma_semaphore, #tpu.memory_space<semaphore_mem>>
      %dma_start3A = arith.constant 0 : i32
      %dma_start3A_36 = arith.constant 0 : i32
      %dma_start3A_37 = tpu.memref_slice %arg3[%add3A, %dma_start3A, %dma_start3A_36] : memref<32x80x125xi32, #tpu.memory_space<hbm>> -> memref<1x80x125xi32, #tpu.memory_space<hbm>>
      %dma_start3A_38 = tpu.memref_squeeze %dma_start3A_37 : memref<1x80x125xi32, #tpu.memory_space<hbm>> -> memref<80x125xi32, #tpu.memory_space<hbm>>
      %dma_start3A_39 = arith.constant 0 : i32
      %dma_start3A_40 = arith.constant 0 : i32
      %dma_start3A_41 = tpu.memref_slice %arg3[%add3A, %dma_start3A_39, %dma_start3A_40] : memref<32x80x125xi32, #tpu.memory_space<hbm>> -> memref<1x80x125xi32, #tpu.memory_space<hbm>>
      %dma_start3A_42 = tpu.memref_squeeze %dma_start3A_41 : memref<1x80x125xi32, #tpu.memory_space<hbm>> -> memref<80x125xi32, #tpu.memory_space<hbm>>
      tpu.enqueue_dma source(%dma_start3A_42 : memref<80x125xi32, #tpu.memory_space<hbm>>) target(%arg6 : memref<80x125xi32, #tpu.memory_space<vmem>>) target_semaphore(%run_scoped3A : memref<!tpu.dma_semaphore, #tpu.memory_space<semaphore_mem>>)
      %dma_wait3A = arith.constant 0 : i32
      %dma_wait3A_43 = arith.constant 0 : i32
      %dma_wait3A_44 = tpu.memref_slice %arg3[%add3A, %dma_wait3A, %dma_wait3A_43] : memref<32x80x125xi32, #tpu.memory_space<hbm>> -> memref<1x80x125xi32, #tpu.memory_space<hbm>>
      %dma_wait3A_45 = tpu.memref_squeeze %dma_wait3A_44 : memref<1x80x125xi32, #tpu.memory_space<hbm>> -> memref<80x125xi32, #tpu.memory_space<hbm>>
      %dma_wait3A_46 = arith.constant 0 : i32
      %dma_wait3A_47 = arith.constant 0 : i32
      %dma_wait3A_48 = tpu.memref_slice %arg3[%add3A, %dma_wait3A_46, %dma_wait3A_47] : memref<32x80x125xi32, #tpu.memory_space<hbm>> -> memref<1x80x125xi32, #tpu.memory_space<hbm>>
      %dma_wait3A_49 = tpu.memref_squeeze %dma_wait3A_48 : memref<1x80x125xi32, #tpu.memory_space<hbm>> -> memref<80x125xi32, #tpu.memory_space<hbm>>
      tpu.wait_dma2 semaphore(%run_scoped3A : memref<!tpu.dma_semaphore, #tpu.memory_space<semaphore_mem>>) src(%dma_wait3A_49 : memref<80x125xi32, #tpu.memory_space<hbm>>) dst(%arg6 : memref<80x125xi32, #tpu.memory_space<vmem>>)
      tpu.yield
    }) : () -> ()
    "tpu.region"() ({
      %run_scoped3A = tpu.sem_alloc : memref<!tpu.dma_semaphore, #tpu.memory_space<semaphore_mem>>
      %dma_start3A = arith.constant 0 : i32
      %dma_start3A_36 = arith.constant 0 : i32
      %dma_start3A_37 = tpu.memref_slice %arg4[%add3A, %dma_start3A, %dma_start3A_36] : memref<32x80x125xi32, #tpu.memory_space<hbm>> -> memref<1x80x125xi32, #tpu.memory_space<hbm>>
      %dma_start3A_38 = tpu.memref_squeeze %dma_start3A_37 : memref<1x80x125xi32, #tpu.memory_space<hbm>> -> memref<80x125xi32, #tpu.memory_space<hbm>>
      %dma_start3A_39 = arith.constant 0 : i32
      %dma_start3A_40 = arith.constant 0 : i32
      %dma_start3A_41 = tpu.memref_slice %arg4[%add3A, %dma_start3A_39, %dma_start3A_40] : memref<32x80x125xi32, #tpu.memory_space<hbm>> -> memref<1x80x125xi32, #tpu.memory_space<hbm>>
      %dma_start3A_42 = tpu.memref_squeeze %dma_start3A_41 : memref<1x80x125xi32, #tpu.memory_space<hbm>> -> memref<80x125xi32, #tpu.memory_space<hbm>>
      tpu.enqueue_dma source(%dma_start3A_42 : memref<80x125xi32, #tpu.memory_space<hbm>>) target(%arg7 : memref<80x125xi32, #tpu.memory_space<vmem>>) target_semaphore(%run_scoped3A : memref<!tpu.dma_semaphore, #tpu.memory_space<semaphore_mem>>)
      %dma_wait3A = arith.constant 0 : i32
      %dma_wait3A_43 = arith.constant 0 : i32
      %dma_wait3A_44 = tpu.memref_slice %arg4[%add3A, %dma_wait3A, %dma_wait3A_43] : memref<32x80x125xi32, #tpu.memory_space<hbm>> -> memref<1x80x125xi32, #tpu.memory_space<hbm>>
      %dma_wait3A_45 = tpu.memref_squeeze %dma_wait3A_44 : memref<1x80x125xi32, #tpu.memory_space<hbm>> -> memref<80x125xi32, #tpu.memory_space<hbm>>
      %dma_wait3A_46 = arith.constant 0 : i32
      %dma_wait3A_47 = arith.constant 0 : i32
      %dma_wait3A_48 = tpu.memref_slice %arg4[%add3A, %dma_wait3A_46, %dma_wait3A_47] : memref<32x80x125xi32, #tpu.memory_space<hbm>> -> memref<1x80x125xi32, #tpu.memory_space<hbm>>
      %dma_wait3A_49 = tpu.memref_squeeze %dma_wait3A_48 : memref<1x80x125xi32, #tpu.memory_space<hbm>> -> memref<80x125xi32, #tpu.memory_space<hbm>>
      tpu.wait_dma2 semaphore(%run_scoped3A : memref<!tpu.dma_semaphore, #tpu.memory_space<semaphore_mem>>) src(%dma_wait3A_49 : memref<80x125xi32, #tpu.memory_space<hbm>>) dst(%arg7 : memref<80x125xi32, #tpu.memory_space<vmem>>)
      tpu.yield
    }) : () -> ()
    %broadcast_in_dim3A = arith.constant 0.000000e+00 : f32
    %broadcast_in_dim3A_1 = vector.broadcast %broadcast_in_dim3A : f32 to vector<16xf32>
    %scan3A = arith.constant 0 : i32
    %scan3A_2 = arith.constant 0 : i32
    %scan3A_3 = arith.constant 125 : i32
    %scan3A_4 = arith.addi %scan3A_2, %scan3A_3 : i32
    %scan3A_5 = arith.constant 1 : i32
    %scan3A_6 = scf.for %scan3A_36 = %scan3A_2 to %scan3A_4 step %scan3A_5 iter_args(%scan3A_37 = %scan3A) -> (i32)  : i32 {
      %swap3A = arith.index_cast %scan3A_36 : i32 to index
      %swap3A_38 = arith.constant 0 : index
      %swap3A_39 = tpu.vector_load %arg8[%swap3A, %swap3A_38] {strides = array<i32>} : memref<125x128xf32, #tpu.memory_space<vmem>>, vector<1x16xf32>,
      %swap3A_40 = vector.shape_cast %swap3A_39 : vector<1x16xf32> to vector<16xf32>
      %swap3A_41 = vector.shape_cast %broadcast_in_dim3A_1 : vector<16xf32> to vector<1x16xf32>
      tpu.vector_store %arg8[%swap3A, %swap3A_38], %swap3A_41 {strides = array<i32>} : memref<125x128xf32, #tpu.memory_space<vmem>>, vector<1x16xf32>,
      %swap3A_42 = arith.index_cast %scan3A_36 : i32 to index
      %swap3A_43 = arith.constant 16 : index
      %swap3A_44 = tpu.vector_load %arg8[%swap3A_42, %swap3A_43] {strides = array<i32>} : memref<125x128xf32, #tpu.memory_space<vmem>>, vector<1x16xf32>,
      %swap3A_45 = vector.shape_cast %swap3A_44 : vector<1x16xf32> to vector<16xf32>
      %swap3A_46 = vector.shape_cast %broadcast_in_dim3A_1 : vector<16xf32> to vector<1x16xf32>
      tpu.vector_store %arg8[%swap3A_42, %swap3A_43], %swap3A_46 {strides = array<i32>} : memref<125x128xf32, #tpu.memory_space<vmem>>, vector<1x16xf32>,
      %swap3A_47 = arith.index_cast %scan3A_36 : i32 to index
      %swap3A_48 = arith.constant 32 : index
      %swap3A_49 = tpu.vector_load %arg8[%swap3A_47, %swap3A_48] {strides = array<i32>} : memref<125x128xf32, #tpu.memory_space<vmem>>, vector<1x16xf32>,
      %swap3A_50 = vector.shape_cast %swap3A_49 : vector<1x16xf32> to vector<16xf32>
      %swap3A_51 = vector.shape_cast %broadcast_in_dim3A_1 : vector<16xf32> to vector<1x16xf32>
      tpu.vector_store %arg8[%swap3A_47, %swap3A_48], %swap3A_51 {strides = array<i32>} : memref<125x128xf32, #tpu.memory_space<vmem>>, vector<1x16xf32>,
      %swap3A_52 = arith.index_cast %scan3A_36 : i32 to index
      %swap3A_53 = arith.constant 48 : index
      %swap3A_54 = tpu.vector_load %arg8[%swap3A_52, %swap3A_53] {strides = array<i32>} : memref<125x128xf32, #tpu.memory_space<vmem>>, vector<1x16xf32>,
      %swap3A_55 = vector.shape_cast %swap3A_54 : vector<1x16xf32> to vector<16xf32>
      %swap3A_56 = vector.shape_cast %broadcast_in_dim3A_1 : vector<16xf32> to vector<1x16xf32>
      tpu.vector_store %arg8[%swap3A_52, %swap3A_53], %swap3A_56 {strides = array<i32>} : memref<125x128xf32, #tpu.memory_space<vmem>>, vector<1x16xf32>,
      %swap3A_57 = arith.index_cast %scan3A_36 : i32 to index
      %swap3A_58 = arith.constant 64 : index
      %swap3A_59 = tpu.vector_load %arg8[%swap3A_57, %swap3A_58] {strides = array<i32>} : memref<125x128xf32, #tpu.memory_space<vmem>>, vector<1x16xf32>,
      %swap3A_60 = vector.shape_cast %swap3A_59 : vector<1x16xf32> to vector<16xf32>
      %swap3A_61 = vector.shape_cast %broadcast_in_dim3A_1 : vector<16xf32> to vector<1x16xf32>
      tpu.vector_store %arg8[%swap3A_57, %swap3A_58], %swap3A_61 {strides = array<i32>} : memref<125x128xf32, #tpu.memory_space<vmem>>, vector<1x16xf32>,
      %swap3A_62 = arith.index_cast %scan3A_36 : i32 to index
      %swap3A_63 = arith.constant 80 : index
      %swap3A_64 = tpu.vector_load %arg8[%swap3A_62, %swap3A_63] {strides = array<i32>} : memref<125x128xf32, #tpu.memory_space<vmem>>, vector<1x16xf32>,
      %swap3A_65 = vector.shape_cast %swap3A_64 : vector<1x16xf32> to vector<16xf32>
      %swap3A_66 = vector.shape_cast %broadcast_in_dim3A_1 : vector<16xf32> to vector<1x16xf32>
      tpu.vector_store %arg8[%swap3A_62, %swap3A_63], %swap3A_66 {strides = array<i32>} : memref<125x128xf32, #tpu.memory_space<vmem>>, vector<1x16xf32>,
      %swap3A_67 = arith.index_cast %scan3A_36 : i32 to index
      %swap3A_68 = arith.constant 96 : index
      %swap3A_69 = tpu.vector_load %arg8[%swap3A_67, %swap3A_68] {strides = array<i32>} : memref<125x128xf32, #tpu.memory_space<vmem>>, vector<1x16xf32>,
      %swap3A_70 = vector.shape_cast %swap3A_69 : vector<1x16xf32> to vector<16xf32>
      %swap3A_71 = vector.shape_cast %broadcast_in_dim3A_1 : vector<16xf32> to vector<1x16xf32>
      tpu.vector_store %arg8[%swap3A_67, %swap3A_68], %swap3A_71 {strides = array<i32>} : memref<125x128xf32, #tpu.memory_space<vmem>>, vector<1x16xf32>,
      %swap3A_72 = arith.index_cast %scan3A_36 : i32 to index
      %swap3A_73 = arith.constant 112 : index
      %swap3A_74 = tpu.vector_load %arg8[%swap3A_72, %swap3A_73] {strides = array<i32>} : memref<125x128xf32, #tpu.memory_space<vmem>>, vector<1x16xf32>,
      %swap3A_75 = vector.shape_cast %swap3A_74 : vector<1x16xf32> to vector<16xf32>
      %swap3A_76 = vector.shape_cast %broadcast_in_dim3A_1 : vector<16xf32> to vector<1x16xf32>
      tpu.vector_store %arg8[%swap3A_72, %swap3A_73], %swap3A_76 {strides = array<i32>} : memref<125x128xf32, #tpu.memory_space<vmem>>, vector<1x16xf32>,
      %scan3A_77 = arith.constant 0 : i32
      scf.yield %scan3A_77 : i32
    }
    %scan3A_7 = arith.constant 125 : i32
    %mul3A_8 = arith.constant 632 : i32
    %mul3A_9 = arith.muli %arg1, %mul3A_8 : i32
    %add3A_10 = arith.constant 0 : i32
    %add3A_11 = arith.addi %mul3A_9, %add3A_10 : i32
    "tpu.region"() ({
      %run_scoped3A = tpu.sem_alloc : memref<!tpu.dma_semaphore, #tpu.memory_space<semaphore_mem>>
      %dma_start3A = arith.constant 0 : i32
      %dma_start3A_36 = arith.constant 0 : i32
      %dma_start3A_37 = tpu.memref_slice %arg8[%dma_start3A, %dma_start3A_36] : memref<125x128xf32, #tpu.memory_space<vmem>> -> memref<104x128xf32, #tpu.memory_space<vmem>>
      %dma_start3A_38 = arith.constant 0 : i32
      %dma_start3A_39 = tpu.memref_slice %arg9[%add3A_11, %dma_start3A_38] : memref<10112x128xf32, #tpu.memory_space<vmem_shared>> -> memref<104x128xf32, #tpu.memory_space<vmem_shared>>
      %dma_start3A_40 = arith.constant 0 : i32
      %dma_start3A_41 = tpu.memref_slice %arg9[%add3A_11, %dma_start3A_40] : memref<10112x128xf32, #tpu.memory_space<vmem_shared>> -> memref<104x128xf32, #tpu.memory_space<vmem_shared>>
      %dma_start3A_42 = arith.constant 0 : i32
      %dma_start3A_43 = arith.constant 0 : i32
      %dma_start3A_44 = tpu.memref_slice %arg8[%dma_start3A_42, %dma_start3A_43] : memref<125x128xf32, #tpu.memory_space<vmem>> -> memref<104x128xf32, #tpu.memory_space<vmem>>
      tpu.enqueue_dma source(%dma_start3A_44 : memref<104x128xf32, #tpu.memory_space<vmem>>) target(%dma_start3A_41 : memref<104x128xf32, #tpu.memory_space<vmem_shared>>) target_semaphore(%run_scoped3A : memref<!tpu.dma_semaphore, #tpu.memory_space<semaphore_mem>>)
      %dma_wait3A = arith.constant 0 : i32
      %dma_wait3A_45 = arith.constant 0 : i32
      %dma_wait3A_46 = tpu.memref_slice %arg8[%dma_wait3A, %dma_wait3A_45] : memref<125x128xf32, #tpu.memory_space<vmem>> -> memref<104x128xf32, #tpu.memory_space<vmem>>
      %dma_wait3A_47 = arith.constant 0 : i32
      %dma_wait3A_48 = tpu.memref_slice %arg9[%add3A_11, %dma_wait3A_47] : memref<10112x128xf32, #tpu.memory_space<vmem_shared>> -> memref<104x128xf32, #tpu.memory_space<vmem_shared>>
      %dma_wait3A_49 = arith.constant 0 : i32
      %dma_wait3A_50 = tpu.memref_slice %arg9[%add3A_11, %dma_wait3A_49] : memref<10112x128xf32, #tpu.memory_space<vmem_shared>> -> memref<104x128xf32, #tpu.memory_space<vmem_shared>>
      %dma_wait3A_51 = arith.constant 0 : i32
      %dma_wait3A_52 = arith.constant 0 : i32
      %dma_wait3A_53 = tpu.memref_slice %arg8[%dma_wait3A_51, %dma_wait3A_52] : memref<125x128xf32, #tpu.memory_space<vmem>> -> memref<104x128xf32, #tpu.memory_space<vmem>>
      tpu.wait_dma2 semaphore(%run_scoped3A : memref<!tpu.dma_semaphore, #tpu.memory_space<semaphore_mem>>) src(%dma_wait3A_53 : memref<104x128xf32, #tpu.memory_space<vmem>>) dst(%dma_wait3A_50 : memref<104x128xf32, #tpu.memory_space<vmem_shared>>)
      tpu.yield
    }) : () -> ()
    %add3A_12 = arith.constant 104 : i32
    %add3A_13 = arith.addi %mul3A_9, %add3A_12 : i32
    "tpu.region"() ({
      %run_scoped3A = tpu.sem_alloc : memref<!tpu.dma_semaphore, #tpu.memory_space<semaphore_mem>>
      %dma_start3A = arith.constant 0 : i32
      %dma_start3A_36 = arith.constant 0 : i32
      %dma_start3A_37 = tpu.memref_slice %arg8[%dma_start3A, %dma_start3A_36] : memref<125x128xf32, #tpu.memory_space<vmem>> -> memref<104x128xf32, #tpu.memory_space<vmem>>
      %dma_start3A_38 = arith.constant 0 : i32
      %dma_start3A_39 = tpu.memref_slice %arg9[%add3A_13, %dma_start3A_38] : memref<10112x128xf32, #tpu.memory_space<vmem_shared>> -> memref<104x128xf32, #tpu.memory_space<vmem_shared>>
      %dma_start3A_40 = arith.constant 0 : i32
      %dma_start3A_41 = tpu.memref_slice %arg9[%add3A_13, %dma_start3A_40] : memref<10112x128xf32, #tpu.memory_space<vmem_shared>> -> memref<104x128xf32, #tpu.memory_space<vmem_shared>>
      %dma_start3A_42 = arith.constant 0 : i32
      %dma_start3A_43 = arith.constant 0 : i32
      %dma_start3A_44 = tpu.memref_slice %arg8[%dma_start3A_42, %dma_start3A_43] : memref<125x128xf32, #tpu.memory_space<vmem>> -> memref<104x128xf32, #tpu.memory_space<vmem>>
      tpu.enqueue_dma source(%dma_start3A_44 : memref<104x128xf32, #tpu.memory_space<vmem>>) target(%dma_start3A_41 : memref<104x128xf32, #tpu.memory_space<vmem_shared>>) target_semaphore(%run_scoped3A : memref<!tpu.dma_semaphore, #tpu.memory_space<semaphore_mem>>)
      %dma_wait3A = arith.constant 0 : i32
      %dma_wait3A_45 = arith.constant 0 : i32
      %dma_wait3A_46 = tpu.memref_slice %arg8[%dma_wait3A, %dma_wait3A_45] : memref<125x128xf32, #tpu.memory_space<vmem>> -> memref<104x128xf32, #tpu.memory_space<vmem>>
      %dma_wait3A_47 = arith.constant 0 : i32
      %dma_wait3A_48 = tpu.memref_slice %arg9[%add3A_13, %dma_wait3A_47] : memref<10112x128xf32, #tpu.memory_space<vmem_shared>> -> memref<104x128xf32, #tpu.memory_space<vmem_shared>>
      %dma_wait3A_49 = arith.constant 0 : i32
      %dma_wait3A_50 = tpu.memref_slice %arg9[%add3A_13, %dma_wait3A_49] : memref<10112x128xf32, #tpu.memory_space<vmem_shared>> -> memref<104x128xf32, #tpu.memory_space<vmem_shared>>
      %dma_wait3A_51 = arith.constant 0 : i32
      %dma_wait3A_52 = arith.constant 0 : i32
      %dma_wait3A_53 = tpu.memref_slice %arg8[%dma_wait3A_51, %dma_wait3A_52] : memref<125x128xf32, #tpu.memory_space<vmem>> -> memref<104x128xf32, #tpu.memory_space<vmem>>
      tpu.wait_dma2 semaphore(%run_scoped3A : memref<!tpu.dma_semaphore, #tpu.memory_space<semaphore_mem>>) src(%dma_wait3A_53 : memref<104x128xf32, #tpu.memory_space<vmem>>) dst(%dma_wait3A_50 : memref<104x128xf32, #tpu.memory_space<vmem_shared>>)
      tpu.yield
    }) : () -> ()
    %add3A_14 = arith.constant 208 : i32
    %add3A_15 = arith.addi %mul3A_9, %add3A_14 : i32
    "tpu.region"() ({
      %run_scoped3A = tpu.sem_alloc : memref<!tpu.dma_semaphore, #tpu.memory_space<semaphore_mem>>
      %dma_start3A = arith.constant 0 : i32
      %dma_start3A_36 = arith.constant 0 : i32
      %dma_start3A_37 = tpu.memref_slice %arg8[%dma_start3A, %dma_start3A_36] : memref<125x128xf32, #tpu.memory_space<vmem>> -> memref<104x128xf32, #tpu.memory_space<vmem>>
      %dma_start3A_38 = arith.constant 0 : i32
      %dma_start3A_39 = tpu.memref_slice %arg9[%add3A_15, %dma_start3A_38] : memref<10112x128xf32, #tpu.memory_space<vmem_shared>> -> memref<104x128xf32, #tpu.memory_space<vmem_shared>>
      %dma_start3A_40 = arith.constant 0 : i32
      %dma_start3A_41 = tpu.memref_slice %arg9[%add3A_15, %dma_start3A_40] : memref<10112x128xf32, #tpu.memory_space<vmem_shared>> -> memref<104x128xf32, #tpu.memory_space<vmem_shared>>
      %dma_start3A_42 = arith.constant 0 : i32
      %dma_start3A_43 = arith.constant 0 : i32
      %dma_start3A_44 = tpu.memref_slice %arg8[%dma_start3A_42, %dma_start3A_43] : memref<125x128xf32, #tpu.memory_space<vmem>> -> memref<104x128xf32, #tpu.memory_space<vmem>>
      tpu.enqueue_dma source(%dma_start3A_44 : memref<104x128xf32, #tpu.memory_space<vmem>>) target(%dma_start3A_41 : memref<104x128xf32, #tpu.memory_space<vmem_shared>>) target_semaphore(%run_scoped3A : memref<!tpu.dma_semaphore, #tpu.memory_space<semaphore_mem>>)
      %dma_wait3A = arith.constant 0 : i32
      %dma_wait3A_45 = arith.constant 0 : i32
      %dma_wait3A_46 = tpu.memref_slice %arg8[%dma_wait3A, %dma_wait3A_45] : memref<125x128xf32, #tpu.memory_space<vmem>> -> memref<104x128xf32, #tpu.memory_space<vmem>>
      %dma_wait3A_47 = arith.constant 0 : i32
      %dma_wait3A_48 = tpu.memref_slice %arg9[%add3A_15, %dma_wait3A_47] : memref<10112x128xf32, #tpu.memory_space<vmem_shared>> -> memref<104x128xf32, #tpu.memory_space<vmem_shared>>
      %dma_wait3A_49 = arith.constant 0 : i32
      %dma_wait3A_50 = tpu.memref_slice %arg9[%add3A_15, %dma_wait3A_49] : memref<10112x128xf32, #tpu.memory_space<vmem_shared>> -> memref<104x128xf32, #tpu.memory_space<vmem_shared>>
      %dma_wait3A_51 = arith.constant 0 : i32
      %dma_wait3A_52 = arith.constant 0 : i32
      %dma_wait3A_53 = tpu.memref_slice %arg8[%dma_wait3A_51, %dma_wait3A_52] : memref<125x128xf32, #tpu.memory_space<vmem>> -> memref<104x128xf32, #tpu.memory_space<vmem>>
      tpu.wait_dma2 semaphore(%run_scoped3A : memref<!tpu.dma_semaphore, #tpu.memory_space<semaphore_mem>>) src(%dma_wait3A_53 : memref<104x128xf32, #tpu.memory_space<vmem>>) dst(%dma_wait3A_50 : memref<104x128xf32, #tpu.memory_space<vmem_shared>>)
      tpu.yield
    }) : () -> ()
    %add3A_16 = arith.constant 312 : i32
    %add3A_17 = arith.addi %mul3A_9, %add3A_16 : i32
    "tpu.region"() ({
      %run_scoped3A = tpu.sem_alloc : memref<!tpu.dma_semaphore, #tpu.memory_space<semaphore_mem>>
      %dma_start3A = arith.constant 0 : i32
      %dma_start3A_36 = arith.constant 0 : i32
      %dma_start3A_37 = tpu.memref_slice %arg8[%dma_start3A, %dma_start3A_36] : memref<125x128xf32, #tpu.memory_space<vmem>> -> memref<104x128xf32, #tpu.memory_space<vmem>>
      %dma_start3A_38 = arith.constant 0 : i32
      %dma_start3A_39 = tpu.memref_slice %arg9[%add3A_17, %dma_start3A_38] : memref<10112x128xf32, #tpu.memory_space<vmem_shared>> -> memref<104x128xf32, #tpu.memory_space<vmem_shared>>
      %dma_start3A_40 = arith.constant 0 : i32
      %dma_start3A_41 = tpu.memref_slice %arg9[%add3A_17, %dma_start3A_40] : memref<10112x128xf32, #tpu.memory_space<vmem_shared>> -> memref<104x128xf32, #tpu.memory_space<vmem_shared>>
      %dma_start3A_42 = arith.constant 0 : i32
      %dma_start3A_43 = arith.constant 0 : i32
      %dma_start3A_44 = tpu.memref_slice %arg8[%dma_start3A_42, %dma_start3A_43] : memref<125x128xf32, #tpu.memory_space<vmem>> -> memref<104x128xf32, #tpu.memory_space<vmem>>
      tpu.enqueue_dma source(%dma_start3A_44 : memref<104x128xf32, #tpu.memory_space<vmem>>) target(%dma_start3A_41 : memref<104x128xf32, #tpu.memory_space<vmem_shared>>) target_semaphore(%run_scoped3A : memref<!tpu.dma_semaphore, #tpu.memory_space<semaphore_mem>>)
      %dma_wait3A = arith.constant 0 : i32
      %dma_wait3A_45 = arith.constant 0 : i32
      %dma_wait3A_46 = tpu.memref_slice %arg8[%dma_wait3A, %dma_wait3A_45] : memref<125x128xf32, #tpu.memory_space<vmem>> -> memref<104x128xf32, #tpu.memory_space<vmem>>
      %dma_wait3A_47 = arith.constant 0 : i32
      %dma_wait3A_48 = tpu.memref_slice %arg9[%add3A_17, %dma_wait3A_47] : memref<10112x128xf32, #tpu.memory_space<vmem_shared>> -> memref<104x128xf32, #tpu.memory_space<vmem_shared>>
      %dma_wait3A_49 = arith.constant 0 : i32
      %dma_wait3A_50 = tpu.memref_slice %arg9[%add3A_17, %dma_wait3A_49] : memref<10112x128xf32, #tpu.memory_space<vmem_shared>> -> memref<104x128xf32, #tpu.memory_space<vmem_shared>>
      %dma_wait3A_51 = arith.constant 0 : i32
      %dma_wait3A_52 = arith.constant 0 : i32
      %dma_wait3A_53 = tpu.memref_slice %arg8[%dma_wait3A_51, %dma_wait3A_52] : memref<125x128xf32, #tpu.memory_space<vmem>> -> memref<104x128xf32, #tpu.memory_space<vmem>>
      tpu.wait_dma2 semaphore(%run_scoped3A : memref<!tpu.dma_semaphore, #tpu.memory_space<semaphore_mem>>) src(%dma_wait3A_53 : memref<104x128xf32, #tpu.memory_space<vmem>>) dst(%dma_wait3A_50 : memref<104x128xf32, #tpu.memory_space<vmem_shared>>)
      tpu.yield
    }) : () -> ()
    %add3A_18 = arith.constant 416 : i32
    %add3A_19 = arith.addi %mul3A_9, %add3A_18 : i32
    "tpu.region"() ({
      %run_scoped3A = tpu.sem_alloc : memref<!tpu.dma_semaphore, #tpu.memory_space<semaphore_mem>>
      %dma_start3A = arith.constant 0 : i32
      %dma_start3A_36 = arith.constant 0 : i32
      %dma_start3A_37 = tpu.memref_slice %arg8[%dma_start3A, %dma_start3A_36] : memref<125x128xf32, #tpu.memory_space<vmem>> -> memref<104x128xf32, #tpu.memory_space<vmem>>
      %dma_start3A_38 = arith.constant 0 : i32
      %dma_start3A_39 = tpu.memref_slice %arg9[%add3A_19, %dma_start3A_38] : memref<10112x128xf32, #tpu.memory_space<vmem_shared>> -> memref<104x128xf32, #tpu.memory_space<vmem_shared>>
      %dma_start3A_40 = arith.constant 0 : i32
      %dma_start3A_41 = tpu.memref_slice %arg9[%add3A_19, %dma_start3A_40] : memref<10112x128xf32, #tpu.memory_space<vmem_shared>> -> memref<104x128xf32, #tpu.memory_space<vmem_shared>>
      %dma_start3A_42 = arith.constant 0 : i32
      %dma_start3A_43 = arith.constant 0 : i32
      %dma_start3A_44 = tpu.memref_slice %arg8[%dma_start3A_42, %dma_start3A_43] : memref<125x128xf32, #tpu.memory_space<vmem>> -> memref<104x128xf32, #tpu.memory_space<vmem>>
      tpu.enqueue_dma source(%dma_start3A_44 : memref<104x128xf32, #tpu.memory_space<vmem>>) target(%dma_start3A_41 : memref<104x128xf32, #tpu.memory_space<vmem_shared>>) target_semaphore(%run_scoped3A : memref<!tpu.dma_semaphore, #tpu.memory_space<semaphore_mem>>)
      %dma_wait3A = arith.constant 0 : i32
      %dma_wait3A_45 = arith.constant 0 : i32
      %dma_wait3A_46 = tpu.memref_slice %arg8[%dma_wait3A, %dma_wait3A_45] : memref<125x128xf32, #tpu.memory_space<vmem>> -> memref<104x128xf32, #tpu.memory_space<vmem>>
      %dma_wait3A_47 = arith.constant 0 : i32
      %dma_wait3A_48 = tpu.memref_slice %arg9[%add3A_19, %dma_wait3A_47] : memref<10112x128xf32, #tpu.memory_space<vmem_shared>> -> memref<104x128xf32, #tpu.memory_space<vmem_shared>>
      %dma_wait3A_49 = arith.constant 0 : i32
      %dma_wait3A_50 = tpu.memref_slice %arg9[%add3A_19, %dma_wait3A_49] : memref<10112x128xf32, #tpu.memory_space<vmem_shared>> -> memref<104x128xf32, #tpu.memory_space<vmem_shared>>
      %dma_wait3A_51 = arith.constant 0 : i32
      %dma_wait3A_52 = arith.constant 0 : i32
      %dma_wait3A_53 = tpu.memref_slice %arg8[%dma_wait3A_51, %dma_wait3A_52] : memref<125x128xf32, #tpu.memory_space<vmem>> -> memref<104x128xf32, #tpu.memory_space<vmem>>
      tpu.wait_dma2 semaphore(%run_scoped3A : memref<!tpu.dma_semaphore, #tpu.memory_space<semaphore_mem>>) src(%dma_wait3A_53 : memref<104x128xf32, #tpu.memory_space<vmem>>) dst(%dma_wait3A_50 : memref<104x128xf32, #tpu.memory_space<vmem_shared>>)
      tpu.yield
    }) : () -> ()
    %add3A_20 = arith.constant 520 : i32
    %add3A_21 = arith.addi %mul3A_9, %add3A_20 : i32
    "tpu.region"() ({
      %run_scoped3A = tpu.sem_alloc : memref<!tpu.dma_semaphore, #tpu.memory_space<semaphore_mem>>
      %dma_start3A = arith.constant 0 : i32
      %dma_start3A_36 = arith.constant 0 : i32
      %dma_start3A_37 = tpu.memref_slice %arg8[%dma_start3A, %dma_start3A_36] : memref<125x128xf32, #tpu.memory_space<vmem>> -> memref<104x128xf32, #tpu.memory_space<vmem>>
      %dma_start3A_38 = arith.constant 0 : i32
      %dma_start3A_39 = tpu.memref_slice %arg9[%add3A_21, %dma_start3A_38] : memref<10112x128xf32, #tpu.memory_space<vmem_shared>> -> memref<104x128xf32, #tpu.memory_space<vmem_shared>>
      %dma_start3A_40 = arith.constant 0 : i32
      %dma_start3A_41 = tpu.memref_slice %arg9[%add3A_21, %dma_start3A_40] : memref<10112x128xf32, #tpu.memory_space<vmem_shared>> -> memref<104x128xf32, #tpu.memory_space<vmem_shared>>
      %dma_start3A_42 = arith.constant 0 : i32
      %dma_start3A_43 = arith.constant 0 : i32
      %dma_start3A_44 = tpu.memref_slice %arg8[%dma_start3A_42, %dma_start3A_43] : memref<125x128xf32, #tpu.memory_space<vmem>> -> memref<104x128xf32, #tpu.memory_space<vmem>>
      tpu.enqueue_dma source(%dma_start3A_44 : memref<104x128xf32, #tpu.memory_space<vmem>>) target(%dma_start3A_41 : memref<104x128xf32, #tpu.memory_space<vmem_shared>>) target_semaphore(%run_scoped3A : memref<!tpu.dma_semaphore, #tpu.memory_space<semaphore_mem>>)
      %dma_wait3A = arith.constant 0 : i32
      %dma_wait3A_45 = arith.constant 0 : i32
      %dma_wait3A_46 = tpu.memref_slice %arg8[%dma_wait3A, %dma_wait3A_45] : memref<125x128xf32, #tpu.memory_space<vmem>> -> memref<104x128xf32, #tpu.memory_space<vmem>>
      %dma_wait3A_47 = arith.constant 0 : i32
      %dma_wait3A_48 = tpu.memref_slice %arg9[%add3A_21, %dma_wait3A_47] : memref<10112x128xf32, #tpu.memory_space<vmem_shared>> -> memref<104x128xf32, #tpu.memory_space<vmem_shared>>
      %dma_wait3A_49 = arith.constant 0 : i32
      %dma_wait3A_50 = tpu.memref_slice %arg9[%add3A_21, %dma_wait3A_49] : memref<10112x128xf32, #tpu.memory_space<vmem_shared>> -> memref<104x128xf32, #tpu.memory_space<vmem_shared>>
      %dma_wait3A_51 = arith.constant 0 : i32
      %dma_wait3A_52 = arith.constant 0 : i32
      %dma_wait3A_53 = tpu.memref_slice %arg8[%dma_wait3A_51, %dma_wait3A_52] : memref<125x128xf32, #tpu.memory_space<vmem>> -> memref<104x128xf32, #tpu.memory_space<vmem>>
      tpu.wait_dma2 semaphore(%run_scoped3A : memref<!tpu.dma_semaphore, #tpu.memory_space<semaphore_mem>>) src(%dma_wait3A_53 : memref<104x128xf32, #tpu.memory_space<vmem>>) dst(%dma_wait3A_50 : memref<104x128xf32, #tpu.memory_space<vmem_shared>>)
      tpu.yield
    }) : () -> ()
    %add3A_22 = arith.constant 624 : i32
    %add3A_23 = arith.addi %mul3A_9, %add3A_22 : i32
    "tpu.region"() ({
      %run_scoped3A = tpu.sem_alloc : memref<!tpu.dma_semaphore, #tpu.memory_space<semaphore_mem>>
      %dma_start3A = arith.constant 0 : i32
      %dma_start3A_36 = arith.constant 0 : i32
      %dma_start3A_37 = tpu.memref_slice %arg8[%dma_start3A, %dma_start3A_36] : memref<125x128xf32, #tpu.memory_space<vmem>> -> memref<8x128xf32, #tpu.memory_space<vmem>>
      %dma_start3A_38 = arith.constant 0 : i32
      %dma_start3A_39 = tpu.memref_slice %arg9[%add3A_23, %dma_start3A_38] : memref<10112x128xf32, #tpu.memory_space<vmem_shared>> -> memref<8x128xf32, #tpu.memory_space<vmem_shared>>
      %dma_start3A_40 = arith.constant 0 : i32
      %dma_start3A_41 = tpu.memref_slice %arg9[%add3A_23, %dma_start3A_40] : memref<10112x128xf32, #tpu.memory_space<vmem_shared>> -> memref<8x128xf32, #tpu.memory_space<vmem_shared>>
      %dma_start3A_42 = arith.constant 0 : i32
      %dma_start3A_43 = arith.constant 0 : i32
      %dma_start3A_44 = tpu.memref_slice %arg8[%dma_start3A_42, %dma_start3A_43] : memref<125x128xf32, #tpu.memory_space<vmem>> -> memref<8x128xf32, #tpu.memory_space<vmem>>
      tpu.enqueue_dma source(%dma_start3A_44 : memref<8x128xf32, #tpu.memory_space<vmem>>) target(%dma_start3A_41 : memref<8x128xf32, #tpu.memory_space<vmem_shared>>) target_semaphore(%run_scoped3A : memref<!tpu.dma_semaphore, #tpu.memory_space<semaphore_mem>>)
      %dma_wait3A = arith.constant 0 : i32
      %dma_wait3A_45 = arith.constant 0 : i32
      %dma_wait3A_46 = tpu.memref_slice %arg8[%dma_wait3A, %dma_wait3A_45] : memref<125x128xf32, #tpu.memory_space<vmem>> -> memref<8x128xf32, #tpu.memory_space<vmem>>
      %dma_wait3A_47 = arith.constant 0 : i32
      %dma_wait3A_48 = tpu.memref_slice %arg9[%add3A_23, %dma_wait3A_47] : memref<10112x128xf32, #tpu.memory_space<vmem_shared>> -> memref<8x128xf32, #tpu.memory_space<vmem_shared>>
      %dma_wait3A_49 = arith.constant 0 : i32
      %dma_wait3A_50 = tpu.memref_slice %arg9[%add3A_23, %dma_wait3A_49] : memref<10112x128xf32, #tpu.memory_space<vmem_shared>> -> memref<8x128xf32, #tpu.memory_space<vmem_shared>>
      %dma_wait3A_51 = arith.constant 0 : i32
      %dma_wait3A_52 = arith.constant 0 : i32
      %dma_wait3A_53 = tpu.memref_slice %arg8[%dma_wait3A_51, %dma_wait3A_52] : memref<125x128xf32, #tpu.memory_space<vmem>> -> memref<8x128xf32, #tpu.memory_space<vmem>>
      tpu.wait_dma2 semaphore(%run_scoped3A : memref<!tpu.dma_semaphore, #tpu.memory_space<semaphore_mem>>) src(%dma_wait3A_53 : memref<8x128xf32, #tpu.memory_space<vmem>>) dst(%dma_wait3A_50 : memref<8x128xf32, #tpu.memory_space<vmem_shared>>)
      tpu.yield
    }) : () -> ()
    %barrier3A = arith.constant 0 : index
    tpu.barrier barrier_id(%barrier3A)
    %scan3A_24 = arith.constant 0 : i32
    %scan3A_25 = arith.constant 0 : i32
    %scan3A_26 = arith.constant 80 : i32
    %scan3A_27 = arith.addi %scan3A_25, %scan3A_26 : i32
    %scan3A_28 = arith.constant 1 : i32
    %scan3A_29 = scf.for %scan3A_36 = %scan3A_25 to %scan3A_27 step %scan3A_28 iter_args(%scan3A_37 = %scan3A_24) -> (i32)  : i32 {
      %dma_start3A = arith.constant 0 : i32
      %dma_start3A_38 = tpu.memref_slice %arg6[%scan3A_36, %dma_start3A] : memref<80x125xi32, #tpu.memory_space<vmem>> -> memref<1x125xi32, #tpu.memory_space<vmem>>
      %dma_start3A_39 = tpu.memref_squeeze %dma_start3A_38 : memref<1x125xi32, #tpu.memory_space<vmem>> -> memref<125xi32, #tpu.memory_space<vmem>>
      %dma_start3A_40 = arith.constant 0 : i32
      %dma_start3A_41 = arith.constant 0 : i32
      %dma_start3A_42 = tpu.memref_slice %arg2[%dma_start3A_40, %dma_start3A_41] : memref<10000x128xf32, #tpu.memory_space<hbm>> -> memref<10000x128xf32, #tpu.memory_space<hbm>>
      tpu.enqueue_indirect_dma source(%dma_start3A_42 : memref<10000x128xf32, #tpu.memory_space<hbm>>) target(%arg8 : memref<125x128xf32, #tpu.memory_space<vmem>>) offsets(%dma_start3A_39 : memref<125xi32, #tpu.memory_space<vmem>>) semaphore(%arg10 : memref<!tpu.dma_semaphore, #tpu.memory_space<semaphore_mem>>)
      %dma_wait3A = arith.constant 0 : i32
      %dma_wait3A_43 = tpu.memref_slice %arg6[%scan3A_36, %dma_wait3A] : memref<80x125xi32, #tpu.memory_space<vmem>> -> memref<1x125xi32, #tpu.memory_space<vmem>>
      %dma_wait3A_44 = tpu.memref_squeeze %dma_wait3A_43 : memref<1x125xi32, #tpu.memory_space<vmem>> -> memref<125xi32, #tpu.memory_space<vmem>>
      %dma_wait3A_45 = arith.constant 0 : i32
      %dma_wait3A_46 = arith.constant 0 : i32
      %dma_wait3A_47 = tpu.memref_slice %arg2[%dma_wait3A_45, %dma_wait3A_46] : memref<10000x128xf32, #tpu.memory_space<hbm>> -> memref<10000x128xf32, #tpu.memory_space<hbm>>
      tpu.wait_indirect_dma semaphore(%arg10 : memref<!tpu.dma_semaphore, #tpu.memory_space<semaphore_mem>>) src(%dma_wait3A_47 : memref<10000x128xf32, #tpu.memory_space<hbm>>) dst(%arg8 : memref<125x128xf32, #tpu.memory_space<vmem>>)
      "tpu.region"() ({
        %run_scoped3A = tpu.sem_alloc : memref<!tpu.dma_semaphore, #tpu.memory_space<semaphore_mem>>
        %dma_start3A_49 = arith.constant 0 : i32
        %dma_start3A_50 = tpu.memref_slice %arg7[%scan3A_36, %dma_start3A_49] : memref<80x125xi32, #tpu.memory_space<vmem>> -> memref<1x125xi32, #tpu.memory_space<vmem>>
        %dma_start3A_51 = tpu.memref_squeeze %dma_start3A_50 : memref<1x125xi32, #tpu.memory_space<vmem>> -> memref<125xi32, #tpu.memory_space<vmem>>
        %dma_start3A_52 = arith.constant 0 : i32
        %dma_start3A_53 = arith.constant 0 : i32
        %dma_start3A_54 = tpu.memref_slice %arg9[%dma_start3A_52, %dma_start3A_53] : memref<10112x128xf32, #tpu.memory_space<vmem_shared>> -> memref<10112x128xf32, #tpu.memory_space<vmem_shared>>
        tpu.enqueue_indirect_dma source(%arg8 : memref<125x128xf32, #tpu.memory_space<vmem>>) target(%dma_start3A_54 : memref<10112x128xf32, #tpu.memory_space<vmem_shared>>) offsets(%dma_start3A_51 : memref<125xi32, #tpu.memory_space<vmem>>) semaphore(%run_scoped3A : memref<!tpu.dma_semaphore, #tpu.memory_space<semaphore_mem>>) {add = true}
        %dma_wait3A_55 = arith.constant 0 : i32
        %dma_wait3A_56 = tpu.memref_slice %arg7[%scan3A_36, %dma_wait3A_55] : memref<80x125xi32, #tpu.memory_space<vmem>> -> memref<1x125xi32, #tpu.memory_space<vmem>>
        %dma_wait3A_57 = tpu.memref_squeeze %dma_wait3A_56 : memref<1x125xi32, #tpu.memory_space<vmem>> -> memref<125xi32, #tpu.memory_space<vmem>>
        %dma_wait3A_58 = arith.constant 0 : i32
        %dma_wait3A_59 = arith.constant 0 : i32
        %dma_wait3A_60 = tpu.memref_slice %arg9[%dma_wait3A_58, %dma_wait3A_59] : memref<10112x128xf32, #tpu.memory_space<vmem_shared>> -> memref<10112x128xf32, #tpu.memory_space<vmem_shared>>
        tpu.wait_indirect_dma semaphore(%run_scoped3A : memref<!tpu.dma_semaphore, #tpu.memory_space<semaphore_mem>>) src(%arg8 : memref<125x128xf32, #tpu.memory_space<vmem>>) dst(%dma_wait3A_60 : memref<10112x128xf32, #tpu.memory_space<vmem_shared>>)
        tpu.yield
      }) : () -> ()
      %scan3A_48 = arith.constant 0 : i32
      scf.yield %scan3A_48 : i32
    }
    %scan3A_30 = arith.constant 80 : i32
    %barrier3A_31 = arith.constant 0 : index
    tpu.barrier barrier_id(%barrier3A_31)
    %mul3A_32 = arith.constant 624 : i32
    %mul3A_33 = arith.muli %arg1, %mul3A_32 : i32
    "tpu.region"() ({
      %run_scoped3A = tpu.sem_alloc : memref<!tpu.dma_semaphore, #tpu.memory_space<semaphore_mem>>
      %dma_start3A = arith.constant 0 : i32
      %dma_start3A_36 = tpu.memref_slice %arg5[%arg0, %mul3A_33, %dma_start3A] : memref<2x10000x128xf32, #tpu.memory_space<hbm>> -> memref<1x624x128xf32, #tpu.memory_space<hbm>>
      %dma_start3A_37 = tpu.memref_squeeze %dma_start3A_36 : memref<1x624x128xf32, #tpu.memory_space<hbm>> -> memref<624x128xf32, #tpu.memory_space<hbm>>
      %dma_start3A_38 = arith.constant 0 : i32
      %dma_start3A_39 = tpu.memref_slice %arg9[%mul3A_33, %dma_start3A_38] : memref<10112x128xf32, #tpu.memory_space<vmem_shared>> -> memref<624x128xf32, #tpu.memory_space<vmem_shared>>
      tpu.enqueue_dma source(%dma_start3A_39 : memref<624x128xf32, #tpu.memory_space<vmem_shared>>) target(%dma_start3A_37 : memref<624x128xf32, #tpu.memory_space<hbm>>) target_semaphore(%run_scoped3A : memref<!tpu.dma_semaphore, #tpu.memory_space<semaphore_mem>>)
      %dma_wait3A = arith.constant 0 : i32
      %dma_wait3A_40 = tpu.memref_slice %arg5[%arg0, %mul3A_33, %dma_wait3A] : memref<2x10000x128xf32, #tpu.memory_space<hbm>> -> memref<1x624x128xf32, #tpu.memory_space<hbm>>
      %dma_wait3A_41 = tpu.memref_squeeze %dma_wait3A_40 : memref<1x624x128xf32, #tpu.memory_space<hbm>> -> memref<624x128xf32, #tpu.memory_space<hbm>>
      %dma_wait3A_42 = arith.constant 0 : i32
      %dma_wait3A_43 = tpu.memref_slice %arg9[%mul3A_33, %dma_wait3A_42] : memref<10112x128xf32, #tpu.memory_space<vmem_shared>> -> memref<624x128xf32, #tpu.memory_space<vmem_shared>>
      tpu.wait_dma2 semaphore(%run_scoped3A : memref<!tpu.dma_semaphore, #tpu.memory_space<semaphore_mem>>) src(%dma_wait3A_43 : memref<624x128xf32, #tpu.memory_space<vmem_shared>>) dst(%dma_wait3A_41 : memref<624x128xf32, #tpu.memory_space<hbm>>)
      tpu.yield
    }) : () -> ()
    %eq3A = arith.constant 15 : i32
    %eq3A_34 = arith.cmpi eq, %arg1, %eq3A : i32
    %convert_element_type3A = arith.extui %eq3A_34 : i1 to i32
    %cond3A = arith.constant 0 : i32
    %cond3A_35 = arith.cmpi ne, %convert_element_type3A, %cond3A : i32
    scf.if %cond3A_35 {
      "tpu.region"() ({
        %run_scoped3A = tpu.sem_alloc : memref<!tpu.dma_semaphore, #tpu.memory_space<semaphore_mem>>
        %dma_start3A = arith.constant 9984 : i32
        %dma_start3A_36 = arith.constant 0 : i32
        %dma_start3A_37 = tpu.memref_slice %arg5[%arg0, %dma_start3A, %dma_start3A_36] : memref<2x10000x128xf32, #tpu.memory_space<hbm>> -> memref<1x16x128xf32, #tpu.memory_space<hbm>>
        %dma_start3A_38 = tpu.memref_squeeze %dma_start3A_37 : memref<1x16x128xf32, #tpu.memory_space<hbm>> -> memref<16x128xf32, #tpu.memory_space<hbm>>
        %dma_start3A_39 = arith.constant 9984 : i32
        %dma_start3A_40 = arith.constant 0 : i32
        %dma_start3A_41 = tpu.memref_slice %arg9[%dma_start3A_39, %dma_start3A_40] : memref<10112x128xf32, #tpu.memory_space<vmem_shared>> -> memref<16x128xf32, #tpu.memory_space<vmem_shared>>
        tpu.enqueue_dma source(%dma_start3A_41 : memref<16x128xf32, #tpu.memory_space<vmem_shared>>) target(%dma_start3A_38 : memref<16x128xf32, #tpu.memory_space<hbm>>) target_semaphore(%run_scoped3A : memref<!tpu.dma_semaphore, #tpu.memory_space<semaphore_mem>>)
        %dma_wait3A = arith.constant 9984 : i32
        %dma_wait3A_42 = arith.constant 0 : i32
        %dma_wait3A_43 = tpu.memref_slice %arg5[%arg0, %dma_wait3A, %dma_wait3A_42] : memref<2x10000x128xf32, #tpu.memory_space<hbm>> -> memref<1x16x128xf32, #tpu.memory_space<hbm>>
        %dma_wait3A_44 = tpu.memref_squeeze %dma_wait3A_43 : memref<1x16x128xf32, #tpu.memory_space<hbm>> -> memref<16x128xf32, #tpu.memory_space<hbm>>
        %dma_wait3A_45 = arith.constant 9984 : i32
        %dma_wait3A_46 = arith.constant 0 : i32
        %dma_wait3A_47 = tpu.memref_slice %arg9[%dma_wait3A_45, %dma_wait3A_46] : memref<10112x128xf32, #tpu.memory_space<vmem_shared>> -> memref<16x128xf32, #tpu.memory_space<vmem_shared>>
        tpu.wait_dma2 semaphore(%run_scoped3A : memref<!tpu.dma_semaphore, #tpu.memory_space<semaphore_mem>>) src(%dma_wait3A_47 : memref<16x128xf32, #tpu.memory_space<vmem_shared>>) dst(%dma_wait3A_44 : memref<16x128xf32, #tpu.memory_space<hbm>>)
        tpu.yield
      }) : () -> ()
    } else {
    }
    return
  }
}

#map = affine_map<(d0, d1) -> (0, 0, 0)>
module attributes {stable_mosaic.version = 14 : i64} {
  func.func @_deg_kernel(%arg0: i32, %arg1: i32, %arg2: memref<32x80x125xi32, #tpu.memory_space<hbm>>, %arg3: memref<2x10000x16xf32, #tpu.memory_space<hbm>>, %arg4: memref<80x125xi32, #tpu.memory_space<vmem>>, %arg5: memref<125x16xf32, #tpu.memory_space<vmem>>, %arg6: memref<10112x16xf32, #tpu.memory_space<vmem_shared>>) attributes {dimension_semantics = [#tpu.dimension_semantics<core_parallel>, #tpu.dimension_semantics<subcore_parallel>], iteration_bounds = array<i64: 2, 16>, scalar_prefetch = 0 : i64, scratch_operands = 3 : i64, tpu.core_type = #tpu.core_type<sc_vector_subcore>, window_params = [{transform_indices = #map}, {transform_indices = #map}]} {
    %mul3A = arith.constant 16 : i32
    %mul3A_0 = arith.muli %arg0, %mul3A : i32
    %add3A = arith.addi %mul3A_0, %arg1 : i32
    "tpu.region"() ({
      %run_scoped3A = tpu.sem_alloc : memref<!tpu.dma_semaphore, #tpu.memory_space<semaphore_mem>>
      %dma_start3A = arith.constant 0 : i32
      %dma_start3A_45 = arith.constant 0 : i32
      %dma_start3A_46 = tpu.memref_slice %arg2[%add3A, %dma_start3A, %dma_start3A_45] : memref<32x80x125xi32, #tpu.memory_space<hbm>> -> memref<1x80x125xi32, #tpu.memory_space<hbm>>
      %dma_start3A_47 = tpu.memref_squeeze %dma_start3A_46 : memref<1x80x125xi32, #tpu.memory_space<hbm>> -> memref<80x125xi32, #tpu.memory_space<hbm>>
      %dma_start3A_48 = arith.constant 0 : i32
      %dma_start3A_49 = arith.constant 0 : i32
      %dma_start3A_50 = tpu.memref_slice %arg2[%add3A, %dma_start3A_48, %dma_start3A_49] : memref<32x80x125xi32, #tpu.memory_space<hbm>> -> memref<1x80x125xi32, #tpu.memory_space<hbm>>
      %dma_start3A_51 = tpu.memref_squeeze %dma_start3A_50 : memref<1x80x125xi32, #tpu.memory_space<hbm>> -> memref<80x125xi32, #tpu.memory_space<hbm>>
      tpu.enqueue_dma source(%dma_start3A_51 : memref<80x125xi32, #tpu.memory_space<hbm>>) target(%arg4 : memref<80x125xi32, #tpu.memory_space<vmem>>) target_semaphore(%run_scoped3A : memref<!tpu.dma_semaphore, #tpu.memory_space<semaphore_mem>>)
      %dma_wait3A = arith.constant 0 : i32
      %dma_wait3A_52 = arith.constant 0 : i32
      %dma_wait3A_53 = tpu.memref_slice %arg2[%add3A, %dma_wait3A, %dma_wait3A_52] : memref<32x80x125xi32, #tpu.memory_space<hbm>> -> memref<1x80x125xi32, #tpu.memory_space<hbm>>
      %dma_wait3A_54 = tpu.memref_squeeze %dma_wait3A_53 : memref<1x80x125xi32, #tpu.memory_space<hbm>> -> memref<80x125xi32, #tpu.memory_space<hbm>>
      %dma_wait3A_55 = arith.constant 0 : i32
      %dma_wait3A_56 = arith.constant 0 : i32
      %dma_wait3A_57 = tpu.memref_slice %arg2[%add3A, %dma_wait3A_55, %dma_wait3A_56] : memref<32x80x125xi32, #tpu.memory_space<hbm>> -> memref<1x80x125xi32, #tpu.memory_space<hbm>>
      %dma_wait3A_58 = tpu.memref_squeeze %dma_wait3A_57 : memref<1x80x125xi32, #tpu.memory_space<hbm>> -> memref<80x125xi32, #tpu.memory_space<hbm>>
      tpu.wait_dma2 semaphore(%run_scoped3A : memref<!tpu.dma_semaphore, #tpu.memory_space<semaphore_mem>>) src(%dma_wait3A_58 : memref<80x125xi32, #tpu.memory_space<hbm>>) dst(%arg4 : memref<80x125xi32, #tpu.memory_space<vmem>>)
      tpu.yield
    }) : () -> ()
    %broadcast_in_dim3A = arith.constant 0.000000e+00 : f32
    %broadcast_in_dim3A_1 = vector.broadcast %broadcast_in_dim3A : f32 to vector<16xf32>
    %scan3A = arith.constant 0 : i32
    %scan3A_2 = arith.constant 0 : i32
    %scan3A_3 = arith.constant 125 : i32
    %scan3A_4 = arith.addi %scan3A_2, %scan3A_3 : i32
    %scan3A_5 = arith.constant 1 : i32
    %scan3A_6 = scf.for %scan3A_45 = %scan3A_2 to %scan3A_4 step %scan3A_5 iter_args(%scan3A_46 = %scan3A) -> (i32)  : i32 {
      %swap3A = arith.index_cast %scan3A_45 : i32 to index
      %swap3A_47 = arith.constant 0 : index
      %swap3A_48 = tpu.vector_load %arg5[%swap3A, %swap3A_47] {strides = array<i32>} : memref<125x16xf32, #tpu.memory_space<vmem>>, vector<1x16xf32>,
      %swap3A_49 = vector.shape_cast %swap3A_48 : vector<1x16xf32> to vector<16xf32>
      %swap3A_50 = vector.shape_cast %broadcast_in_dim3A_1 : vector<16xf32> to vector<1x16xf32>
      tpu.vector_store %arg5[%swap3A, %swap3A_47], %swap3A_50 {strides = array<i32>} : memref<125x16xf32, #tpu.memory_space<vmem>>, vector<1x16xf32>,
      %scan3A_51 = arith.constant 0 : i32
      scf.yield %scan3A_51 : i32
    }
    %scan3A_7 = arith.constant 125 : i32
    %mul3A_8 = arith.constant 632 : i32
    %mul3A_9 = arith.muli %arg1, %mul3A_8 : i32
    %add3A_10 = arith.constant 0 : i32
    %add3A_11 = arith.addi %mul3A_9, %add3A_10 : i32
    "tpu.region"() ({
      %run_scoped3A = tpu.sem_alloc : memref<!tpu.dma_semaphore, #tpu.memory_space<semaphore_mem>>
      %dma_start3A = arith.constant 0 : i32
      %dma_start3A_45 = arith.constant 0 : i32
      %dma_start3A_46 = tpu.memref_slice %arg5[%dma_start3A, %dma_start3A_45] : memref<125x16xf32, #tpu.memory_space<vmem>> -> memref<104x16xf32, #tpu.memory_space<vmem>>
      %dma_start3A_47 = arith.constant 0 : i32
      %dma_start3A_48 = tpu.memref_slice %arg6[%add3A_11, %dma_start3A_47] : memref<10112x16xf32, #tpu.memory_space<vmem_shared>> -> memref<104x16xf32, #tpu.memory_space<vmem_shared>>
      %dma_start3A_49 = arith.constant 0 : i32
      %dma_start3A_50 = tpu.memref_slice %arg6[%add3A_11, %dma_start3A_49] : memref<10112x16xf32, #tpu.memory_space<vmem_shared>> -> memref<104x16xf32, #tpu.memory_space<vmem_shared>>
      %dma_start3A_51 = arith.constant 0 : i32
      %dma_start3A_52 = arith.constant 0 : i32
      %dma_start3A_53 = tpu.memref_slice %arg5[%dma_start3A_51, %dma_start3A_52] : memref<125x16xf32, #tpu.memory_space<vmem>> -> memref<104x16xf32, #tpu.memory_space<vmem>>
      tpu.enqueue_dma source(%dma_start3A_53 : memref<104x16xf32, #tpu.memory_space<vmem>>) target(%dma_start3A_50 : memref<104x16xf32, #tpu.memory_space<vmem_shared>>) target_semaphore(%run_scoped3A : memref<!tpu.dma_semaphore, #tpu.memory_space<semaphore_mem>>)
      %dma_wait3A = arith.constant 0 : i32
      %dma_wait3A_54 = arith.constant 0 : i32
      %dma_wait3A_55 = tpu.memref_slice %arg5[%dma_wait3A, %dma_wait3A_54] : memref<125x16xf32, #tpu.memory_space<vmem>> -> memref<104x16xf32, #tpu.memory_space<vmem>>
      %dma_wait3A_56 = arith.constant 0 : i32
      %dma_wait3A_57 = tpu.memref_slice %arg6[%add3A_11, %dma_wait3A_56] : memref<10112x16xf32, #tpu.memory_space<vmem_shared>> -> memref<104x16xf32, #tpu.memory_space<vmem_shared>>
      %dma_wait3A_58 = arith.constant 0 : i32
      %dma_wait3A_59 = tpu.memref_slice %arg6[%add3A_11, %dma_wait3A_58] : memref<10112x16xf32, #tpu.memory_space<vmem_shared>> -> memref<104x16xf32, #tpu.memory_space<vmem_shared>>
      %dma_wait3A_60 = arith.constant 0 : i32
      %dma_wait3A_61 = arith.constant 0 : i32
      %dma_wait3A_62 = tpu.memref_slice %arg5[%dma_wait3A_60, %dma_wait3A_61] : memref<125x16xf32, #tpu.memory_space<vmem>> -> memref<104x16xf32, #tpu.memory_space<vmem>>
      tpu.wait_dma2 semaphore(%run_scoped3A : memref<!tpu.dma_semaphore, #tpu.memory_space<semaphore_mem>>) src(%dma_wait3A_62 : memref<104x16xf32, #tpu.memory_space<vmem>>) dst(%dma_wait3A_59 : memref<104x16xf32, #tpu.memory_space<vmem_shared>>)
      tpu.yield
    }) : () -> ()
    %add3A_12 = arith.constant 104 : i32
    %add3A_13 = arith.addi %mul3A_9, %add3A_12 : i32
    "tpu.region"() ({
      %run_scoped3A = tpu.sem_alloc : memref<!tpu.dma_semaphore, #tpu.memory_space<semaphore_mem>>
      %dma_start3A = arith.constant 0 : i32
      %dma_start3A_45 = arith.constant 0 : i32
      %dma_start3A_46 = tpu.memref_slice %arg5[%dma_start3A, %dma_start3A_45] : memref<125x16xf32, #tpu.memory_space<vmem>> -> memref<104x16xf32, #tpu.memory_space<vmem>>
      %dma_start3A_47 = arith.constant 0 : i32
      %dma_start3A_48 = tpu.memref_slice %arg6[%add3A_13, %dma_start3A_47] : memref<10112x16xf32, #tpu.memory_space<vmem_shared>> -> memref<104x16xf32, #tpu.memory_space<vmem_shared>>
      %dma_start3A_49 = arith.constant 0 : i32
      %dma_start3A_50 = tpu.memref_slice %arg6[%add3A_13, %dma_start3A_49] : memref<10112x16xf32, #tpu.memory_space<vmem_shared>> -> memref<104x16xf32, #tpu.memory_space<vmem_shared>>
      %dma_start3A_51 = arith.constant 0 : i32
      %dma_start3A_52 = arith.constant 0 : i32
      %dma_start3A_53 = tpu.memref_slice %arg5[%dma_start3A_51, %dma_start3A_52] : memref<125x16xf32, #tpu.memory_space<vmem>> -> memref<104x16xf32, #tpu.memory_space<vmem>>
      tpu.enqueue_dma source(%dma_start3A_53 : memref<104x16xf32, #tpu.memory_space<vmem>>) target(%dma_start3A_50 : memref<104x16xf32, #tpu.memory_space<vmem_shared>>) target_semaphore(%run_scoped3A : memref<!tpu.dma_semaphore, #tpu.memory_space<semaphore_mem>>)
      %dma_wait3A = arith.constant 0 : i32
      %dma_wait3A_54 = arith.constant 0 : i32
      %dma_wait3A_55 = tpu.memref_slice %arg5[%dma_wait3A, %dma_wait3A_54] : memref<125x16xf32, #tpu.memory_space<vmem>> -> memref<104x16xf32, #tpu.memory_space<vmem>>
      %dma_wait3A_56 = arith.constant 0 : i32
      %dma_wait3A_57 = tpu.memref_slice %arg6[%add3A_13, %dma_wait3A_56] : memref<10112x16xf32, #tpu.memory_space<vmem_shared>> -> memref<104x16xf32, #tpu.memory_space<vmem_shared>>
      %dma_wait3A_58 = arith.constant 0 : i32
      %dma_wait3A_59 = tpu.memref_slice %arg6[%add3A_13, %dma_wait3A_58] : memref<10112x16xf32, #tpu.memory_space<vmem_shared>> -> memref<104x16xf32, #tpu.memory_space<vmem_shared>>
      %dma_wait3A_60 = arith.constant 0 : i32
      %dma_wait3A_61 = arith.constant 0 : i32
      %dma_wait3A_62 = tpu.memref_slice %arg5[%dma_wait3A_60, %dma_wait3A_61] : memref<125x16xf32, #tpu.memory_space<vmem>> -> memref<104x16xf32, #tpu.memory_space<vmem>>
      tpu.wait_dma2 semaphore(%run_scoped3A : memref<!tpu.dma_semaphore, #tpu.memory_space<semaphore_mem>>) src(%dma_wait3A_62 : memref<104x16xf32, #tpu.memory_space<vmem>>) dst(%dma_wait3A_59 : memref<104x16xf32, #tpu.memory_space<vmem_shared>>)
      tpu.yield
    }) : () -> ()
    %add3A_14 = arith.constant 208 : i32
    %add3A_15 = arith.addi %mul3A_9, %add3A_14 : i32
    "tpu.region"() ({
      %run_scoped3A = tpu.sem_alloc : memref<!tpu.dma_semaphore, #tpu.memory_space<semaphore_mem>>
      %dma_start3A = arith.constant 0 : i32
      %dma_start3A_45 = arith.constant 0 : i32
      %dma_start3A_46 = tpu.memref_slice %arg5[%dma_start3A, %dma_start3A_45] : memref<125x16xf32, #tpu.memory_space<vmem>> -> memref<104x16xf32, #tpu.memory_space<vmem>>
      %dma_start3A_47 = arith.constant 0 : i32
      %dma_start3A_48 = tpu.memref_slice %arg6[%add3A_15, %dma_start3A_47] : memref<10112x16xf32, #tpu.memory_space<vmem_shared>> -> memref<104x16xf32, #tpu.memory_space<vmem_shared>>
      %dma_start3A_49 = arith.constant 0 : i32
      %dma_start3A_50 = tpu.memref_slice %arg6[%add3A_15, %dma_start3A_49] : memref<10112x16xf32, #tpu.memory_space<vmem_shared>> -> memref<104x16xf32, #tpu.memory_space<vmem_shared>>
      %dma_start3A_51 = arith.constant 0 : i32
      %dma_start3A_52 = arith.constant 0 : i32
      %dma_start3A_53 = tpu.memref_slice %arg5[%dma_start3A_51, %dma_start3A_52] : memref<125x16xf32, #tpu.memory_space<vmem>> -> memref<104x16xf32, #tpu.memory_space<vmem>>
      tpu.enqueue_dma source(%dma_start3A_53 : memref<104x16xf32, #tpu.memory_space<vmem>>) target(%dma_start3A_50 : memref<104x16xf32, #tpu.memory_space<vmem_shared>>) target_semaphore(%run_scoped3A : memref<!tpu.dma_semaphore, #tpu.memory_space<semaphore_mem>>)
      %dma_wait3A = arith.constant 0 : i32
      %dma_wait3A_54 = arith.constant 0 : i32
      %dma_wait3A_55 = tpu.memref_slice %arg5[%dma_wait3A, %dma_wait3A_54] : memref<125x16xf32, #tpu.memory_space<vmem>> -> memref<104x16xf32, #tpu.memory_space<vmem>>
      %dma_wait3A_56 = arith.constant 0 : i32
      %dma_wait3A_57 = tpu.memref_slice %arg6[%add3A_15, %dma_wait3A_56] : memref<10112x16xf32, #tpu.memory_space<vmem_shared>> -> memref<104x16xf32, #tpu.memory_space<vmem_shared>>
      %dma_wait3A_58 = arith.constant 0 : i32
      %dma_wait3A_59 = tpu.memref_slice %arg6[%add3A_15, %dma_wait3A_58] : memref<10112x16xf32, #tpu.memory_space<vmem_shared>> -> memref<104x16xf32, #tpu.memory_space<vmem_shared>>
      %dma_wait3A_60 = arith.constant 0 : i32
      %dma_wait3A_61 = arith.constant 0 : i32
      %dma_wait3A_62 = tpu.memref_slice %arg5[%dma_wait3A_60, %dma_wait3A_61] : memref<125x16xf32, #tpu.memory_space<vmem>> -> memref<104x16xf32, #tpu.memory_space<vmem>>
      tpu.wait_dma2 semaphore(%run_scoped3A : memref<!tpu.dma_semaphore, #tpu.memory_space<semaphore_mem>>) src(%dma_wait3A_62 : memref<104x16xf32, #tpu.memory_space<vmem>>) dst(%dma_wait3A_59 : memref<104x16xf32, #tpu.memory_space<vmem_shared>>)
      tpu.yield
    }) : () -> ()
    %add3A_16 = arith.constant 312 : i32
    %add3A_17 = arith.addi %mul3A_9, %add3A_16 : i32
    "tpu.region"() ({
      %run_scoped3A = tpu.sem_alloc : memref<!tpu.dma_semaphore, #tpu.memory_space<semaphore_mem>>
      %dma_start3A = arith.constant 0 : i32
      %dma_start3A_45 = arith.constant 0 : i32
      %dma_start3A_46 = tpu.memref_slice %arg5[%dma_start3A, %dma_start3A_45] : memref<125x16xf32, #tpu.memory_space<vmem>> -> memref<104x16xf32, #tpu.memory_space<vmem>>
      %dma_start3A_47 = arith.constant 0 : i32
      %dma_start3A_48 = tpu.memref_slice %arg6[%add3A_17, %dma_start3A_47] : memref<10112x16xf32, #tpu.memory_space<vmem_shared>> -> memref<104x16xf32, #tpu.memory_space<vmem_shared>>
      %dma_start3A_49 = arith.constant 0 : i32
      %dma_start3A_50 = tpu.memref_slice %arg6[%add3A_17, %dma_start3A_49] : memref<10112x16xf32, #tpu.memory_space<vmem_shared>> -> memref<104x16xf32, #tpu.memory_space<vmem_shared>>
      %dma_start3A_51 = arith.constant 0 : i32
      %dma_start3A_52 = arith.constant 0 : i32
      %dma_start3A_53 = tpu.memref_slice %arg5[%dma_start3A_51, %dma_start3A_52] : memref<125x16xf32, #tpu.memory_space<vmem>> -> memref<104x16xf32, #tpu.memory_space<vmem>>
      tpu.enqueue_dma source(%dma_start3A_53 : memref<104x16xf32, #tpu.memory_space<vmem>>) target(%dma_start3A_50 : memref<104x16xf32, #tpu.memory_space<vmem_shared>>) target_semaphore(%run_scoped3A : memref<!tpu.dma_semaphore, #tpu.memory_space<semaphore_mem>>)
      %dma_wait3A = arith.constant 0 : i32
      %dma_wait3A_54 = arith.constant 0 : i32
      %dma_wait3A_55 = tpu.memref_slice %arg5[%dma_wait3A, %dma_wait3A_54] : memref<125x16xf32, #tpu.memory_space<vmem>> -> memref<104x16xf32, #tpu.memory_space<vmem>>
      %dma_wait3A_56 = arith.constant 0 : i32
      %dma_wait3A_57 = tpu.memref_slice %arg6[%add3A_17, %dma_wait3A_56] : memref<10112x16xf32, #tpu.memory_space<vmem_shared>> -> memref<104x16xf32, #tpu.memory_space<vmem_shared>>
      %dma_wait3A_58 = arith.constant 0 : i32
      %dma_wait3A_59 = tpu.memref_slice %arg6[%add3A_17, %dma_wait3A_58] : memref<10112x16xf32, #tpu.memory_space<vmem_shared>> -> memref<104x16xf32, #tpu.memory_space<vmem_shared>>
      %dma_wait3A_60 = arith.constant 0 : i32
      %dma_wait3A_61 = arith.constant 0 : i32
      %dma_wait3A_62 = tpu.memref_slice %arg5[%dma_wait3A_60, %dma_wait3A_61] : memref<125x16xf32, #tpu.memory_space<vmem>> -> memref<104x16xf32, #tpu.memory_space<vmem>>
      tpu.wait_dma2 semaphore(%run_scoped3A : memref<!tpu.dma_semaphore, #tpu.memory_space<semaphore_mem>>) src(%dma_wait3A_62 : memref<104x16xf32, #tpu.memory_space<vmem>>) dst(%dma_wait3A_59 : memref<104x16xf32, #tpu.memory_space<vmem_shared>>)
      tpu.yield
    }) : () -> ()
    %add3A_18 = arith.constant 416 : i32
    %add3A_19 = arith.addi %mul3A_9, %add3A_18 : i32
    "tpu.region"() ({
      %run_scoped3A = tpu.sem_alloc : memref<!tpu.dma_semaphore, #tpu.memory_space<semaphore_mem>>
      %dma_start3A = arith.constant 0 : i32
      %dma_start3A_45 = arith.constant 0 : i32
      %dma_start3A_46 = tpu.memref_slice %arg5[%dma_start3A, %dma_start3A_45] : memref<125x16xf32, #tpu.memory_space<vmem>> -> memref<104x16xf32, #tpu.memory_space<vmem>>
      %dma_start3A_47 = arith.constant 0 : i32
      %dma_start3A_48 = tpu.memref_slice %arg6[%add3A_19, %dma_start3A_47] : memref<10112x16xf32, #tpu.memory_space<vmem_shared>> -> memref<104x16xf32, #tpu.memory_space<vmem_shared>>
      %dma_start3A_49 = arith.constant 0 : i32
      %dma_start3A_50 = tpu.memref_slice %arg6[%add3A_19, %dma_start3A_49] : memref<10112x16xf32, #tpu.memory_space<vmem_shared>> -> memref<104x16xf32, #tpu.memory_space<vmem_shared>>
      %dma_start3A_51 = arith.constant 0 : i32
      %dma_start3A_52 = arith.constant 0 : i32
      %dma_start3A_53 = tpu.memref_slice %arg5[%dma_start3A_51, %dma_start3A_52] : memref<125x16xf32, #tpu.memory_space<vmem>> -> memref<104x16xf32, #tpu.memory_space<vmem>>
      tpu.enqueue_dma source(%dma_start3A_53 : memref<104x16xf32, #tpu.memory_space<vmem>>) target(%dma_start3A_50 : memref<104x16xf32, #tpu.memory_space<vmem_shared>>) target_semaphore(%run_scoped3A : memref<!tpu.dma_semaphore, #tpu.memory_space<semaphore_mem>>)
      %dma_wait3A = arith.constant 0 : i32
      %dma_wait3A_54 = arith.constant 0 : i32
      %dma_wait3A_55 = tpu.memref_slice %arg5[%dma_wait3A, %dma_wait3A_54] : memref<125x16xf32, #tpu.memory_space<vmem>> -> memref<104x16xf32, #tpu.memory_space<vmem>>
      %dma_wait3A_56 = arith.constant 0 : i32
      %dma_wait3A_57 = tpu.memref_slice %arg6[%add3A_19, %dma_wait3A_56] : memref<10112x16xf32, #tpu.memory_space<vmem_shared>> -> memref<104x16xf32, #tpu.memory_space<vmem_shared>>
      %dma_wait3A_58 = arith.constant 0 : i32
      %dma_wait3A_59 = tpu.memref_slice %arg6[%add3A_19, %dma_wait3A_58] : memref<10112x16xf32, #tpu.memory_space<vmem_shared>> -> memref<104x16xf32, #tpu.memory_space<vmem_shared>>
      %dma_wait3A_60 = arith.constant 0 : i32
      %dma_wait3A_61 = arith.constant 0 : i32
      %dma_wait3A_62 = tpu.memref_slice %arg5[%dma_wait3A_60, %dma_wait3A_61] : memref<125x16xf32, #tpu.memory_space<vmem>> -> memref<104x16xf32, #tpu.memory_space<vmem>>
      tpu.wait_dma2 semaphore(%run_scoped3A : memref<!tpu.dma_semaphore, #tpu.memory_space<semaphore_mem>>) src(%dma_wait3A_62 : memref<104x16xf32, #tpu.memory_space<vmem>>) dst(%dma_wait3A_59 : memref<104x16xf32, #tpu.memory_space<vmem_shared>>)
      tpu.yield
    }) : () -> ()
    %add3A_20 = arith.constant 520 : i32
    %add3A_21 = arith.addi %mul3A_9, %add3A_20 : i32
    "tpu.region"() ({
      %run_scoped3A = tpu.sem_alloc : memref<!tpu.dma_semaphore, #tpu.memory_space<semaphore_mem>>
      %dma_start3A = arith.constant 0 : i32
      %dma_start3A_45 = arith.constant 0 : i32
      %dma_start3A_46 = tpu.memref_slice %arg5[%dma_start3A, %dma_start3A_45] : memref<125x16xf32, #tpu.memory_space<vmem>> -> memref<104x16xf32, #tpu.memory_space<vmem>>
      %dma_start3A_47 = arith.constant 0 : i32
      %dma_start3A_48 = tpu.memref_slice %arg6[%add3A_21, %dma_start3A_47] : memref<10112x16xf32, #tpu.memory_space<vmem_shared>> -> memref<104x16xf32, #tpu.memory_space<vmem_shared>>
      %dma_start3A_49 = arith.constant 0 : i32
      %dma_start3A_50 = tpu.memref_slice %arg6[%add3A_21, %dma_start3A_49] : memref<10112x16xf32, #tpu.memory_space<vmem_shared>> -> memref<104x16xf32, #tpu.memory_space<vmem_shared>>
      %dma_start3A_51 = arith.constant 0 : i32
      %dma_start3A_52 = arith.constant 0 : i32
      %dma_start3A_53 = tpu.memref_slice %arg5[%dma_start3A_51, %dma_start3A_52] : memref<125x16xf32, #tpu.memory_space<vmem>> -> memref<104x16xf32, #tpu.memory_space<vmem>>
      tpu.enqueue_dma source(%dma_start3A_53 : memref<104x16xf32, #tpu.memory_space<vmem>>) target(%dma_start3A_50 : memref<104x16xf32, #tpu.memory_space<vmem_shared>>) target_semaphore(%run_scoped3A : memref<!tpu.dma_semaphore, #tpu.memory_space<semaphore_mem>>)
      %dma_wait3A = arith.constant 0 : i32
      %dma_wait3A_54 = arith.constant 0 : i32
      %dma_wait3A_55 = tpu.memref_slice %arg5[%dma_wait3A, %dma_wait3A_54] : memref<125x16xf32, #tpu.memory_space<vmem>> -> memref<104x16xf32, #tpu.memory_space<vmem>>
      %dma_wait3A_56 = arith.constant 0 : i32
      %dma_wait3A_57 = tpu.memref_slice %arg6[%add3A_21, %dma_wait3A_56] : memref<10112x16xf32, #tpu.memory_space<vmem_shared>> -> memref<104x16xf32, #tpu.memory_space<vmem_shared>>
      %dma_wait3A_58 = arith.constant 0 : i32
      %dma_wait3A_59 = tpu.memref_slice %arg6[%add3A_21, %dma_wait3A_58] : memref<10112x16xf32, #tpu.memory_space<vmem_shared>> -> memref<104x16xf32, #tpu.memory_space<vmem_shared>>
      %dma_wait3A_60 = arith.constant 0 : i32
      %dma_wait3A_61 = arith.constant 0 : i32
      %dma_wait3A_62 = tpu.memref_slice %arg5[%dma_wait3A_60, %dma_wait3A_61] : memref<125x16xf32, #tpu.memory_space<vmem>> -> memref<104x16xf32, #tpu.memory_space<vmem>>
      tpu.wait_dma2 semaphore(%run_scoped3A : memref<!tpu.dma_semaphore, #tpu.memory_space<semaphore_mem>>) src(%dma_wait3A_62 : memref<104x16xf32, #tpu.memory_space<vmem>>) dst(%dma_wait3A_59 : memref<104x16xf32, #tpu.memory_space<vmem_shared>>)
      tpu.yield
    }) : () -> ()
    %add3A_22 = arith.constant 624 : i32
    %add3A_23 = arith.addi %mul3A_9, %add3A_22 : i32
    "tpu.region"() ({
      %run_scoped3A = tpu.sem_alloc : memref<!tpu.dma_semaphore, #tpu.memory_space<semaphore_mem>>
      %dma_start3A = arith.constant 0 : i32
      %dma_start3A_45 = arith.constant 0 : i32
      %dma_start3A_46 = tpu.memref_slice %arg5[%dma_start3A, %dma_start3A_45] : memref<125x16xf32, #tpu.memory_space<vmem>> -> memref<8x16xf32, #tpu.memory_space<vmem>>
      %dma_start3A_47 = arith.constant 0 : i32
      %dma_start3A_48 = tpu.memref_slice %arg6[%add3A_23, %dma_start3A_47] : memref<10112x16xf32, #tpu.memory_space<vmem_shared>> -> memref<8x16xf32, #tpu.memory_space<vmem_shared>>
      %dma_start3A_49 = arith.constant 0 : i32
      %dma_start3A_50 = tpu.memref_slice %arg6[%add3A_23, %dma_start3A_49] : memref<10112x16xf32, #tpu.memory_space<vmem_shared>> -> memref<8x16xf32, #tpu.memory_space<vmem_shared>>
      %dma_start3A_51 = arith.constant 0 : i32
      %dma_start3A_52 = arith.constant 0 : i32
      %dma_start3A_53 = tpu.memref_slice %arg5[%dma_start3A_51, %dma_start3A_52] : memref<125x16xf32, #tpu.memory_space<vmem>> -> memref<8x16xf32, #tpu.memory_space<vmem>>
      tpu.enqueue_dma source(%dma_start3A_53 : memref<8x16xf32, #tpu.memory_space<vmem>>) target(%dma_start3A_50 : memref<8x16xf32, #tpu.memory_space<vmem_shared>>) target_semaphore(%run_scoped3A : memref<!tpu.dma_semaphore, #tpu.memory_space<semaphore_mem>>)
      %dma_wait3A = arith.constant 0 : i32
      %dma_wait3A_54 = arith.constant 0 : i32
      %dma_wait3A_55 = tpu.memref_slice %arg5[%dma_wait3A, %dma_wait3A_54] : memref<125x16xf32, #tpu.memory_space<vmem>> -> memref<8x16xf32, #tpu.memory_space<vmem>>
      %dma_wait3A_56 = arith.constant 0 : i32
      %dma_wait3A_57 = tpu.memref_slice %arg6[%add3A_23, %dma_wait3A_56] : memref<10112x16xf32, #tpu.memory_space<vmem_shared>> -> memref<8x16xf32, #tpu.memory_space<vmem_shared>>
      %dma_wait3A_58 = arith.constant 0 : i32
      %dma_wait3A_59 = tpu.memref_slice %arg6[%add3A_23, %dma_wait3A_58] : memref<10112x16xf32, #tpu.memory_space<vmem_shared>> -> memref<8x16xf32, #tpu.memory_space<vmem_shared>>
      %dma_wait3A_60 = arith.constant 0 : i32
      %dma_wait3A_61 = arith.constant 0 : i32
      %dma_wait3A_62 = tpu.memref_slice %arg5[%dma_wait3A_60, %dma_wait3A_61] : memref<125x16xf32, #tpu.memory_space<vmem>> -> memref<8x16xf32, #tpu.memory_space<vmem>>
      tpu.wait_dma2 semaphore(%run_scoped3A : memref<!tpu.dma_semaphore, #tpu.memory_space<semaphore_mem>>) src(%dma_wait3A_62 : memref<8x16xf32, #tpu.memory_space<vmem>>) dst(%dma_wait3A_59 : memref<8x16xf32, #tpu.memory_space<vmem_shared>>)
      tpu.yield
    }) : () -> ()
    %broadcast_in_dim3A_24 = arith.constant 1.000000e+00 : f32
    %broadcast_in_dim3A_25 = vector.broadcast %broadcast_in_dim3A_24 : f32 to vector<16xf32>
    %scan3A_26 = arith.constant 0 : i32
    %scan3A_27 = arith.constant 0 : i32
    %scan3A_28 = arith.constant 125 : i32
    %scan3A_29 = arith.addi %scan3A_27, %scan3A_28 : i32
    %scan3A_30 = arith.constant 1 : i32
    %scan3A_31 = scf.for %scan3A_45 = %scan3A_27 to %scan3A_29 step %scan3A_30 iter_args(%scan3A_46 = %scan3A_26) -> (i32)  : i32 {
      %swap3A = arith.index_cast %scan3A_45 : i32 to index
      %swap3A_47 = arith.constant 0 : index
      %swap3A_48 = tpu.vector_load %arg5[%swap3A, %swap3A_47] {strides = array<i32>} : memref<125x16xf32, #tpu.memory_space<vmem>>, vector<1x16xf32>,
      %swap3A_49 = vector.shape_cast %swap3A_48 : vector<1x16xf32> to vector<16xf32>
      %swap3A_50 = vector.shape_cast %broadcast_in_dim3A_25 : vector<16xf32> to vector<1x16xf32>
      tpu.vector_store %arg5[%swap3A, %swap3A_47], %swap3A_50 {strides = array<i32>} : memref<125x16xf32, #tpu.memory_space<vmem>>, vector<1x16xf32>,
      %scan3A_51 = arith.constant 0 : i32
      scf.yield %scan3A_51 : i32
    }
    %scan3A_32 = arith.constant 125 : i32
    %barrier3A = arith.constant 0 : index
    tpu.barrier barrier_id(%barrier3A)
    %scan3A_33 = arith.constant 0 : i32
    %scan3A_34 = arith.constant 0 : i32
    %scan3A_35 = arith.constant 80 : i32
    %scan3A_36 = arith.addi %scan3A_34, %scan3A_35 : i32
    %scan3A_37 = arith.constant 1 : i32
    %scan3A_38 = scf.for %scan3A_45 = %scan3A_34 to %scan3A_36 step %scan3A_37 iter_args(%scan3A_46 = %scan3A_33) -> (i32)  : i32 {
      "tpu.region"() ({
        %run_scoped3A = tpu.sem_alloc : memref<!tpu.dma_semaphore, #tpu.memory_space<semaphore_mem>>
        %dma_start3A = arith.constant 0 : i32
        %dma_start3A_48 = tpu.memref_slice %arg4[%scan3A_45, %dma_start3A] : memref<80x125xi32, #tpu.memory_space<vmem>> -> memref<1x125xi32, #tpu.memory_space<vmem>>
        %dma_start3A_49 = tpu.memref_squeeze %dma_start3A_48 : memref<1x125xi32, #tpu.memory_space<vmem>> -> memref<125xi32, #tpu.memory_space<vmem>>
        %dma_start3A_50 = arith.constant 0 : i32
        %dma_start3A_51 = arith.constant 0 : i32
        %dma_start3A_52 = tpu.memref_slice %arg6[%dma_start3A_50, %dma_start3A_51] : memref<10112x16xf32, #tpu.memory_space<vmem_shared>> -> memref<10112x16xf32, #tpu.memory_space<vmem_shared>>
        tpu.enqueue_indirect_dma source(%arg5 : memref<125x16xf32, #tpu.memory_space<vmem>>) target(%dma_start3A_52 : memref<10112x16xf32, #tpu.memory_space<vmem_shared>>) offsets(%dma_start3A_49 : memref<125xi32, #tpu.memory_space<vmem>>) semaphore(%run_scoped3A : memref<!tpu.dma_semaphore, #tpu.memory_space<semaphore_mem>>) {add = true}
        %dma_wait3A = arith.constant 0 : i32
        %dma_wait3A_53 = tpu.memref_slice %arg4[%scan3A_45, %dma_wait3A] : memref<80x125xi32, #tpu.memory_space<vmem>> -> memref<1x125xi32, #tpu.memory_space<vmem>>
        %dma_wait3A_54 = tpu.memref_squeeze %dma_wait3A_53 : memref<1x125xi32, #tpu.memory_space<vmem>> -> memref<125xi32, #tpu.memory_space<vmem>>
        %dma_wait3A_55 = arith.constant 0 : i32
        %dma_wait3A_56 = arith.constant 0 : i32
        %dma_wait3A_57 = tpu.memref_slice %arg6[%dma_wait3A_55, %dma_wait3A_56] : memref<10112x16xf32, #tpu.memory_space<vmem_shared>> -> memref<10112x16xf32, #tpu.memory_space<vmem_shared>>
        tpu.wait_indirect_dma semaphore(%run_scoped3A : memref<!tpu.dma_semaphore, #tpu.memory_space<semaphore_mem>>) src(%arg5 : memref<125x16xf32, #tpu.memory_space<vmem>>) dst(%dma_wait3A_57 : memref<10112x16xf32, #tpu.memory_space<vmem_shared>>)
        tpu.yield
      }) : () -> ()
      %scan3A_47 = arith.constant 0 : i32
      scf.yield %scan3A_47 : i32
    }
    %scan3A_39 = arith.constant 80 : i32
    %barrier3A_40 = arith.constant 0 : index
    tpu.barrier barrier_id(%barrier3A_40)
    %mul3A_41 = arith.constant 624 : i32
    %mul3A_42 = arith.muli %arg1, %mul3A_41 : i32
    "tpu.region"() ({
      %run_scoped3A = tpu.sem_alloc : memref<!tpu.dma_semaphore, #tpu.memory_space<semaphore_mem>>
      %dma_start3A = arith.constant 0 : i32
      %dma_start3A_45 = tpu.memref_slice %arg3[%arg0, %mul3A_42, %dma_start3A] : memref<2x10000x16xf32, #tpu.memory_space<hbm>> -> memref<1x624x16xf32, #tpu.memory_space<hbm>>
      %dma_start3A_46 = tpu.memref_squeeze %dma_start3A_45 : memref<1x624x16xf32, #tpu.memory_space<hbm>> -> memref<624x16xf32, #tpu.memory_space<hbm>>
      %dma_start3A_47 = arith.constant 0 : i32
      %dma_start3A_48 = tpu.memref_slice %arg6[%mul3A_42, %dma_start3A_47] : memref<10112x16xf32, #tpu.memory_space<vmem_shared>> -> memref<624x16xf32, #tpu.memory_space<vmem_shared>>
      tpu.enqueue_dma source(%dma_start3A_48 : memref<624x16xf32, #tpu.memory_space<vmem_shared>>) target(%dma_start3A_46 : memref<624x16xf32, #tpu.memory_space<hbm>>) target_semaphore(%run_scoped3A : memref<!tpu.dma_semaphore, #tpu.memory_space<semaphore_mem>>)
      %dma_wait3A = arith.constant 0 : i32
      %dma_wait3A_49 = tpu.memref_slice %arg3[%arg0, %mul3A_42, %dma_wait3A] : memref<2x10000x16xf32, #tpu.memory_space<hbm>> -> memref<1x624x16xf32, #tpu.memory_space<hbm>>
      %dma_wait3A_50 = tpu.memref_squeeze %dma_wait3A_49 : memref<1x624x16xf32, #tpu.memory_space<hbm>> -> memref<624x16xf32, #tpu.memory_space<hbm>>
      %dma_wait3A_51 = arith.constant 0 : i32
      %dma_wait3A_52 = tpu.memref_slice %arg6[%mul3A_42, %dma_wait3A_51] : memref<10112x16xf32, #tpu.memory_space<vmem_shared>> -> memref<624x16xf32, #tpu.memory_space<vmem_shared>>
      tpu.wait_dma2 semaphore(%run_scoped3A : memref<!tpu.dma_semaphore, #tpu.memory_space<semaphore_mem>>) src(%dma_wait3A_52 : memref<624x16xf32, #tpu.memory_space<vmem_shared>>) dst(%dma_wait3A_50 : memref<624x16xf32, #tpu.memory_space<hbm>>)
      tpu.yield
    }) : () -> ()
    %eq3A = arith.constant 15 : i32
    %eq3A_43 = arith.cmpi eq, %arg1, %eq3A : i32
    %convert_element_type3A = arith.extui %eq3A_43 : i1 to i32
    %cond3A = arith.constant 0 : i32
    %cond3A_44 = arith.cmpi ne, %convert_element_type3A, %cond3A : i32
    scf.if %cond3A_44 {
      "tpu.region"() ({
        %run_scoped3A = tpu.sem_alloc : memref<!tpu.dma_semaphore, #tpu.memory_space<semaphore_mem>>
        %dma_start3A = arith.constant 9984 : i32
        %dma_start3A_45 = arith.constant 0 : i32
        %dma_start3A_46 = tpu.memref_slice %arg3[%arg0, %dma_start3A, %dma_start3A_45] : memref<2x10000x16xf32, #tpu.memory_space<hbm>> -> memref<1x16x16xf32, #tpu.memory_space<hbm>>
        %dma_start3A_47 = tpu.memref_squeeze %dma_start3A_46 : memref<1x16x16xf32, #tpu.memory_space<hbm>> -> memref<16x16xf32, #tpu.memory_space<hbm>>
        %dma_start3A_48 = arith.constant 9984 : i32
        %dma_start3A_49 = arith.constant 0 : i32
        %dma_start3A_50 = tpu.memref_slice %arg6[%dma_start3A_48, %dma_start3A_49] : memref<10112x16xf32, #tpu.memory_space<vmem_shared>> -> memref<16x16xf32, #tpu.memory_space<vmem_shared>>
        tpu.enqueue_dma source(%dma_start3A_50 : memref<16x16xf32, #tpu.memory_space<vmem_shared>>) target(%dma_start3A_47 : memref<16x16xf32, #tpu.memory_space<hbm>>) target_semaphore(%run_scoped3A : memref<!tpu.dma_semaphore, #tpu.memory_space<semaphore_mem>>)
        %dma_wait3A = arith.constant 9984 : i32
        %dma_wait3A_51 = arith.constant 0 : i32
        %dma_wait3A_52 = tpu.memref_slice %arg3[%arg0, %dma_wait3A, %dma_wait3A_51] : memref<2x10000x16xf32, #tpu.memory_space<hbm>> -> memref<1x16x16xf32, #tpu.memory_space<hbm>>
        %dma_wait3A_53 = tpu.memref_squeeze %dma_wait3A_52 : memref<1x16x16xf32, #tpu.memory_space<hbm>> -> memref<16x16xf32, #tpu.memory_space<hbm>>
        %dma_wait3A_54 = arith.constant 9984 : i32
        %dma_wait3A_55 = arith.constant 0 : i32
        %dma_wait3A_56 = tpu.memref_slice %arg6[%dma_wait3A_54, %dma_wait3A_55] : memref<10112x16xf32, #tpu.memory_space<vmem_shared>> -> memref<16x16xf32, #tpu.memory_space<vmem_shared>>
        tpu.wait_dma2 semaphore(%run_scoped3A : memref<!tpu.dma_semaphore, #tpu.memory_space<semaphore_mem>>) src(%dma_wait3A_56 : memref<16x16xf32, #tpu.memory_space<vmem_shared>>) dst(%dma_wait3A_53 : memref<16x16xf32, #tpu.memory_space<hbm>>)
        tpu.yield
      }) : () -> ()
    } else {
    }
    return
  }
}

#map = affine_map<(d0, d1) -> (0, 0)>
#map1 = affine_map<(d0, d1) -> (0, 0, 0)>
module attributes {stable_mosaic.version = 14 : i64} {
  func.func @_agg_kernel(%arg0: i32, %arg1: i32, %arg2: memref<10000x128xf32, #tpu.memory_space<hbm>>, %arg3: memref<32x80x125xi32, #tpu.memory_space<hbm>>, %arg4: memref<32x80x125xi32, #tpu.memory_space<hbm>>, %arg5: memref<2x10000x128xf32, #tpu.memory_space<hbm>>, %arg6: memref<80x125xi32, #tpu.memory_space<vmem>>, %arg7: memref<80x125xi32, #tpu.memory_space<vmem>>, %arg8: memref<125x128xf32, #tpu.memory_space<vmem>>, %arg9: memref<10112x128xf32, #tpu.memory_space<vmem_shared>>, %arg10: memref<!tpu.dma_semaphore, #tpu.memory_space<semaphore_mem>>) attributes {dimension_semantics = [#tpu.dimension_semantics<core_parallel>, #tpu.dimension_semantics<subcore_parallel>], iteration_bounds = array<i64: 2, 16>, scalar_prefetch = 0 : i64, scratch_operands = 5 : i64, tpu.core_type = #tpu.core_type<sc_vector_subcore>, window_params = [{transform_indices = #map}, {transform_indices = #map1}, {transform_indices = #map1}, {transform_indices = #map1}]} {
    %mul3A = arith.constant 16 : i32
    %mul3A_0 = arith.muli %arg0, %mul3A : i32
    %add3A = arith.addi %mul3A_0, %arg1 : i32
    "tpu.region"() ({
      %run_scoped3A = tpu.sem_alloc : memref<!tpu.dma_semaphore, #tpu.memory_space<semaphore_mem>>
      %dma_start3A = arith.constant 0 : i32
      %dma_start3A_36 = arith.constant 0 : i32
      %dma_start3A_37 = tpu.memref_slice %arg3[%add3A, %dma_start3A, %dma_start3A_36] : memref<32x80x125xi32, #tpu.memory_space<hbm>> -> memref<1x80x125xi32, #tpu.memory_space<hbm>>
      %dma_start3A_38 = tpu.memref_squeeze %dma_start3A_37 : memref<1x80x125xi32, #tpu.memory_space<hbm>> -> memref<80x125xi32, #tpu.memory_space<hbm>>
      %dma_start3A_39 = arith.constant 0 : i32
      %dma_start3A_40 = arith.constant 0 : i32
      %dma_start3A_41 = tpu.memref_slice %arg3[%add3A, %dma_start3A_39, %dma_start3A_40] : memref<32x80x125xi32, #tpu.memory_space<hbm>> -> memref<1x80x125xi32, #tpu.memory_space<hbm>>
      %dma_start3A_42 = tpu.memref_squeeze %dma_start3A_41 : memref<1x80x125xi32, #tpu.memory_space<hbm>> -> memref<80x125xi32, #tpu.memory_space<hbm>>
      tpu.enqueue_dma source(%dma_start3A_42 : memref<80x125xi32, #tpu.memory_space<hbm>>) target(%arg6 : memref<80x125xi32, #tpu.memory_space<vmem>>) target_semaphore(%run_scoped3A : memref<!tpu.dma_semaphore, #tpu.memory_space<semaphore_mem>>)
      %dma_wait3A = arith.constant 0 : i32
      %dma_wait3A_43 = arith.constant 0 : i32
      %dma_wait3A_44 = tpu.memref_slice %arg3[%add3A, %dma_wait3A, %dma_wait3A_43] : memref<32x80x125xi32, #tpu.memory_space<hbm>> -> memref<1x80x125xi32, #tpu.memory_space<hbm>>
      %dma_wait3A_45 = tpu.memref_squeeze %dma_wait3A_44 : memref<1x80x125xi32, #tpu.memory_space<hbm>> -> memref<80x125xi32, #tpu.memory_space<hbm>>
      %dma_wait3A_46 = arith.constant 0 : i32
      %dma_wait3A_47 = arith.constant 0 : i32
      %dma_wait3A_48 = tpu.memref_slice %arg3[%add3A, %dma_wait3A_46, %dma_wait3A_47] : memref<32x80x125xi32, #tpu.memory_space<hbm>> -> memref<1x80x125xi32, #tpu.memory_space<hbm>>
      %dma_wait3A_49 = tpu.memref_squeeze %dma_wait3A_48 : memref<1x80x125xi32, #tpu.memory_space<hbm>> -> memref<80x125xi32, #tpu.memory_space<hbm>>
      tpu.wait_dma2 semaphore(%run_scoped3A : memref<!tpu.dma_semaphore, #tpu.memory_space<semaphore_mem>>) src(%dma_wait3A_49 : memref<80x125xi32, #tpu.memory_space<hbm>>) dst(%arg6 : memref<80x125xi32, #tpu.memory_space<vmem>>)
      tpu.yield
    }) : () -> ()
    "tpu.region"() ({
      %run_scoped3A = tpu.sem_alloc : memref<!tpu.dma_semaphore, #tpu.memory_space<semaphore_mem>>
      %dma_start3A = arith.constant 0 : i32
      %dma_start3A_36 = arith.constant 0 : i32
      %dma_start3A_37 = tpu.memref_slice %arg4[%add3A, %dma_start3A, %dma_start3A_36] : memref<32x80x125xi32, #tpu.memory_space<hbm>> -> memref<1x80x125xi32, #tpu.memory_space<hbm>>
      %dma_start3A_38 = tpu.memref_squeeze %dma_start3A_37 : memref<1x80x125xi32, #tpu.memory_space<hbm>> -> memref<80x125xi32, #tpu.memory_space<hbm>>
      %dma_start3A_39 = arith.constant 0 : i32
      %dma_start3A_40 = arith.constant 0 : i32
      %dma_start3A_41 = tpu.memref_slice %arg4[%add3A, %dma_start3A_39, %dma_start3A_40] : memref<32x80x125xi32, #tpu.memory_space<hbm>> -> memref<1x80x125xi32, #tpu.memory_space<hbm>>
      %dma_start3A_42 = tpu.memref_squeeze %dma_start3A_41 : memref<1x80x125xi32, #tpu.memory_space<hbm>> -> memref<80x125xi32, #tpu.memory_space<hbm>>
      tpu.enqueue_dma source(%dma_start3A_42 : memref<80x125xi32, #tpu.memory_space<hbm>>) target(%arg7 : memref<80x125xi32, #tpu.memory_space<vmem>>) target_semaphore(%run_scoped3A : memref<!tpu.dma_semaphore, #tpu.memory_space<semaphore_mem>>)
      %dma_wait3A = arith.constant 0 : i32
      %dma_wait3A_43 = arith.constant 0 : i32
      %dma_wait3A_44 = tpu.memref_slice %arg4[%add3A, %dma_wait3A, %dma_wait3A_43] : memref<32x80x125xi32, #tpu.memory_space<hbm>> -> memref<1x80x125xi32, #tpu.memory_space<hbm>>
      %dma_wait3A_45 = tpu.memref_squeeze %dma_wait3A_44 : memref<1x80x125xi32, #tpu.memory_space<hbm>> -> memref<80x125xi32, #tpu.memory_space<hbm>>
      %dma_wait3A_46 = arith.constant 0 : i32
      %dma_wait3A_47 = arith.constant 0 : i32
      %dma_wait3A_48 = tpu.memref_slice %arg4[%add3A, %dma_wait3A_46, %dma_wait3A_47] : memref<32x80x125xi32, #tpu.memory_space<hbm>> -> memref<1x80x125xi32, #tpu.memory_space<hbm>>
      %dma_wait3A_49 = tpu.memref_squeeze %dma_wait3A_48 : memref<1x80x125xi32, #tpu.memory_space<hbm>> -> memref<80x125xi32, #tpu.memory_space<hbm>>
      tpu.wait_dma2 semaphore(%run_scoped3A : memref<!tpu.dma_semaphore, #tpu.memory_space<semaphore_mem>>) src(%dma_wait3A_49 : memref<80x125xi32, #tpu.memory_space<hbm>>) dst(%arg7 : memref<80x125xi32, #tpu.memory_space<vmem>>)
      tpu.yield
    }) : () -> ()
    %broadcast_in_dim3A = arith.constant 0.000000e+00 : f32
    %broadcast_in_dim3A_1 = vector.broadcast %broadcast_in_dim3A : f32 to vector<16xf32>
    %scan3A = arith.constant 0 : i32
    %scan3A_2 = arith.constant 0 : i32
    %scan3A_3 = arith.constant 125 : i32
    %scan3A_4 = arith.addi %scan3A_2, %scan3A_3 : i32
    %scan3A_5 = arith.constant 1 : i32
    %scan3A_6 = scf.for %scan3A_36 = %scan3A_2 to %scan3A_4 step %scan3A_5 iter_args(%scan3A_37 = %scan3A) -> (i32)  : i32 {
      %swap3A = arith.index_cast %scan3A_36 : i32 to index
      %swap3A_38 = arith.constant 0 : index
      %swap3A_39 = tpu.vector_load %arg8[%swap3A, %swap3A_38] {strides = array<i32>} : memref<125x128xf32, #tpu.memory_space<vmem>>, vector<1x16xf32>,
      %swap3A_40 = vector.shape_cast %swap3A_39 : vector<1x16xf32> to vector<16xf32>
      %swap3A_41 = vector.shape_cast %broadcast_in_dim3A_1 : vector<16xf32> to vector<1x16xf32>
      tpu.vector_store %arg8[%swap3A, %swap3A_38], %swap3A_41 {strides = array<i32>} : memref<125x128xf32, #tpu.memory_space<vmem>>, vector<1x16xf32>,
      %swap3A_42 = arith.index_cast %scan3A_36 : i32 to index
      %swap3A_43 = arith.constant 16 : index
      %swap3A_44 = tpu.vector_load %arg8[%swap3A_42, %swap3A_43] {strides = array<i32>} : memref<125x128xf32, #tpu.memory_space<vmem>>, vector<1x16xf32>,
      %swap3A_45 = vector.shape_cast %swap3A_44 : vector<1x16xf32> to vector<16xf32>
      %swap3A_46 = vector.shape_cast %broadcast_in_dim3A_1 : vector<16xf32> to vector<1x16xf32>
      tpu.vector_store %arg8[%swap3A_42, %swap3A_43], %swap3A_46 {strides = array<i32>} : memref<125x128xf32, #tpu.memory_space<vmem>>, vector<1x16xf32>,
      %swap3A_47 = arith.index_cast %scan3A_36 : i32 to index
      %swap3A_48 = arith.constant 32 : index
      %swap3A_49 = tpu.vector_load %arg8[%swap3A_47, %swap3A_48] {strides = array<i32>} : memref<125x128xf32, #tpu.memory_space<vmem>>, vector<1x16xf32>,
      %swap3A_50 = vector.shape_cast %swap3A_49 : vector<1x16xf32> to vector<16xf32>
      %swap3A_51 = vector.shape_cast %broadcast_in_dim3A_1 : vector<16xf32> to vector<1x16xf32>
      tpu.vector_store %arg8[%swap3A_47, %swap3A_48], %swap3A_51 {strides = array<i32>} : memref<125x128xf32, #tpu.memory_space<vmem>>, vector<1x16xf32>,
      %swap3A_52 = arith.index_cast %scan3A_36 : i32 to index
      %swap3A_53 = arith.constant 48 : index
      %swap3A_54 = tpu.vector_load %arg8[%swap3A_52, %swap3A_53] {strides = array<i32>} : memref<125x128xf32, #tpu.memory_space<vmem>>, vector<1x16xf32>,
      %swap3A_55 = vector.shape_cast %swap3A_54 : vector<1x16xf32> to vector<16xf32>
      %swap3A_56 = vector.shape_cast %broadcast_in_dim3A_1 : vector<16xf32> to vector<1x16xf32>
      tpu.vector_store %arg8[%swap3A_52, %swap3A_53], %swap3A_56 {strides = array<i32>} : memref<125x128xf32, #tpu.memory_space<vmem>>, vector<1x16xf32>,
      %swap3A_57 = arith.index_cast %scan3A_36 : i32 to index
      %swap3A_58 = arith.constant 64 : index
      %swap3A_59 = tpu.vector_load %arg8[%swap3A_57, %swap3A_58] {strides = array<i32>} : memref<125x128xf32, #tpu.memory_space<vmem>>, vector<1x16xf32>,
      %swap3A_60 = vector.shape_cast %swap3A_59 : vector<1x16xf32> to vector<16xf32>
      %swap3A_61 = vector.shape_cast %broadcast_in_dim3A_1 : vector<16xf32> to vector<1x16xf32>
      tpu.vector_store %arg8[%swap3A_57, %swap3A_58], %swap3A_61 {strides = array<i32>} : memref<125x128xf32, #tpu.memory_space<vmem>>, vector<1x16xf32>,
      %swap3A_62 = arith.index_cast %scan3A_36 : i32 to index
      %swap3A_63 = arith.constant 80 : index
      %swap3A_64 = tpu.vector_load %arg8[%swap3A_62, %swap3A_63] {strides = array<i32>} : memref<125x128xf32, #tpu.memory_space<vmem>>, vector<1x16xf32>,
      %swap3A_65 = vector.shape_cast %swap3A_64 : vector<1x16xf32> to vector<16xf32>
      %swap3A_66 = vector.shape_cast %broadcast_in_dim3A_1 : vector<16xf32> to vector<1x16xf32>
      tpu.vector_store %arg8[%swap3A_62, %swap3A_63], %swap3A_66 {strides = array<i32>} : memref<125x128xf32, #tpu.memory_space<vmem>>, vector<1x16xf32>,
      %swap3A_67 = arith.index_cast %scan3A_36 : i32 to index
      %swap3A_68 = arith.constant 96 : index
      %swap3A_69 = tpu.vector_load %arg8[%swap3A_67, %swap3A_68] {strides = array<i32>} : memref<125x128xf32, #tpu.memory_space<vmem>>, vector<1x16xf32>,
      %swap3A_70 = vector.shape_cast %swap3A_69 : vector<1x16xf32> to vector<16xf32>
      %swap3A_71 = vector.shape_cast %broadcast_in_dim3A_1 : vector<16xf32> to vector<1x16xf32>
      tpu.vector_store %arg8[%swap3A_67, %swap3A_68], %swap3A_71 {strides = array<i32>} : memref<125x128xf32, #tpu.memory_space<vmem>>, vector<1x16xf32>,
      %swap3A_72 = arith.index_cast %scan3A_36 : i32 to index
      %swap3A_73 = arith.constant 112 : index
      %swap3A_74 = tpu.vector_load %arg8[%swap3A_72, %swap3A_73] {strides = array<i32>} : memref<125x128xf32, #tpu.memory_space<vmem>>, vector<1x16xf32>,
      %swap3A_75 = vector.shape_cast %swap3A_74 : vector<1x16xf32> to vector<16xf32>
      %swap3A_76 = vector.shape_cast %broadcast_in_dim3A_1 : vector<16xf32> to vector<1x16xf32>
      tpu.vector_store %arg8[%swap3A_72, %swap3A_73], %swap3A_76 {strides = array<i32>} : memref<125x128xf32, #tpu.memory_space<vmem>>, vector<1x16xf32>,
      %scan3A_77 = arith.constant 0 : i32
      scf.yield %scan3A_77 : i32
    }
    %scan3A_7 = arith.constant 125 : i32
    %mul3A_8 = arith.constant 632 : i32
    %mul3A_9 = arith.muli %arg1, %mul3A_8 : i32
    %add3A_10 = arith.constant 0 : i32
    %add3A_11 = arith.addi %mul3A_9, %add3A_10 : i32
    "tpu.region"() ({
      %run_scoped3A = tpu.sem_alloc : memref<!tpu.dma_semaphore, #tpu.memory_space<semaphore_mem>>
      %dma_start3A = arith.constant 0 : i32
      %dma_start3A_36 = arith.constant 0 : i32
      %dma_start3A_37 = tpu.memref_slice %arg8[%dma_start3A, %dma_start3A_36] : memref<125x128xf32, #tpu.memory_space<vmem>> -> memref<104x128xf32, #tpu.memory_space<vmem>>
      %dma_start3A_38 = arith.constant 0 : i32
      %dma_start3A_39 = tpu.memref_slice %arg9[%add3A_11, %dma_start3A_38] : memref<10112x128xf32, #tpu.memory_space<vmem_shared>> -> memref<104x128xf32, #tpu.memory_space<vmem_shared>>
      %dma_start3A_40 = arith.constant 0 : i32
      %dma_start3A_41 = tpu.memref_slice %arg9[%add3A_11, %dma_start3A_40] : memref<10112x128xf32, #tpu.memory_space<vmem_shared>> -> memref<104x128xf32, #tpu.memory_space<vmem_shared>>
      %dma_start3A_42 = arith.constant 0 : i32
      %dma_start3A_43 = arith.constant 0 : i32
      %dma_start3A_44 = tpu.memref_slice %arg8[%dma_start3A_42, %dma_start3A_43] : memref<125x128xf32, #tpu.memory_space<vmem>> -> memref<104x128xf32, #tpu.memory_space<vmem>>
      tpu.enqueue_dma source(%dma_start3A_44 : memref<104x128xf32, #tpu.memory_space<vmem>>) target(%dma_start3A_41 : memref<104x128xf32, #tpu.memory_space<vmem_shared>>) target_semaphore(%run_scoped3A : memref<!tpu.dma_semaphore, #tpu.memory_space<semaphore_mem>>)
      %dma_wait3A = arith.constant 0 : i32
      %dma_wait3A_45 = arith.constant 0 : i32
      %dma_wait3A_46 = tpu.memref_slice %arg8[%dma_wait3A, %dma_wait3A_45] : memref<125x128xf32, #tpu.memory_space<vmem>> -> memref<104x128xf32, #tpu.memory_space<vmem>>
      %dma_wait3A_47 = arith.constant 0 : i32
      %dma_wait3A_48 = tpu.memref_slice %arg9[%add3A_11, %dma_wait3A_47] : memref<10112x128xf32, #tpu.memory_space<vmem_shared>> -> memref<104x128xf32, #tpu.memory_space<vmem_shared>>
      %dma_wait3A_49 = arith.constant 0 : i32
      %dma_wait3A_50 = tpu.memref_slice %arg9[%add3A_11, %dma_wait3A_49] : memref<10112x128xf32, #tpu.memory_space<vmem_shared>> -> memref<104x128xf32, #tpu.memory_space<vmem_shared>>
      %dma_wait3A_51 = arith.constant 0 : i32
      %dma_wait3A_52 = arith.constant 0 : i32
      %dma_wait3A_53 = tpu.memref_slice %arg8[%dma_wait3A_51, %dma_wait3A_52] : memref<125x128xf32, #tpu.memory_space<vmem>> -> memref<104x128xf32, #tpu.memory_space<vmem>>
      tpu.wait_dma2 semaphore(%run_scoped3A : memref<!tpu.dma_semaphore, #tpu.memory_space<semaphore_mem>>) src(%dma_wait3A_53 : memref<104x128xf32, #tpu.memory_space<vmem>>) dst(%dma_wait3A_50 : memref<104x128xf32, #tpu.memory_space<vmem_shared>>)
      tpu.yield
    }) : () -> ()
    %add3A_12 = arith.constant 104 : i32
    %add3A_13 = arith.addi %mul3A_9, %add3A_12 : i32
    "tpu.region"() ({
      %run_scoped3A = tpu.sem_alloc : memref<!tpu.dma_semaphore, #tpu.memory_space<semaphore_mem>>
      %dma_start3A = arith.constant 0 : i32
      %dma_start3A_36 = arith.constant 0 : i32
      %dma_start3A_37 = tpu.memref_slice %arg8[%dma_start3A, %dma_start3A_36] : memref<125x128xf32, #tpu.memory_space<vmem>> -> memref<104x128xf32, #tpu.memory_space<vmem>>
      %dma_start3A_38 = arith.constant 0 : i32
      %dma_start3A_39 = tpu.memref_slice %arg9[%add3A_13, %dma_start3A_38] : memref<10112x128xf32, #tpu.memory_space<vmem_shared>> -> memref<104x128xf32, #tpu.memory_space<vmem_shared>>
      %dma_start3A_40 = arith.constant 0 : i32
      %dma_start3A_41 = tpu.memref_slice %arg9[%add3A_13, %dma_start3A_40] : memref<10112x128xf32, #tpu.memory_space<vmem_shared>> -> memref<104x128xf32, #tpu.memory_space<vmem_shared>>
      %dma_start3A_42 = arith.constant 0 : i32
      %dma_start3A_43 = arith.constant 0 : i32
      %dma_start3A_44 = tpu.memref_slice %arg8[%dma_start3A_42, %dma_start3A_43] : memref<125x128xf32, #tpu.memory_space<vmem>> -> memref<104x128xf32, #tpu.memory_space<vmem>>
      tpu.enqueue_dma source(%dma_start3A_44 : memref<104x128xf32, #tpu.memory_space<vmem>>) target(%dma_start3A_41 : memref<104x128xf32, #tpu.memory_space<vmem_shared>>) target_semaphore(%run_scoped3A : memref<!tpu.dma_semaphore, #tpu.memory_space<semaphore_mem>>)
      %dma_wait3A = arith.constant 0 : i32
      %dma_wait3A_45 = arith.constant 0 : i32
      %dma_wait3A_46 = tpu.memref_slice %arg8[%dma_wait3A, %dma_wait3A_45] : memref<125x128xf32, #tpu.memory_space<vmem>> -> memref<104x128xf32, #tpu.memory_space<vmem>>
      %dma_wait3A_47 = arith.constant 0 : i32
      %dma_wait3A_48 = tpu.memref_slice %arg9[%add3A_13, %dma_wait3A_47] : memref<10112x128xf32, #tpu.memory_space<vmem_shared>> -> memref<104x128xf32, #tpu.memory_space<vmem_shared>>
      %dma_wait3A_49 = arith.constant 0 : i32
      %dma_wait3A_50 = tpu.memref_slice %arg9[%add3A_13, %dma_wait3A_49] : memref<10112x128xf32, #tpu.memory_space<vmem_shared>> -> memref<104x128xf32, #tpu.memory_space<vmem_shared>>
      %dma_wait3A_51 = arith.constant 0 : i32
      %dma_wait3A_52 = arith.constant 0 : i32
      %dma_wait3A_53 = tpu.memref_slice %arg8[%dma_wait3A_51, %dma_wait3A_52] : memref<125x128xf32, #tpu.memory_space<vmem>> -> memref<104x128xf32, #tpu.memory_space<vmem>>
      tpu.wait_dma2 semaphore(%run_scoped3A : memref<!tpu.dma_semaphore, #tpu.memory_space<semaphore_mem>>) src(%dma_wait3A_53 : memref<104x128xf32, #tpu.memory_space<vmem>>) dst(%dma_wait3A_50 : memref<104x128xf32, #tpu.memory_space<vmem_shared>>)
      tpu.yield
    }) : () -> ()
    %add3A_14 = arith.constant 208 : i32
    %add3A_15 = arith.addi %mul3A_9, %add3A_14 : i32
    "tpu.region"() ({
      %run_scoped3A = tpu.sem_alloc : memref<!tpu.dma_semaphore, #tpu.memory_space<semaphore_mem>>
      %dma_start3A = arith.constant 0 : i32
      %dma_start3A_36 = arith.constant 0 : i32
      %dma_start3A_37 = tpu.memref_slice %arg8[%dma_start3A, %dma_start3A_36] : memref<125x128xf32, #tpu.memory_space<vmem>> -> memref<104x128xf32, #tpu.memory_space<vmem>>
      %dma_start3A_38 = arith.constant 0 : i32
      %dma_start3A_39 = tpu.memref_slice %arg9[%add3A_15, %dma_start3A_38] : memref<10112x128xf32, #tpu.memory_space<vmem_shared>> -> memref<104x128xf32, #tpu.memory_space<vmem_shared>>
      %dma_start3A_40 = arith.constant 0 : i32
      %dma_start3A_41 = tpu.memref_slice %arg9[%add3A_15, %dma_start3A_40] : memref<10112x128xf32, #tpu.memory_space<vmem_shared>> -> memref<104x128xf32, #tpu.memory_space<vmem_shared>>
      %dma_start3A_42 = arith.constant 0 : i32
      %dma_start3A_43 = arith.constant 0 : i32
      %dma_start3A_44 = tpu.memref_slice %arg8[%dma_start3A_42, %dma_start3A_43] : memref<125x128xf32, #tpu.memory_space<vmem>> -> memref<104x128xf32, #tpu.memory_space<vmem>>
      tpu.enqueue_dma source(%dma_start3A_44 : memref<104x128xf32, #tpu.memory_space<vmem>>) target(%dma_start3A_41 : memref<104x128xf32, #tpu.memory_space<vmem_shared>>) target_semaphore(%run_scoped3A : memref<!tpu.dma_semaphore, #tpu.memory_space<semaphore_mem>>)
      %dma_wait3A = arith.constant 0 : i32
      %dma_wait3A_45 = arith.constant 0 : i32
      %dma_wait3A_46 = tpu.memref_slice %arg8[%dma_wait3A, %dma_wait3A_45] : memref<125x128xf32, #tpu.memory_space<vmem>> -> memref<104x128xf32, #tpu.memory_space<vmem>>
      %dma_wait3A_47 = arith.constant 0 : i32
      %dma_wait3A_48 = tpu.memref_slice %arg9[%add3A_15, %dma_wait3A_47] : memref<10112x128xf32, #tpu.memory_space<vmem_shared>> -> memref<104x128xf32, #tpu.memory_space<vmem_shared>>
      %dma_wait3A_49 = arith.constant 0 : i32
      %dma_wait3A_50 = tpu.memref_slice %arg9[%add3A_15, %dma_wait3A_49] : memref<10112x128xf32, #tpu.memory_space<vmem_shared>> -> memref<104x128xf32, #tpu.memory_space<vmem_shared>>
      %dma_wait3A_51 = arith.constant 0 : i32
      %dma_wait3A_52 = arith.constant 0 : i32
      %dma_wait3A_53 = tpu.memref_slice %arg8[%dma_wait3A_51, %dma_wait3A_52] : memref<125x128xf32, #tpu.memory_space<vmem>> -> memref<104x128xf32, #tpu.memory_space<vmem>>
      tpu.wait_dma2 semaphore(%run_scoped3A : memref<!tpu.dma_semaphore, #tpu.memory_space<semaphore_mem>>) src(%dma_wait3A_53 : memref<104x128xf32, #tpu.memory_space<vmem>>) dst(%dma_wait3A_50 : memref<104x128xf32, #tpu.memory_space<vmem_shared>>)
      tpu.yield
    }) : () -> ()
    %add3A_16 = arith.constant 312 : i32
    %add3A_17 = arith.addi %mul3A_9, %add3A_16 : i32
    "tpu.region"() ({
      %run_scoped3A = tpu.sem_alloc : memref<!tpu.dma_semaphore, #tpu.memory_space<semaphore_mem>>
      %dma_start3A = arith.constant 0 : i32
      %dma_start3A_36 = arith.constant 0 : i32
      %dma_start3A_37 = tpu.memref_slice %arg8[%dma_start3A, %dma_start3A_36] : memref<125x128xf32, #tpu.memory_space<vmem>> -> memref<104x128xf32, #tpu.memory_space<vmem>>
      %dma_start3A_38 = arith.constant 0 : i32
      %dma_start3A_39 = tpu.memref_slice %arg9[%add3A_17, %dma_start3A_38] : memref<10112x128xf32, #tpu.memory_space<vmem_shared>> -> memref<104x128xf32, #tpu.memory_space<vmem_shared>>
      %dma_start3A_40 = arith.constant 0 : i32
      %dma_start3A_41 = tpu.memref_slice %arg9[%add3A_17, %dma_start3A_40] : memref<10112x128xf32, #tpu.memory_space<vmem_shared>> -> memref<104x128xf32, #tpu.memory_space<vmem_shared>>
      %dma_start3A_42 = arith.constant 0 : i32
      %dma_start3A_43 = arith.constant 0 : i32
      %dma_start3A_44 = tpu.memref_slice %arg8[%dma_start3A_42, %dma_start3A_43] : memref<125x128xf32, #tpu.memory_space<vmem>> -> memref<104x128xf32, #tpu.memory_space<vmem>>
      tpu.enqueue_dma source(%dma_start3A_44 : memref<104x128xf32, #tpu.memory_space<vmem>>) target(%dma_start3A_41 : memref<104x128xf32, #tpu.memory_space<vmem_shared>>) target_semaphore(%run_scoped3A : memref<!tpu.dma_semaphore, #tpu.memory_space<semaphore_mem>>)
      %dma_wait3A = arith.constant 0 : i32
      %dma_wait3A_45 = arith.constant 0 : i32
      %dma_wait3A_46 = tpu.memref_slice %arg8[%dma_wait3A, %dma_wait3A_45] : memref<125x128xf32, #tpu.memory_space<vmem>> -> memref<104x128xf32, #tpu.memory_space<vmem>>
      %dma_wait3A_47 = arith.constant 0 : i32
      %dma_wait3A_48 = tpu.memref_slice %arg9[%add3A_17, %dma_wait3A_47] : memref<10112x128xf32, #tpu.memory_space<vmem_shared>> -> memref<104x128xf32, #tpu.memory_space<vmem_shared>>
      %dma_wait3A_49 = arith.constant 0 : i32
      %dma_wait3A_50 = tpu.memref_slice %arg9[%add3A_17, %dma_wait3A_49] : memref<10112x128xf32, #tpu.memory_space<vmem_shared>> -> memref<104x128xf32, #tpu.memory_space<vmem_shared>>
      %dma_wait3A_51 = arith.constant 0 : i32
      %dma_wait3A_52 = arith.constant 0 : i32
      %dma_wait3A_53 = tpu.memref_slice %arg8[%dma_wait3A_51, %dma_wait3A_52] : memref<125x128xf32, #tpu.memory_space<vmem>> -> memref<104x128xf32, #tpu.memory_space<vmem>>
      tpu.wait_dma2 semaphore(%run_scoped3A : memref<!tpu.dma_semaphore, #tpu.memory_space<semaphore_mem>>) src(%dma_wait3A_53 : memref<104x128xf32, #tpu.memory_space<vmem>>) dst(%dma_wait3A_50 : memref<104x128xf32, #tpu.memory_space<vmem_shared>>)
      tpu.yield
    }) : () -> ()
    %add3A_18 = arith.constant 416 : i32
    %add3A_19 = arith.addi %mul3A_9, %add3A_18 : i32
    "tpu.region"() ({
      %run_scoped3A = tpu.sem_alloc : memref<!tpu.dma_semaphore, #tpu.memory_space<semaphore_mem>>
      %dma_start3A = arith.constant 0 : i32
      %dma_start3A_36 = arith.constant 0 : i32
      %dma_start3A_37 = tpu.memref_slice %arg8[%dma_start3A, %dma_start3A_36] : memref<125x128xf32, #tpu.memory_space<vmem>> -> memref<104x128xf32, #tpu.memory_space<vmem>>
      %dma_start3A_38 = arith.constant 0 : i32
      %dma_start3A_39 = tpu.memref_slice %arg9[%add3A_19, %dma_start3A_38] : memref<10112x128xf32, #tpu.memory_space<vmem_shared>> -> memref<104x128xf32, #tpu.memory_space<vmem_shared>>
      %dma_start3A_40 = arith.constant 0 : i32
      %dma_start3A_41 = tpu.memref_slice %arg9[%add3A_19, %dma_start3A_40] : memref<10112x128xf32, #tpu.memory_space<vmem_shared>> -> memref<104x128xf32, #tpu.memory_space<vmem_shared>>
      %dma_start3A_42 = arith.constant 0 : i32
      %dma_start3A_43 = arith.constant 0 : i32
      %dma_start3A_44 = tpu.memref_slice %arg8[%dma_start3A_42, %dma_start3A_43] : memref<125x128xf32, #tpu.memory_space<vmem>> -> memref<104x128xf32, #tpu.memory_space<vmem>>
      tpu.enqueue_dma source(%dma_start3A_44 : memref<104x128xf32, #tpu.memory_space<vmem>>) target(%dma_start3A_41 : memref<104x128xf32, #tpu.memory_space<vmem_shared>>) target_semaphore(%run_scoped3A : memref<!tpu.dma_semaphore, #tpu.memory_space<semaphore_mem>>)
      %dma_wait3A = arith.constant 0 : i32
      %dma_wait3A_45 = arith.constant 0 : i32
      %dma_wait3A_46 = tpu.memref_slice %arg8[%dma_wait3A, %dma_wait3A_45] : memref<125x128xf32, #tpu.memory_space<vmem>> -> memref<104x128xf32, #tpu.memory_space<vmem>>
      %dma_wait3A_47 = arith.constant 0 : i32
      %dma_wait3A_48 = tpu.memref_slice %arg9[%add3A_19, %dma_wait3A_47] : memref<10112x128xf32, #tpu.memory_space<vmem_shared>> -> memref<104x128xf32, #tpu.memory_space<vmem_shared>>
      %dma_wait3A_49 = arith.constant 0 : i32
      %dma_wait3A_50 = tpu.memref_slice %arg9[%add3A_19, %dma_wait3A_49] : memref<10112x128xf32, #tpu.memory_space<vmem_shared>> -> memref<104x128xf32, #tpu.memory_space<vmem_shared>>
      %dma_wait3A_51 = arith.constant 0 : i32
      %dma_wait3A_52 = arith.constant 0 : i32
      %dma_wait3A_53 = tpu.memref_slice %arg8[%dma_wait3A_51, %dma_wait3A_52] : memref<125x128xf32, #tpu.memory_space<vmem>> -> memref<104x128xf32, #tpu.memory_space<vmem>>
      tpu.wait_dma2 semaphore(%run_scoped3A : memref<!tpu.dma_semaphore, #tpu.memory_space<semaphore_mem>>) src(%dma_wait3A_53 : memref<104x128xf32, #tpu.memory_space<vmem>>) dst(%dma_wait3A_50 : memref<104x128xf32, #tpu.memory_space<vmem_shared>>)
      tpu.yield
    }) : () -> ()
    %add3A_20 = arith.constant 520 : i32
    %add3A_21 = arith.addi %mul3A_9, %add3A_20 : i32
    "tpu.region"() ({
      %run_scoped3A = tpu.sem_alloc : memref<!tpu.dma_semaphore, #tpu.memory_space<semaphore_mem>>
      %dma_start3A = arith.constant 0 : i32
      %dma_start3A_36 = arith.constant 0 : i32
      %dma_start3A_37 = tpu.memref_slice %arg8[%dma_start3A, %dma_start3A_36] : memref<125x128xf32, #tpu.memory_space<vmem>> -> memref<104x128xf32, #tpu.memory_space<vmem>>
      %dma_start3A_38 = arith.constant 0 : i32
      %dma_start3A_39 = tpu.memref_slice %arg9[%add3A_21, %dma_start3A_38] : memref<10112x128xf32, #tpu.memory_space<vmem_shared>> -> memref<104x128xf32, #tpu.memory_space<vmem_shared>>
      %dma_start3A_40 = arith.constant 0 : i32
      %dma_start3A_41 = tpu.memref_slice %arg9[%add3A_21, %dma_start3A_40] : memref<10112x128xf32, #tpu.memory_space<vmem_shared>> -> memref<104x128xf32, #tpu.memory_space<vmem_shared>>
      %dma_start3A_42 = arith.constant 0 : i32
      %dma_start3A_43 = arith.constant 0 : i32
      %dma_start3A_44 = tpu.memref_slice %arg8[%dma_start3A_42, %dma_start3A_43] : memref<125x128xf32, #tpu.memory_space<vmem>> -> memref<104x128xf32, #tpu.memory_space<vmem>>
      tpu.enqueue_dma source(%dma_start3A_44 : memref<104x128xf32, #tpu.memory_space<vmem>>) target(%dma_start3A_41 : memref<104x128xf32, #tpu.memory_space<vmem_shared>>) target_semaphore(%run_scoped3A : memref<!tpu.dma_semaphore, #tpu.memory_space<semaphore_mem>>)
      %dma_wait3A = arith.constant 0 : i32
      %dma_wait3A_45 = arith.constant 0 : i32
      %dma_wait3A_46 = tpu.memref_slice %arg8[%dma_wait3A, %dma_wait3A_45] : memref<125x128xf32, #tpu.memory_space<vmem>> -> memref<104x128xf32, #tpu.memory_space<vmem>>
      %dma_wait3A_47 = arith.constant 0 : i32
      %dma_wait3A_48 = tpu.memref_slice %arg9[%add3A_21, %dma_wait3A_47] : memref<10112x128xf32, #tpu.memory_space<vmem_shared>> -> memref<104x128xf32, #tpu.memory_space<vmem_shared>>
      %dma_wait3A_49 = arith.constant 0 : i32
      %dma_wait3A_50 = tpu.memref_slice %arg9[%add3A_21, %dma_wait3A_49] : memref<10112x128xf32, #tpu.memory_space<vmem_shared>> -> memref<104x128xf32, #tpu.memory_space<vmem_shared>>
      %dma_wait3A_51 = arith.constant 0 : i32
      %dma_wait3A_52 = arith.constant 0 : i32
      %dma_wait3A_53 = tpu.memref_slice %arg8[%dma_wait3A_51, %dma_wait3A_52] : memref<125x128xf32, #tpu.memory_space<vmem>> -> memref<104x128xf32, #tpu.memory_space<vmem>>
      tpu.wait_dma2 semaphore(%run_scoped3A : memref<!tpu.dma_semaphore, #tpu.memory_space<semaphore_mem>>) src(%dma_wait3A_53 : memref<104x128xf32, #tpu.memory_space<vmem>>) dst(%dma_wait3A_50 : memref<104x128xf32, #tpu.memory_space<vmem_shared>>)
      tpu.yield
    }) : () -> ()
    %add3A_22 = arith.constant 624 : i32
    %add3A_23 = arith.addi %mul3A_9, %add3A_22 : i32
    "tpu.region"() ({
      %run_scoped3A = tpu.sem_alloc : memref<!tpu.dma_semaphore, #tpu.memory_space<semaphore_mem>>
      %dma_start3A = arith.constant 0 : i32
      %dma_start3A_36 = arith.constant 0 : i32
      %dma_start3A_37 = tpu.memref_slice %arg8[%dma_start3A, %dma_start3A_36] : memref<125x128xf32, #tpu.memory_space<vmem>> -> memref<8x128xf32, #tpu.memory_space<vmem>>
      %dma_start3A_38 = arith.constant 0 : i32
      %dma_start3A_39 = tpu.memref_slice %arg9[%add3A_23, %dma_start3A_38] : memref<10112x128xf32, #tpu.memory_space<vmem_shared>> -> memref<8x128xf32, #tpu.memory_space<vmem_shared>>
      %dma_start3A_40 = arith.constant 0 : i32
      %dma_start3A_41 = tpu.memref_slice %arg9[%add3A_23, %dma_start3A_40] : memref<10112x128xf32, #tpu.memory_space<vmem_shared>> -> memref<8x128xf32, #tpu.memory_space<vmem_shared>>
      %dma_start3A_42 = arith.constant 0 : i32
      %dma_start3A_43 = arith.constant 0 : i32
      %dma_start3A_44 = tpu.memref_slice %arg8[%dma_start3A_42, %dma_start3A_43] : memref<125x128xf32, #tpu.memory_space<vmem>> -> memref<8x128xf32, #tpu.memory_space<vmem>>
      tpu.enqueue_dma source(%dma_start3A_44 : memref<8x128xf32, #tpu.memory_space<vmem>>) target(%dma_start3A_41 : memref<8x128xf32, #tpu.memory_space<vmem_shared>>) target_semaphore(%run_scoped3A : memref<!tpu.dma_semaphore, #tpu.memory_space<semaphore_mem>>)
      %dma_wait3A = arith.constant 0 : i32
      %dma_wait3A_45 = arith.constant 0 : i32
      %dma_wait3A_46 = tpu.memref_slice %arg8[%dma_wait3A, %dma_wait3A_45] : memref<125x128xf32, #tpu.memory_space<vmem>> -> memref<8x128xf32, #tpu.memory_space<vmem>>
      %dma_wait3A_47 = arith.constant 0 : i32
      %dma_wait3A_48 = tpu.memref_slice %arg9[%add3A_23, %dma_wait3A_47] : memref<10112x128xf32, #tpu.memory_space<vmem_shared>> -> memref<8x128xf32, #tpu.memory_space<vmem_shared>>
      %dma_wait3A_49 = arith.constant 0 : i32
      %dma_wait3A_50 = tpu.memref_slice %arg9[%add3A_23, %dma_wait3A_49] : memref<10112x128xf32, #tpu.memory_space<vmem_shared>> -> memref<8x128xf32, #tpu.memory_space<vmem_shared>>
      %dma_wait3A_51 = arith.constant 0 : i32
      %dma_wait3A_52 = arith.constant 0 : i32
      %dma_wait3A_53 = tpu.memref_slice %arg8[%dma_wait3A_51, %dma_wait3A_52] : memref<125x128xf32, #tpu.memory_space<vmem>> -> memref<8x128xf32, #tpu.memory_space<vmem>>
      tpu.wait_dma2 semaphore(%run_scoped3A : memref<!tpu.dma_semaphore, #tpu.memory_space<semaphore_mem>>) src(%dma_wait3A_53 : memref<8x128xf32, #tpu.memory_space<vmem>>) dst(%dma_wait3A_50 : memref<8x128xf32, #tpu.memory_space<vmem_shared>>)
      tpu.yield
    }) : () -> ()
    %barrier3A = arith.constant 0 : index
    tpu.barrier barrier_id(%barrier3A)
    %scan3A_24 = arith.constant 0 : i32
    %scan3A_25 = arith.constant 0 : i32
    %scan3A_26 = arith.constant 80 : i32
    %scan3A_27 = arith.addi %scan3A_25, %scan3A_26 : i32
    %scan3A_28 = arith.constant 1 : i32
    %scan3A_29 = scf.for %scan3A_36 = %scan3A_25 to %scan3A_27 step %scan3A_28 iter_args(%scan3A_37 = %scan3A_24) -> (i32)  : i32 {
      %dma_start3A = arith.constant 0 : i32
      %dma_start3A_38 = tpu.memref_slice %arg6[%scan3A_36, %dma_start3A] : memref<80x125xi32, #tpu.memory_space<vmem>> -> memref<1x125xi32, #tpu.memory_space<vmem>>
      %dma_start3A_39 = tpu.memref_squeeze %dma_start3A_38 : memref<1x125xi32, #tpu.memory_space<vmem>> -> memref<125xi32, #tpu.memory_space<vmem>>
      %dma_start3A_40 = arith.constant 0 : i32
      %dma_start3A_41 = arith.constant 0 : i32
      %dma_start3A_42 = tpu.memref_slice %arg2[%dma_start3A_40, %dma_start3A_41] : memref<10000x128xf32, #tpu.memory_space<hbm>> -> memref<10000x128xf32, #tpu.memory_space<hbm>>
      tpu.enqueue_indirect_dma source(%dma_start3A_42 : memref<10000x128xf32, #tpu.memory_space<hbm>>) target(%arg8 : memref<125x128xf32, #tpu.memory_space<vmem>>) offsets(%dma_start3A_39 : memref<125xi32, #tpu.memory_space<vmem>>) semaphore(%arg10 : memref<!tpu.dma_semaphore, #tpu.memory_space<semaphore_mem>>)
      %dma_wait3A = arith.constant 0 : i32
      %dma_wait3A_43 = tpu.memref_slice %arg6[%scan3A_36, %dma_wait3A] : memref<80x125xi32, #tpu.memory_space<vmem>> -> memref<1x125xi32, #tpu.memory_space<vmem>>
      %dma_wait3A_44 = tpu.memref_squeeze %dma_wait3A_43 : memref<1x125xi32, #tpu.memory_space<vmem>> -> memref<125xi32, #tpu.memory_space<vmem>>
      %dma_wait3A_45 = arith.constant 0 : i32
      %dma_wait3A_46 = arith.constant 0 : i32
      %dma_wait3A_47 = tpu.memref_slice %arg2[%dma_wait3A_45, %dma_wait3A_46] : memref<10000x128xf32, #tpu.memory_space<hbm>> -> memref<10000x128xf32, #tpu.memory_space<hbm>>
      tpu.wait_indirect_dma semaphore(%arg10 : memref<!tpu.dma_semaphore, #tpu.memory_space<semaphore_mem>>) src(%dma_wait3A_47 : memref<10000x128xf32, #tpu.memory_space<hbm>>) dst(%arg8 : memref<125x128xf32, #tpu.memory_space<vmem>>)
      "tpu.region"() ({
        %run_scoped3A = tpu.sem_alloc : memref<!tpu.dma_semaphore, #tpu.memory_space<semaphore_mem>>
        %dma_start3A_49 = arith.constant 0 : i32
        %dma_start3A_50 = tpu.memref_slice %arg7[%scan3A_36, %dma_start3A_49] : memref<80x125xi32, #tpu.memory_space<vmem>> -> memref<1x125xi32, #tpu.memory_space<vmem>>
        %dma_start3A_51 = tpu.memref_squeeze %dma_start3A_50 : memref<1x125xi32, #tpu.memory_space<vmem>> -> memref<125xi32, #tpu.memory_space<vmem>>
        %dma_start3A_52 = arith.constant 0 : i32
        %dma_start3A_53 = arith.constant 0 : i32
        %dma_start3A_54 = tpu.memref_slice %arg9[%dma_start3A_52, %dma_start3A_53] : memref<10112x128xf32, #tpu.memory_space<vmem_shared>> -> memref<10112x128xf32, #tpu.memory_space<vmem_shared>>
        tpu.enqueue_indirect_dma source(%arg8 : memref<125x128xf32, #tpu.memory_space<vmem>>) target(%dma_start3A_54 : memref<10112x128xf32, #tpu.memory_space<vmem_shared>>) offsets(%dma_start3A_51 : memref<125xi32, #tpu.memory_space<vmem>>) semaphore(%run_scoped3A : memref<!tpu.dma_semaphore, #tpu.memory_space<semaphore_mem>>) {add = true}
        %dma_wait3A_55 = arith.constant 0 : i32
        %dma_wait3A_56 = tpu.memref_slice %arg7[%scan3A_36, %dma_wait3A_55] : memref<80x125xi32, #tpu.memory_space<vmem>> -> memref<1x125xi32, #tpu.memory_space<vmem>>
        %dma_wait3A_57 = tpu.memref_squeeze %dma_wait3A_56 : memref<1x125xi32, #tpu.memory_space<vmem>> -> memref<125xi32, #tpu.memory_space<vmem>>
        %dma_wait3A_58 = arith.constant 0 : i32
        %dma_wait3A_59 = arith.constant 0 : i32
        %dma_wait3A_60 = tpu.memref_slice %arg9[%dma_wait3A_58, %dma_wait3A_59] : memref<10112x128xf32, #tpu.memory_space<vmem_shared>> -> memref<10112x128xf32, #tpu.memory_space<vmem_shared>>
        tpu.wait_indirect_dma semaphore(%run_scoped3A : memref<!tpu.dma_semaphore, #tpu.memory_space<semaphore_mem>>) src(%arg8 : memref<125x128xf32, #tpu.memory_space<vmem>>) dst(%dma_wait3A_60 : memref<10112x128xf32, #tpu.memory_space<vmem_shared>>)
        tpu.yield
      }) : () -> ()
      %scan3A_48 = arith.constant 0 : i32
      scf.yield %scan3A_48 : i32
    }
    %scan3A_30 = arith.constant 80 : i32
    %barrier3A_31 = arith.constant 0 : index
    tpu.barrier barrier_id(%barrier3A_31)
    %mul3A_32 = arith.constant 624 : i32
    %mul3A_33 = arith.muli %arg1, %mul3A_32 : i32
    "tpu.region"() ({
      %run_scoped3A = tpu.sem_alloc : memref<!tpu.dma_semaphore, #tpu.memory_space<semaphore_mem>>
      %dma_start3A = arith.constant 0 : i32
      %dma_start3A_36 = tpu.memref_slice %arg5[%arg0, %mul3A_33, %dma_start3A] : memref<2x10000x128xf32, #tpu.memory_space<hbm>> -> memref<1x624x128xf32, #tpu.memory_space<hbm>>
      %dma_start3A_37 = tpu.memref_squeeze %dma_start3A_36 : memref<1x624x128xf32, #tpu.memory_space<hbm>> -> memref<624x128xf32, #tpu.memory_space<hbm>>
      %dma_start3A_38 = arith.constant 0 : i32
      %dma_start3A_39 = tpu.memref_slice %arg9[%mul3A_33, %dma_start3A_38] : memref<10112x128xf32, #tpu.memory_space<vmem_shared>> -> memref<624x128xf32, #tpu.memory_space<vmem_shared>>
      tpu.enqueue_dma source(%dma_start3A_39 : memref<624x128xf32, #tpu.memory_space<vmem_shared>>) target(%dma_start3A_37 : memref<624x128xf32, #tpu.memory_space<hbm>>) target_semaphore(%run_scoped3A : memref<!tpu.dma_semaphore, #tpu.memory_space<semaphore_mem>>)
      %dma_wait3A = arith.constant 0 : i32
      %dma_wait3A_40 = tpu.memref_slice %arg5[%arg0, %mul3A_33, %dma_wait3A] : memref<2x10000x128xf32, #tpu.memory_space<hbm>> -> memref<1x624x128xf32, #tpu.memory_space<hbm>>
      %dma_wait3A_41 = tpu.memref_squeeze %dma_wait3A_40 : memref<1x624x128xf32, #tpu.memory_space<hbm>> -> memref<624x128xf32, #tpu.memory_space<hbm>>
      %dma_wait3A_42 = arith.constant 0 : i32
      %dma_wait3A_43 = tpu.memref_slice %arg9[%mul3A_33, %dma_wait3A_42] : memref<10112x128xf32, #tpu.memory_space<vmem_shared>> -> memref<624x128xf32, #tpu.memory_space<vmem_shared>>
      tpu.wait_dma2 semaphore(%run_scoped3A : memref<!tpu.dma_semaphore, #tpu.memory_space<semaphore_mem>>) src(%dma_wait3A_43 : memref<624x128xf32, #tpu.memory_space<vmem_shared>>) dst(%dma_wait3A_41 : memref<624x128xf32, #tpu.memory_space<hbm>>)
      tpu.yield
    }) : () -> ()
    %eq3A = arith.constant 15 : i32
    %eq3A_34 = arith.cmpi eq, %arg1, %eq3A : i32
    %convert_element_type3A = arith.extui %eq3A_34 : i1 to i32
    %cond3A = arith.constant 0 : i32
    %cond3A_35 = arith.cmpi ne, %convert_element_type3A, %cond3A : i32
    scf.if %cond3A_35 {
      "tpu.region"() ({
        %run_scoped3A = tpu.sem_alloc : memref<!tpu.dma_semaphore, #tpu.memory_space<semaphore_mem>>
        %dma_start3A = arith.constant 9984 : i32
        %dma_start3A_36 = arith.constant 0 : i32
        %dma_start3A_37 = tpu.memref_slice %arg5[%arg0, %dma_start3A, %dma_start3A_36] : memref<2x10000x128xf32, #tpu.memory_space<hbm>> -> memref<1x16x128xf32, #tpu.memory_space<hbm>>
        %dma_start3A_38 = tpu.memref_squeeze %dma_start3A_37 : memref<1x16x128xf32, #tpu.memory_space<hbm>> -> memref<16x128xf32, #tpu.memory_space<hbm>>
        %dma_start3A_39 = arith.constant 9984 : i32
        %dma_start3A_40 = arith.constant 0 : i32
        %dma_start3A_41 = tpu.memref_slice %arg9[%dma_start3A_39, %dma_start3A_40] : memref<10112x128xf32, #tpu.memory_space<vmem_shared>> -> memref<16x128xf32, #tpu.memory_space<vmem_shared>>
        tpu.enqueue_dma source(%dma_start3A_41 : memref<16x128xf32, #tpu.memory_space<vmem_shared>>) target(%dma_start3A_38 : memref<16x128xf32, #tpu.memory_space<hbm>>) target_semaphore(%run_scoped3A : memref<!tpu.dma_semaphore, #tpu.memory_space<semaphore_mem>>)
        %dma_wait3A = arith.constant 9984 : i32
        %dma_wait3A_42 = arith.constant 0 : i32
        %dma_wait3A_43 = tpu.memref_slice %arg5[%arg0, %dma_wait3A, %dma_wait3A_42] : memref<2x10000x128xf32, #tpu.memory_space<hbm>> -> memref<1x16x128xf32, #tpu.memory_space<hbm>>
        %dma_wait3A_44 = tpu.memref_squeeze %dma_wait3A_43 : memref<1x16x128xf32, #tpu.memory_space<hbm>> -> memref<16x128xf32, #tpu.memory_space<hbm>>
        %dma_wait3A_45 = arith.constant 9984 : i32
        %dma_wait3A_46 = arith.constant 0 : i32
        %dma_wait3A_47 = tpu.memref_slice %arg9[%dma_wait3A_45, %dma_wait3A_46] : memref<10112x128xf32, #tpu.memory_space<vmem_shared>> -> memref<16x128xf32, #tpu.memory_space<vmem_shared>>
        tpu.wait_dma2 semaphore(%run_scoped3A : memref<!tpu.dma_semaphore, #tpu.memory_space<semaphore_mem>>) src(%dma_wait3A_47 : memref<16x128xf32, #tpu.memory_space<vmem_shared>>) dst(%dma_wait3A_44 : memref<16x128xf32, #tpu.memory_space<hbm>>)
        tpu.yield
      }) : () -> ()
    } else {
    }
    return
  }
}

#map = affine_map<(d0, d1) -> (0, 0)>
#map1 = affine_map<(d0, d1) -> (0, 0, 0)>
module attributes {stable_mosaic.version = 14 : i64} {
  func.func @_agg_kernel(%arg0: i32, %arg1: i32, %arg2: memref<10000x128xf32, #tpu.memory_space<hbm>>, %arg3: memref<32x80x125xi32, #tpu.memory_space<hbm>>, %arg4: memref<32x80x125xi32, #tpu.memory_space<hbm>>, %arg5: memref<2x10000x128xf32, #tpu.memory_space<hbm>>, %arg6: memref<80x125xi32, #tpu.memory_space<vmem>>, %arg7: memref<80x125xi32, #tpu.memory_space<vmem>>, %arg8: memref<125x128xf32, #tpu.memory_space<vmem>>, %arg9: memref<10112x128xf32, #tpu.memory_space<vmem_shared>>, %arg10: memref<!tpu.dma_semaphore, #tpu.memory_space<semaphore_mem>>) attributes {dimension_semantics = [#tpu.dimension_semantics<core_parallel>, #tpu.dimension_semantics<subcore_parallel>], iteration_bounds = array<i64: 2, 16>, scalar_prefetch = 0 : i64, scratch_operands = 5 : i64, tpu.core_type = #tpu.core_type<sc_vector_subcore>, window_params = [{transform_indices = #map}, {transform_indices = #map1}, {transform_indices = #map1}, {transform_indices = #map1}]} {
    %mul3A = arith.constant 16 : i32
    %mul3A_0 = arith.muli %arg0, %mul3A : i32
    %add3A = arith.addi %mul3A_0, %arg1 : i32
    "tpu.region"() ({
      %run_scoped3A = tpu.sem_alloc : memref<!tpu.dma_semaphore, #tpu.memory_space<semaphore_mem>>
      %dma_start3A = arith.constant 0 : i32
      %dma_start3A_36 = arith.constant 0 : i32
      %dma_start3A_37 = tpu.memref_slice %arg3[%add3A, %dma_start3A, %dma_start3A_36] : memref<32x80x125xi32, #tpu.memory_space<hbm>> -> memref<1x80x125xi32, #tpu.memory_space<hbm>>
      %dma_start3A_38 = tpu.memref_squeeze %dma_start3A_37 : memref<1x80x125xi32, #tpu.memory_space<hbm>> -> memref<80x125xi32, #tpu.memory_space<hbm>>
      %dma_start3A_39 = arith.constant 0 : i32
      %dma_start3A_40 = arith.constant 0 : i32
      %dma_start3A_41 = tpu.memref_slice %arg3[%add3A, %dma_start3A_39, %dma_start3A_40] : memref<32x80x125xi32, #tpu.memory_space<hbm>> -> memref<1x80x125xi32, #tpu.memory_space<hbm>>
      %dma_start3A_42 = tpu.memref_squeeze %dma_start3A_41 : memref<1x80x125xi32, #tpu.memory_space<hbm>> -> memref<80x125xi32, #tpu.memory_space<hbm>>
      tpu.enqueue_dma source(%dma_start3A_42 : memref<80x125xi32, #tpu.memory_space<hbm>>) target(%arg6 : memref<80x125xi32, #tpu.memory_space<vmem>>) target_semaphore(%run_scoped3A : memref<!tpu.dma_semaphore, #tpu.memory_space<semaphore_mem>>)
      %dma_wait3A = arith.constant 0 : i32
      %dma_wait3A_43 = arith.constant 0 : i32
      %dma_wait3A_44 = tpu.memref_slice %arg3[%add3A, %dma_wait3A, %dma_wait3A_43] : memref<32x80x125xi32, #tpu.memory_space<hbm>> -> memref<1x80x125xi32, #tpu.memory_space<hbm>>
      %dma_wait3A_45 = tpu.memref_squeeze %dma_wait3A_44 : memref<1x80x125xi32, #tpu.memory_space<hbm>> -> memref<80x125xi32, #tpu.memory_space<hbm>>
      %dma_wait3A_46 = arith.constant 0 : i32
      %dma_wait3A_47 = arith.constant 0 : i32
      %dma_wait3A_48 = tpu.memref_slice %arg3[%add3A, %dma_wait3A_46, %dma_wait3A_47] : memref<32x80x125xi32, #tpu.memory_space<hbm>> -> memref<1x80x125xi32, #tpu.memory_space<hbm>>
      %dma_wait3A_49 = tpu.memref_squeeze %dma_wait3A_48 : memref<1x80x125xi32, #tpu.memory_space<hbm>> -> memref<80x125xi32, #tpu.memory_space<hbm>>
      tpu.wait_dma2 semaphore(%run_scoped3A : memref<!tpu.dma_semaphore, #tpu.memory_space<semaphore_mem>>) src(%dma_wait3A_49 : memref<80x125xi32, #tpu.memory_space<hbm>>) dst(%arg6 : memref<80x125xi32, #tpu.memory_space<vmem>>)
      tpu.yield
    }) : () -> ()
    "tpu.region"() ({
      %run_scoped3A = tpu.sem_alloc : memref<!tpu.dma_semaphore, #tpu.memory_space<semaphore_mem>>
      %dma_start3A = arith.constant 0 : i32
      %dma_start3A_36 = arith.constant 0 : i32
      %dma_start3A_37 = tpu.memref_slice %arg4[%add3A, %dma_start3A, %dma_start3A_36] : memref<32x80x125xi32, #tpu.memory_space<hbm>> -> memref<1x80x125xi32, #tpu.memory_space<hbm>>
      %dma_start3A_38 = tpu.memref_squeeze %dma_start3A_37 : memref<1x80x125xi32, #tpu.memory_space<hbm>> -> memref<80x125xi32, #tpu.memory_space<hbm>>
      %dma_start3A_39 = arith.constant 0 : i32
      %dma_start3A_40 = arith.constant 0 : i32
      %dma_start3A_41 = tpu.memref_slice %arg4[%add3A, %dma_start3A_39, %dma_start3A_40] : memref<32x80x125xi32, #tpu.memory_space<hbm>> -> memref<1x80x125xi32, #tpu.memory_space<hbm>>
      %dma_start3A_42 = tpu.memref_squeeze %dma_start3A_41 : memref<1x80x125xi32, #tpu.memory_space<hbm>> -> memref<80x125xi32, #tpu.memory_space<hbm>>
      tpu.enqueue_dma source(%dma_start3A_42 : memref<80x125xi32, #tpu.memory_space<hbm>>) target(%arg7 : memref<80x125xi32, #tpu.memory_space<vmem>>) target_semaphore(%run_scoped3A : memref<!tpu.dma_semaphore, #tpu.memory_space<semaphore_mem>>)
      %dma_wait3A = arith.constant 0 : i32
      %dma_wait3A_43 = arith.constant 0 : i32
      %dma_wait3A_44 = tpu.memref_slice %arg4[%add3A, %dma_wait3A, %dma_wait3A_43] : memref<32x80x125xi32, #tpu.memory_space<hbm>> -> memref<1x80x125xi32, #tpu.memory_space<hbm>>
      %dma_wait3A_45 = tpu.memref_squeeze %dma_wait3A_44 : memref<1x80x125xi32, #tpu.memory_space<hbm>> -> memref<80x125xi32, #tpu.memory_space<hbm>>
      %dma_wait3A_46 = arith.constant 0 : i32
      %dma_wait3A_47 = arith.constant 0 : i32
      %dma_wait3A_48 = tpu.memref_slice %arg4[%add3A, %dma_wait3A_46, %dma_wait3A_47] : memref<32x80x125xi32, #tpu.memory_space<hbm>> -> memref<1x80x125xi32, #tpu.memory_space<hbm>>
      %dma_wait3A_49 = tpu.memref_squeeze %dma_wait3A_48 : memref<1x80x125xi32, #tpu.memory_space<hbm>> -> memref<80x125xi32, #tpu.memory_space<hbm>>
      tpu.wait_dma2 semaphore(%run_scoped3A : memref<!tpu.dma_semaphore, #tpu.memory_space<semaphore_mem>>) src(%dma_wait3A_49 : memref<80x125xi32, #tpu.memory_space<hbm>>) dst(%arg7 : memref<80x125xi32, #tpu.memory_space<vmem>>)
      tpu.yield
    }) : () -> ()
    %broadcast_in_dim3A = arith.constant 0.000000e+00 : f32
    %broadcast_in_dim3A_1 = vector.broadcast %broadcast_in_dim3A : f32 to vector<16xf32>
    %scan3A = arith.constant 0 : i32
    %scan3A_2 = arith.constant 0 : i32
    %scan3A_3 = arith.constant 125 : i32
    %scan3A_4 = arith.addi %scan3A_2, %scan3A_3 : i32
    %scan3A_5 = arith.constant 1 : i32
    %scan3A_6 = scf.for %scan3A_36 = %scan3A_2 to %scan3A_4 step %scan3A_5 iter_args(%scan3A_37 = %scan3A) -> (i32)  : i32 {
      %swap3A = arith.index_cast %scan3A_36 : i32 to index
      %swap3A_38 = arith.constant 0 : index
      %swap3A_39 = tpu.vector_load %arg8[%swap3A, %swap3A_38] {strides = array<i32>} : memref<125x128xf32, #tpu.memory_space<vmem>>, vector<1x16xf32>,
      %swap3A_40 = vector.shape_cast %swap3A_39 : vector<1x16xf32> to vector<16xf32>
      %swap3A_41 = vector.shape_cast %broadcast_in_dim3A_1 : vector<16xf32> to vector<1x16xf32>
      tpu.vector_store %arg8[%swap3A, %swap3A_38], %swap3A_41 {strides = array<i32>} : memref<125x128xf32, #tpu.memory_space<vmem>>, vector<1x16xf32>,
      %swap3A_42 = arith.index_cast %scan3A_36 : i32 to index
      %swap3A_43 = arith.constant 16 : index
      %swap3A_44 = tpu.vector_load %arg8[%swap3A_42, %swap3A_43] {strides = array<i32>} : memref<125x128xf32, #tpu.memory_space<vmem>>, vector<1x16xf32>,
      %swap3A_45 = vector.shape_cast %swap3A_44 : vector<1x16xf32> to vector<16xf32>
      %swap3A_46 = vector.shape_cast %broadcast_in_dim3A_1 : vector<16xf32> to vector<1x16xf32>
      tpu.vector_store %arg8[%swap3A_42, %swap3A_43], %swap3A_46 {strides = array<i32>} : memref<125x128xf32, #tpu.memory_space<vmem>>, vector<1x16xf32>,
      %swap3A_47 = arith.index_cast %scan3A_36 : i32 to index
      %swap3A_48 = arith.constant 32 : index
      %swap3A_49 = tpu.vector_load %arg8[%swap3A_47, %swap3A_48] {strides = array<i32>} : memref<125x128xf32, #tpu.memory_space<vmem>>, vector<1x16xf32>,
      %swap3A_50 = vector.shape_cast %swap3A_49 : vector<1x16xf32> to vector<16xf32>
      %swap3A_51 = vector.shape_cast %broadcast_in_dim3A_1 : vector<16xf32> to vector<1x16xf32>
      tpu.vector_store %arg8[%swap3A_47, %swap3A_48], %swap3A_51 {strides = array<i32>} : memref<125x128xf32, #tpu.memory_space<vmem>>, vector<1x16xf32>,
      %swap3A_52 = arith.index_cast %scan3A_36 : i32 to index
      %swap3A_53 = arith.constant 48 : index
      %swap3A_54 = tpu.vector_load %arg8[%swap3A_52, %swap3A_53] {strides = array<i32>} : memref<125x128xf32, #tpu.memory_space<vmem>>, vector<1x16xf32>,
      %swap3A_55 = vector.shape_cast %swap3A_54 : vector<1x16xf32> to vector<16xf32>
      %swap3A_56 = vector.shape_cast %broadcast_in_dim3A_1 : vector<16xf32> to vector<1x16xf32>
      tpu.vector_store %arg8[%swap3A_52, %swap3A_53], %swap3A_56 {strides = array<i32>} : memref<125x128xf32, #tpu.memory_space<vmem>>, vector<1x16xf32>,
      %swap3A_57 = arith.index_cast %scan3A_36 : i32 to index
      %swap3A_58 = arith.constant 64 : index
      %swap3A_59 = tpu.vector_load %arg8[%swap3A_57, %swap3A_58] {strides = array<i32>} : memref<125x128xf32, #tpu.memory_space<vmem>>, vector<1x16xf32>,
      %swap3A_60 = vector.shape_cast %swap3A_59 : vector<1x16xf32> to vector<16xf32>
      %swap3A_61 = vector.shape_cast %broadcast_in_dim3A_1 : vector<16xf32> to vector<1x16xf32>
      tpu.vector_store %arg8[%swap3A_57, %swap3A_58], %swap3A_61 {strides = array<i32>} : memref<125x128xf32, #tpu.memory_space<vmem>>, vector<1x16xf32>,
      %swap3A_62 = arith.index_cast %scan3A_36 : i32 to index
      %swap3A_63 = arith.constant 80 : index
      %swap3A_64 = tpu.vector_load %arg8[%swap3A_62, %swap3A_63] {strides = array<i32>} : memref<125x128xf32, #tpu.memory_space<vmem>>, vector<1x16xf32>,
      %swap3A_65 = vector.shape_cast %swap3A_64 : vector<1x16xf32> to vector<16xf32>
      %swap3A_66 = vector.shape_cast %broadcast_in_dim3A_1 : vector<16xf32> to vector<1x16xf32>
      tpu.vector_store %arg8[%swap3A_62, %swap3A_63], %swap3A_66 {strides = array<i32>} : memref<125x128xf32, #tpu.memory_space<vmem>>, vector<1x16xf32>,
      %swap3A_67 = arith.index_cast %scan3A_36 : i32 to index
      %swap3A_68 = arith.constant 96 : index
      %swap3A_69 = tpu.vector_load %arg8[%swap3A_67, %swap3A_68] {strides = array<i32>} : memref<125x128xf32, #tpu.memory_space<vmem>>, vector<1x16xf32>,
      %swap3A_70 = vector.shape_cast %swap3A_69 : vector<1x16xf32> to vector<16xf32>
      %swap3A_71 = vector.shape_cast %broadcast_in_dim3A_1 : vector<16xf32> to vector<1x16xf32>
      tpu.vector_store %arg8[%swap3A_67, %swap3A_68], %swap3A_71 {strides = array<i32>} : memref<125x128xf32, #tpu.memory_space<vmem>>, vector<1x16xf32>,
      %swap3A_72 = arith.index_cast %scan3A_36 : i32 to index
      %swap3A_73 = arith.constant 112 : index
      %swap3A_74 = tpu.vector_load %arg8[%swap3A_72, %swap3A_73] {strides = array<i32>} : memref<125x128xf32, #tpu.memory_space<vmem>>, vector<1x16xf32>,
      %swap3A_75 = vector.shape_cast %swap3A_74 : vector<1x16xf32> to vector<16xf32>
      %swap3A_76 = vector.shape_cast %broadcast_in_dim3A_1 : vector<16xf32> to vector<1x16xf32>
      tpu.vector_store %arg8[%swap3A_72, %swap3A_73], %swap3A_76 {strides = array<i32>} : memref<125x128xf32, #tpu.memory_space<vmem>>, vector<1x16xf32>,
      %scan3A_77 = arith.constant 0 : i32
      scf.yield %scan3A_77 : i32
    }
    %scan3A_7 = arith.constant 125 : i32
    %mul3A_8 = arith.constant 632 : i32
    %mul3A_9 = arith.muli %arg1, %mul3A_8 : i32
    %add3A_10 = arith.constant 0 : i32
    %add3A_11 = arith.addi %mul3A_9, %add3A_10 : i32
    "tpu.region"() ({
      %run_scoped3A = tpu.sem_alloc : memref<!tpu.dma_semaphore, #tpu.memory_space<semaphore_mem>>
      %dma_start3A = arith.constant 0 : i32
      %dma_start3A_36 = arith.constant 0 : i32
      %dma_start3A_37 = tpu.memref_slice %arg8[%dma_start3A, %dma_start3A_36] : memref<125x128xf32, #tpu.memory_space<vmem>> -> memref<104x128xf32, #tpu.memory_space<vmem>>
      %dma_start3A_38 = arith.constant 0 : i32
      %dma_start3A_39 = tpu.memref_slice %arg9[%add3A_11, %dma_start3A_38] : memref<10112x128xf32, #tpu.memory_space<vmem_shared>> -> memref<104x128xf32, #tpu.memory_space<vmem_shared>>
      %dma_start3A_40 = arith.constant 0 : i32
      %dma_start3A_41 = tpu.memref_slice %arg9[%add3A_11, %dma_start3A_40] : memref<10112x128xf32, #tpu.memory_space<vmem_shared>> -> memref<104x128xf32, #tpu.memory_space<vmem_shared>>
      %dma_start3A_42 = arith.constant 0 : i32
      %dma_start3A_43 = arith.constant 0 : i32
      %dma_start3A_44 = tpu.memref_slice %arg8[%dma_start3A_42, %dma_start3A_43] : memref<125x128xf32, #tpu.memory_space<vmem>> -> memref<104x128xf32, #tpu.memory_space<vmem>>
      tpu.enqueue_dma source(%dma_start3A_44 : memref<104x128xf32, #tpu.memory_space<vmem>>) target(%dma_start3A_41 : memref<104x128xf32, #tpu.memory_space<vmem_shared>>) target_semaphore(%run_scoped3A : memref<!tpu.dma_semaphore, #tpu.memory_space<semaphore_mem>>)
      %dma_wait3A = arith.constant 0 : i32
      %dma_wait3A_45 = arith.constant 0 : i32
      %dma_wait3A_46 = tpu.memref_slice %arg8[%dma_wait3A, %dma_wait3A_45] : memref<125x128xf32, #tpu.memory_space<vmem>> -> memref<104x128xf32, #tpu.memory_space<vmem>>
      %dma_wait3A_47 = arith.constant 0 : i32
      %dma_wait3A_48 = tpu.memref_slice %arg9[%add3A_11, %dma_wait3A_47] : memref<10112x128xf32, #tpu.memory_space<vmem_shared>> -> memref<104x128xf32, #tpu.memory_space<vmem_shared>>
      %dma_wait3A_49 = arith.constant 0 : i32
      %dma_wait3A_50 = tpu.memref_slice %arg9[%add3A_11, %dma_wait3A_49] : memref<10112x128xf32, #tpu.memory_space<vmem_shared>> -> memref<104x128xf32, #tpu.memory_space<vmem_shared>>
      %dma_wait3A_51 = arith.constant 0 : i32
      %dma_wait3A_52 = arith.constant 0 : i32
      %dma_wait3A_53 = tpu.memref_slice %arg8[%dma_wait3A_51, %dma_wait3A_52] : memref<125x128xf32, #tpu.memory_space<vmem>> -> memref<104x128xf32, #tpu.memory_space<vmem>>
      tpu.wait_dma2 semaphore(%run_scoped3A : memref<!tpu.dma_semaphore, #tpu.memory_space<semaphore_mem>>) src(%dma_wait3A_53 : memref<104x128xf32, #tpu.memory_space<vmem>>) dst(%dma_wait3A_50 : memref<104x128xf32, #tpu.memory_space<vmem_shared>>)
      tpu.yield
    }) : () -> ()
    %add3A_12 = arith.constant 104 : i32
    %add3A_13 = arith.addi %mul3A_9, %add3A_12 : i32
    "tpu.region"() ({
      %run_scoped3A = tpu.sem_alloc : memref<!tpu.dma_semaphore, #tpu.memory_space<semaphore_mem>>
      %dma_start3A = arith.constant 0 : i32
      %dma_start3A_36 = arith.constant 0 : i32
      %dma_start3A_37 = tpu.memref_slice %arg8[%dma_start3A, %dma_start3A_36] : memref<125x128xf32, #tpu.memory_space<vmem>> -> memref<104x128xf32, #tpu.memory_space<vmem>>
      %dma_start3A_38 = arith.constant 0 : i32
      %dma_start3A_39 = tpu.memref_slice %arg9[%add3A_13, %dma_start3A_38] : memref<10112x128xf32, #tpu.memory_space<vmem_shared>> -> memref<104x128xf32, #tpu.memory_space<vmem_shared>>
      %dma_start3A_40 = arith.constant 0 : i32
      %dma_start3A_41 = tpu.memref_slice %arg9[%add3A_13, %dma_start3A_40] : memref<10112x128xf32, #tpu.memory_space<vmem_shared>> -> memref<104x128xf32, #tpu.memory_space<vmem_shared>>
      %dma_start3A_42 = arith.constant 0 : i32
      %dma_start3A_43 = arith.constant 0 : i32
      %dma_start3A_44 = tpu.memref_slice %arg8[%dma_start3A_42, %dma_start3A_43] : memref<125x128xf32, #tpu.memory_space<vmem>> -> memref<104x128xf32, #tpu.memory_space<vmem>>
      tpu.enqueue_dma source(%dma_start3A_44 : memref<104x128xf32, #tpu.memory_space<vmem>>) target(%dma_start3A_41 : memref<104x128xf32, #tpu.memory_space<vmem_shared>>) target_semaphore(%run_scoped3A : memref<!tpu.dma_semaphore, #tpu.memory_space<semaphore_mem>>)
      %dma_wait3A = arith.constant 0 : i32
      %dma_wait3A_45 = arith.constant 0 : i32
      %dma_wait3A_46 = tpu.memref_slice %arg8[%dma_wait3A, %dma_wait3A_45] : memref<125x128xf32, #tpu.memory_space<vmem>> -> memref<104x128xf32, #tpu.memory_space<vmem>>
      %dma_wait3A_47 = arith.constant 0 : i32
      %dma_wait3A_48 = tpu.memref_slice %arg9[%add3A_13, %dma_wait3A_47] : memref<10112x128xf32, #tpu.memory_space<vmem_shared>> -> memref<104x128xf32, #tpu.memory_space<vmem_shared>>
      %dma_wait3A_49 = arith.constant 0 : i32
      %dma_wait3A_50 = tpu.memref_slice %arg9[%add3A_13, %dma_wait3A_49] : memref<10112x128xf32, #tpu.memory_space<vmem_shared>> -> memref<104x128xf32, #tpu.memory_space<vmem_shared>>
      %dma_wait3A_51 = arith.constant 0 : i32
      %dma_wait3A_52 = arith.constant 0 : i32
      %dma_wait3A_53 = tpu.memref_slice %arg8[%dma_wait3A_51, %dma_wait3A_52] : memref<125x128xf32, #tpu.memory_space<vmem>> -> memref<104x128xf32, #tpu.memory_space<vmem>>
      tpu.wait_dma2 semaphore(%run_scoped3A : memref<!tpu.dma_semaphore, #tpu.memory_space<semaphore_mem>>) src(%dma_wait3A_53 : memref<104x128xf32, #tpu.memory_space<vmem>>) dst(%dma_wait3A_50 : memref<104x128xf32, #tpu.memory_space<vmem_shared>>)
      tpu.yield
    }) : () -> ()
    %add3A_14 = arith.constant 208 : i32
    %add3A_15 = arith.addi %mul3A_9, %add3A_14 : i32
    "tpu.region"() ({
      %run_scoped3A = tpu.sem_alloc : memref<!tpu.dma_semaphore, #tpu.memory_space<semaphore_mem>>
      %dma_start3A = arith.constant 0 : i32
      %dma_start3A_36 = arith.constant 0 : i32
      %dma_start3A_37 = tpu.memref_slice %arg8[%dma_start3A, %dma_start3A_36] : memref<125x128xf32, #tpu.memory_space<vmem>> -> memref<104x128xf32, #tpu.memory_space<vmem>>
      %dma_start3A_38 = arith.constant 0 : i32
      %dma_start3A_39 = tpu.memref_slice %arg9[%add3A_15, %dma_start3A_38] : memref<10112x128xf32, #tpu.memory_space<vmem_shared>> -> memref<104x128xf32, #tpu.memory_space<vmem_shared>>
      %dma_start3A_40 = arith.constant 0 : i32
      %dma_start3A_41 = tpu.memref_slice %arg9[%add3A_15, %dma_start3A_40] : memref<10112x128xf32, #tpu.memory_space<vmem_shared>> -> memref<104x128xf32, #tpu.memory_space<vmem_shared>>
      %dma_start3A_42 = arith.constant 0 : i32
      %dma_start3A_43 = arith.constant 0 : i32
      %dma_start3A_44 = tpu.memref_slice %arg8[%dma_start3A_42, %dma_start3A_43] : memref<125x128xf32, #tpu.memory_space<vmem>> -> memref<104x128xf32, #tpu.memory_space<vmem>>
      tpu.enqueue_dma source(%dma_start3A_44 : memref<104x128xf32, #tpu.memory_space<vmem>>) target(%dma_start3A_41 : memref<104x128xf32, #tpu.memory_space<vmem_shared>>) target_semaphore(%run_scoped3A : memref<!tpu.dma_semaphore, #tpu.memory_space<semaphore_mem>>)
      %dma_wait3A = arith.constant 0 : i32
      %dma_wait3A_45 = arith.constant 0 : i32
      %dma_wait3A_46 = tpu.memref_slice %arg8[%dma_wait3A, %dma_wait3A_45] : memref<125x128xf32, #tpu.memory_space<vmem>> -> memref<104x128xf32, #tpu.memory_space<vmem>>
      %dma_wait3A_47 = arith.constant 0 : i32
      %dma_wait3A_48 = tpu.memref_slice %arg9[%add3A_15, %dma_wait3A_47] : memref<10112x128xf32, #tpu.memory_space<vmem_shared>> -> memref<104x128xf32, #tpu.memory_space<vmem_shared>>
      %dma_wait3A_49 = arith.constant 0 : i32
      %dma_wait3A_50 = tpu.memref_slice %arg9[%add3A_15, %dma_wait3A_49] : memref<10112x128xf32, #tpu.memory_space<vmem_shared>> -> memref<104x128xf32, #tpu.memory_space<vmem_shared>>
      %dma_wait3A_51 = arith.constant 0 : i32
      %dma_wait3A_52 = arith.constant 0 : i32
      %dma_wait3A_53 = tpu.memref_slice %arg8[%dma_wait3A_51, %dma_wait3A_52] : memref<125x128xf32, #tpu.memory_space<vmem>> -> memref<104x128xf32, #tpu.memory_space<vmem>>
      tpu.wait_dma2 semaphore(%run_scoped3A : memref<!tpu.dma_semaphore, #tpu.memory_space<semaphore_mem>>) src(%dma_wait3A_53 : memref<104x128xf32, #tpu.memory_space<vmem>>) dst(%dma_wait3A_50 : memref<104x128xf32, #tpu.memory_space<vmem_shared>>)
      tpu.yield
    }) : () -> ()
    %add3A_16 = arith.constant 312 : i32
    %add3A_17 = arith.addi %mul3A_9, %add3A_16 : i32
    "tpu.region"() ({
      %run_scoped3A = tpu.sem_alloc : memref<!tpu.dma_semaphore, #tpu.memory_space<semaphore_mem>>
      %dma_start3A = arith.constant 0 : i32
      %dma_start3A_36 = arith.constant 0 : i32
      %dma_start3A_37 = tpu.memref_slice %arg8[%dma_start3A, %dma_start3A_36] : memref<125x128xf32, #tpu.memory_space<vmem>> -> memref<104x128xf32, #tpu.memory_space<vmem>>
      %dma_start3A_38 = arith.constant 0 : i32
      %dma_start3A_39 = tpu.memref_slice %arg9[%add3A_17, %dma_start3A_38] : memref<10112x128xf32, #tpu.memory_space<vmem_shared>> -> memref<104x128xf32, #tpu.memory_space<vmem_shared>>
      %dma_start3A_40 = arith.constant 0 : i32
      %dma_start3A_41 = tpu.memref_slice %arg9[%add3A_17, %dma_start3A_40] : memref<10112x128xf32, #tpu.memory_space<vmem_shared>> -> memref<104x128xf32, #tpu.memory_space<vmem_shared>>
      %dma_start3A_42 = arith.constant 0 : i32
      %dma_start3A_43 = arith.constant 0 : i32
      %dma_start3A_44 = tpu.memref_slice %arg8[%dma_start3A_42, %dma_start3A_43] : memref<125x128xf32, #tpu.memory_space<vmem>> -> memref<104x128xf32, #tpu.memory_space<vmem>>
      tpu.enqueue_dma source(%dma_start3A_44 : memref<104x128xf32, #tpu.memory_space<vmem>>) target(%dma_start3A_41 : memref<104x128xf32, #tpu.memory_space<vmem_shared>>) target_semaphore(%run_scoped3A : memref<!tpu.dma_semaphore, #tpu.memory_space<semaphore_mem>>)
      %dma_wait3A = arith.constant 0 : i32
      %dma_wait3A_45 = arith.constant 0 : i32
      %dma_wait3A_46 = tpu.memref_slice %arg8[%dma_wait3A, %dma_wait3A_45] : memref<125x128xf32, #tpu.memory_space<vmem>> -> memref<104x128xf32, #tpu.memory_space<vmem>>
      %dma_wait3A_47 = arith.constant 0 : i32
      %dma_wait3A_48 = tpu.memref_slice %arg9[%add3A_17, %dma_wait3A_47] : memref<10112x128xf32, #tpu.memory_space<vmem_shared>> -> memref<104x128xf32, #tpu.memory_space<vmem_shared>>
      %dma_wait3A_49 = arith.constant 0 : i32
      %dma_wait3A_50 = tpu.memref_slice %arg9[%add3A_17, %dma_wait3A_49] : memref<10112x128xf32, #tpu.memory_space<vmem_shared>> -> memref<104x128xf32, #tpu.memory_space<vmem_shared>>
      %dma_wait3A_51 = arith.constant 0 : i32
      %dma_wait3A_52 = arith.constant 0 : i32
      %dma_wait3A_53 = tpu.memref_slice %arg8[%dma_wait3A_51, %dma_wait3A_52] : memref<125x128xf32, #tpu.memory_space<vmem>> -> memref<104x128xf32, #tpu.memory_space<vmem>>
      tpu.wait_dma2 semaphore(%run_scoped3A : memref<!tpu.dma_semaphore, #tpu.memory_space<semaphore_mem>>) src(%dma_wait3A_53 : memref<104x128xf32, #tpu.memory_space<vmem>>) dst(%dma_wait3A_50 : memref<104x128xf32, #tpu.memory_space<vmem_shared>>)
      tpu.yield
    }) : () -> ()
    %add3A_18 = arith.constant 416 : i32
    %add3A_19 = arith.addi %mul3A_9, %add3A_18 : i32
    "tpu.region"() ({
      %run_scoped3A = tpu.sem_alloc : memref<!tpu.dma_semaphore, #tpu.memory_space<semaphore_mem>>
      %dma_start3A = arith.constant 0 : i32
      %dma_start3A_36 = arith.constant 0 : i32
      %dma_start3A_37 = tpu.memref_slice %arg8[%dma_start3A, %dma_start3A_36] : memref<125x128xf32, #tpu.memory_space<vmem>> -> memref<104x128xf32, #tpu.memory_space<vmem>>
      %dma_start3A_38 = arith.constant 0 : i32
      %dma_start3A_39 = tpu.memref_slice %arg9[%add3A_19, %dma_start3A_38] : memref<10112x128xf32, #tpu.memory_space<vmem_shared>> -> memref<104x128xf32, #tpu.memory_space<vmem_shared>>
      %dma_start3A_40 = arith.constant 0 : i32
      %dma_start3A_41 = tpu.memref_slice %arg9[%add3A_19, %dma_start3A_40] : memref<10112x128xf32, #tpu.memory_space<vmem_shared>> -> memref<104x128xf32, #tpu.memory_space<vmem_shared>>
      %dma_start3A_42 = arith.constant 0 : i32
      %dma_start3A_43 = arith.constant 0 : i32
      %dma_start3A_44 = tpu.memref_slice %arg8[%dma_start3A_42, %dma_start3A_43] : memref<125x128xf32, #tpu.memory_space<vmem>> -> memref<104x128xf32, #tpu.memory_space<vmem>>
      tpu.enqueue_dma source(%dma_start3A_44 : memref<104x128xf32, #tpu.memory_space<vmem>>) target(%dma_start3A_41 : memref<104x128xf32, #tpu.memory_space<vmem_shared>>) target_semaphore(%run_scoped3A : memref<!tpu.dma_semaphore, #tpu.memory_space<semaphore_mem>>)
      %dma_wait3A = arith.constant 0 : i32
      %dma_wait3A_45 = arith.constant 0 : i32
      %dma_wait3A_46 = tpu.memref_slice %arg8[%dma_wait3A, %dma_wait3A_45] : memref<125x128xf32, #tpu.memory_space<vmem>> -> memref<104x128xf32, #tpu.memory_space<vmem>>
      %dma_wait3A_47 = arith.constant 0 : i32
      %dma_wait3A_48 = tpu.memref_slice %arg9[%add3A_19, %dma_wait3A_47] : memref<10112x128xf32, #tpu.memory_space<vmem_shared>> -> memref<104x128xf32, #tpu.memory_space<vmem_shared>>
      %dma_wait3A_49 = arith.constant 0 : i32
      %dma_wait3A_50 = tpu.memref_slice %arg9[%add3A_19, %dma_wait3A_49] : memref<10112x128xf32, #tpu.memory_space<vmem_shared>> -> memref<104x128xf32, #tpu.memory_space<vmem_shared>>
      %dma_wait3A_51 = arith.constant 0 : i32
      %dma_wait3A_52 = arith.constant 0 : i32
      %dma_wait3A_53 = tpu.memref_slice %arg8[%dma_wait3A_51, %dma_wait3A_52] : memref<125x128xf32, #tpu.memory_space<vmem>> -> memref<104x128xf32, #tpu.memory_space<vmem>>
      tpu.wait_dma2 semaphore(%run_scoped3A : memref<!tpu.dma_semaphore, #tpu.memory_space<semaphore_mem>>) src(%dma_wait3A_53 : memref<104x128xf32, #tpu.memory_space<vmem>>) dst(%dma_wait3A_50 : memref<104x128xf32, #tpu.memory_space<vmem_shared>>)
      tpu.yield
    }) : () -> ()
    %add3A_20 = arith.constant 520 : i32
    %add3A_21 = arith.addi %mul3A_9, %add3A_20 : i32
    "tpu.region"() ({
      %run_scoped3A = tpu.sem_alloc : memref<!tpu.dma_semaphore, #tpu.memory_space<semaphore_mem>>
      %dma_start3A = arith.constant 0 : i32
      %dma_start3A_36 = arith.constant 0 : i32
      %dma_start3A_37 = tpu.memref_slice %arg8[%dma_start3A, %dma_start3A_36] : memref<125x128xf32, #tpu.memory_space<vmem>> -> memref<104x128xf32, #tpu.memory_space<vmem>>
      %dma_start3A_38 = arith.constant 0 : i32
      %dma_start3A_39 = tpu.memref_slice %arg9[%add3A_21, %dma_start3A_38] : memref<10112x128xf32, #tpu.memory_space<vmem_shared>> -> memref<104x128xf32, #tpu.memory_space<vmem_shared>>
      %dma_start3A_40 = arith.constant 0 : i32
      %dma_start3A_41 = tpu.memref_slice %arg9[%add3A_21, %dma_start3A_40] : memref<10112x128xf32, #tpu.memory_space<vmem_shared>> -> memref<104x128xf32, #tpu.memory_space<vmem_shared>>
      %dma_start3A_42 = arith.constant 0 : i32
      %dma_start3A_43 = arith.constant 0 : i32
      %dma_start3A_44 = tpu.memref_slice %arg8[%dma_start3A_42, %dma_start3A_43] : memref<125x128xf32, #tpu.memory_space<vmem>> -> memref<104x128xf32, #tpu.memory_space<vmem>>
      tpu.enqueue_dma source(%dma_start3A_44 : memref<104x128xf32, #tpu.memory_space<vmem>>) target(%dma_start3A_41 : memref<104x128xf32, #tpu.memory_space<vmem_shared>>) target_semaphore(%run_scoped3A : memref<!tpu.dma_semaphore, #tpu.memory_space<semaphore_mem>>)
      %dma_wait3A = arith.constant 0 : i32
      %dma_wait3A_45 = arith.constant 0 : i32
      %dma_wait3A_46 = tpu.memref_slice %arg8[%dma_wait3A, %dma_wait3A_45] : memref<125x128xf32, #tpu.memory_space<vmem>> -> memref<104x128xf32, #tpu.memory_space<vmem>>
      %dma_wait3A_47 = arith.constant 0 : i32
      %dma_wait3A_48 = tpu.memref_slice %arg9[%add3A_21, %dma_wait3A_47] : memref<10112x128xf32, #tpu.memory_space<vmem_shared>> -> memref<104x128xf32, #tpu.memory_space<vmem_shared>>
      %dma_wait3A_49 = arith.constant 0 : i32
      %dma_wait3A_50 = tpu.memref_slice %arg9[%add3A_21, %dma_wait3A_49] : memref<10112x128xf32, #tpu.memory_space<vmem_shared>> -> memref<104x128xf32, #tpu.memory_space<vmem_shared>>
      %dma_wait3A_51 = arith.constant 0 : i32
      %dma_wait3A_52 = arith.constant 0 : i32
      %dma_wait3A_53 = tpu.memref_slice %arg8[%dma_wait3A_51, %dma_wait3A_52] : memref<125x128xf32, #tpu.memory_space<vmem>> -> memref<104x128xf32, #tpu.memory_space<vmem>>
      tpu.wait_dma2 semaphore(%run_scoped3A : memref<!tpu.dma_semaphore, #tpu.memory_space<semaphore_mem>>) src(%dma_wait3A_53 : memref<104x128xf32, #tpu.memory_space<vmem>>) dst(%dma_wait3A_50 : memref<104x128xf32, #tpu.memory_space<vmem_shared>>)
      tpu.yield
    }) : () -> ()
    %add3A_22 = arith.constant 624 : i32
    %add3A_23 = arith.addi %mul3A_9, %add3A_22 : i32
    "tpu.region"() ({
      %run_scoped3A = tpu.sem_alloc : memref<!tpu.dma_semaphore, #tpu.memory_space<semaphore_mem>>
      %dma_start3A = arith.constant 0 : i32
      %dma_start3A_36 = arith.constant 0 : i32
      %dma_start3A_37 = tpu.memref_slice %arg8[%dma_start3A, %dma_start3A_36] : memref<125x128xf32, #tpu.memory_space<vmem>> -> memref<8x128xf32, #tpu.memory_space<vmem>>
      %dma_start3A_38 = arith.constant 0 : i32
      %dma_start3A_39 = tpu.memref_slice %arg9[%add3A_23, %dma_start3A_38] : memref<10112x128xf32, #tpu.memory_space<vmem_shared>> -> memref<8x128xf32, #tpu.memory_space<vmem_shared>>
      %dma_start3A_40 = arith.constant 0 : i32
      %dma_start3A_41 = tpu.memref_slice %arg9[%add3A_23, %dma_start3A_40] : memref<10112x128xf32, #tpu.memory_space<vmem_shared>> -> memref<8x128xf32, #tpu.memory_space<vmem_shared>>
      %dma_start3A_42 = arith.constant 0 : i32
      %dma_start3A_43 = arith.constant 0 : i32
      %dma_start3A_44 = tpu.memref_slice %arg8[%dma_start3A_42, %dma_start3A_43] : memref<125x128xf32, #tpu.memory_space<vmem>> -> memref<8x128xf32, #tpu.memory_space<vmem>>
      tpu.enqueue_dma source(%dma_start3A_44 : memref<8x128xf32, #tpu.memory_space<vmem>>) target(%dma_start3A_41 : memref<8x128xf32, #tpu.memory_space<vmem_shared>>) target_semaphore(%run_scoped3A : memref<!tpu.dma_semaphore, #tpu.memory_space<semaphore_mem>>)
      %dma_wait3A = arith.constant 0 : i32
      %dma_wait3A_45 = arith.constant 0 : i32
      %dma_wait3A_46 = tpu.memref_slice %arg8[%dma_wait3A, %dma_wait3A_45] : memref<125x128xf32, #tpu.memory_space<vmem>> -> memref<8x128xf32, #tpu.memory_space<vmem>>
      %dma_wait3A_47 = arith.constant 0 : i32
      %dma_wait3A_48 = tpu.memref_slice %arg9[%add3A_23, %dma_wait3A_47] : memref<10112x128xf32, #tpu.memory_space<vmem_shared>> -> memref<8x128xf32, #tpu.memory_space<vmem_shared>>
      %dma_wait3A_49 = arith.constant 0 : i32
      %dma_wait3A_50 = tpu.memref_slice %arg9[%add3A_23, %dma_wait3A_49] : memref<10112x128xf32, #tpu.memory_space<vmem_shared>> -> memref<8x128xf32, #tpu.memory_space<vmem_shared>>
      %dma_wait3A_51 = arith.constant 0 : i32
      %dma_wait3A_52 = arith.constant 0 : i32
      %dma_wait3A_53 = tpu.memref_slice %arg8[%dma_wait3A_51, %dma_wait3A_52] : memref<125x128xf32, #tpu.memory_space<vmem>> -> memref<8x128xf32, #tpu.memory_space<vmem>>
      tpu.wait_dma2 semaphore(%run_scoped3A : memref<!tpu.dma_semaphore, #tpu.memory_space<semaphore_mem>>) src(%dma_wait3A_53 : memref<8x128xf32, #tpu.memory_space<vmem>>) dst(%dma_wait3A_50 : memref<8x128xf32, #tpu.memory_space<vmem_shared>>)
      tpu.yield
    }) : () -> ()
    %barrier3A = arith.constant 0 : index
    tpu.barrier barrier_id(%barrier3A)
    %scan3A_24 = arith.constant 0 : i32
    %scan3A_25 = arith.constant 0 : i32
    %scan3A_26 = arith.constant 80 : i32
    %scan3A_27 = arith.addi %scan3A_25, %scan3A_26 : i32
    %scan3A_28 = arith.constant 1 : i32
    %scan3A_29 = scf.for %scan3A_36 = %scan3A_25 to %scan3A_27 step %scan3A_28 iter_args(%scan3A_37 = %scan3A_24) -> (i32)  : i32 {
      %dma_start3A = arith.constant 0 : i32
      %dma_start3A_38 = tpu.memref_slice %arg6[%scan3A_36, %dma_start3A] : memref<80x125xi32, #tpu.memory_space<vmem>> -> memref<1x125xi32, #tpu.memory_space<vmem>>
      %dma_start3A_39 = tpu.memref_squeeze %dma_start3A_38 : memref<1x125xi32, #tpu.memory_space<vmem>> -> memref<125xi32, #tpu.memory_space<vmem>>
      %dma_start3A_40 = arith.constant 0 : i32
      %dma_start3A_41 = arith.constant 0 : i32
      %dma_start3A_42 = tpu.memref_slice %arg2[%dma_start3A_40, %dma_start3A_41] : memref<10000x128xf32, #tpu.memory_space<hbm>> -> memref<10000x128xf32, #tpu.memory_space<hbm>>
      tpu.enqueue_indirect_dma source(%dma_start3A_42 : memref<10000x128xf32, #tpu.memory_space<hbm>>) target(%arg8 : memref<125x128xf32, #tpu.memory_space<vmem>>) offsets(%dma_start3A_39 : memref<125xi32, #tpu.memory_space<vmem>>) semaphore(%arg10 : memref<!tpu.dma_semaphore, #tpu.memory_space<semaphore_mem>>)
      %dma_wait3A = arith.constant 0 : i32
      %dma_wait3A_43 = tpu.memref_slice %arg6[%scan3A_36, %dma_wait3A] : memref<80x125xi32, #tpu.memory_space<vmem>> -> memref<1x125xi32, #tpu.memory_space<vmem>>
      %dma_wait3A_44 = tpu.memref_squeeze %dma_wait3A_43 : memref<1x125xi32, #tpu.memory_space<vmem>> -> memref<125xi32, #tpu.memory_space<vmem>>
      %dma_wait3A_45 = arith.constant 0 : i32
      %dma_wait3A_46 = arith.constant 0 : i32
      %dma_wait3A_47 = tpu.memref_slice %arg2[%dma_wait3A_45, %dma_wait3A_46] : memref<10000x128xf32, #tpu.memory_space<hbm>> -> memref<10000x128xf32, #tpu.memory_space<hbm>>
      tpu.wait_indirect_dma semaphore(%arg10 : memref<!tpu.dma_semaphore, #tpu.memory_space<semaphore_mem>>) src(%dma_wait3A_47 : memref<10000x128xf32, #tpu.memory_space<hbm>>) dst(%arg8 : memref<125x128xf32, #tpu.memory_space<vmem>>)
      "tpu.region"() ({
        %run_scoped3A = tpu.sem_alloc : memref<!tpu.dma_semaphore, #tpu.memory_space<semaphore_mem>>
        %dma_start3A_49 = arith.constant 0 : i32
        %dma_start3A_50 = tpu.memref_slice %arg7[%scan3A_36, %dma_start3A_49] : memref<80x125xi32, #tpu.memory_space<vmem>> -> memref<1x125xi32, #tpu.memory_space<vmem>>
        %dma_start3A_51 = tpu.memref_squeeze %dma_start3A_50 : memref<1x125xi32, #tpu.memory_space<vmem>> -> memref<125xi32, #tpu.memory_space<vmem>>
        %dma_start3A_52 = arith.constant 0 : i32
        %dma_start3A_53 = arith.constant 0 : i32
        %dma_start3A_54 = tpu.memref_slice %arg9[%dma_start3A_52, %dma_start3A_53] : memref<10112x128xf32, #tpu.memory_space<vmem_shared>> -> memref<10112x128xf32, #tpu.memory_space<vmem_shared>>
        tpu.enqueue_indirect_dma source(%arg8 : memref<125x128xf32, #tpu.memory_space<vmem>>) target(%dma_start3A_54 : memref<10112x128xf32, #tpu.memory_space<vmem_shared>>) offsets(%dma_start3A_51 : memref<125xi32, #tpu.memory_space<vmem>>) semaphore(%run_scoped3A : memref<!tpu.dma_semaphore, #tpu.memory_space<semaphore_mem>>) {add = true}
        %dma_wait3A_55 = arith.constant 0 : i32
        %dma_wait3A_56 = tpu.memref_slice %arg7[%scan3A_36, %dma_wait3A_55] : memref<80x125xi32, #tpu.memory_space<vmem>> -> memref<1x125xi32, #tpu.memory_space<vmem>>
        %dma_wait3A_57 = tpu.memref_squeeze %dma_wait3A_56 : memref<1x125xi32, #tpu.memory_space<vmem>> -> memref<125xi32, #tpu.memory_space<vmem>>
        %dma_wait3A_58 = arith.constant 0 : i32
        %dma_wait3A_59 = arith.constant 0 : i32
        %dma_wait3A_60 = tpu.memref_slice %arg9[%dma_wait3A_58, %dma_wait3A_59] : memref<10112x128xf32, #tpu.memory_space<vmem_shared>> -> memref<10112x128xf32, #tpu.memory_space<vmem_shared>>
        tpu.wait_indirect_dma semaphore(%run_scoped3A : memref<!tpu.dma_semaphore, #tpu.memory_space<semaphore_mem>>) src(%arg8 : memref<125x128xf32, #tpu.memory_space<vmem>>) dst(%dma_wait3A_60 : memref<10112x128xf32, #tpu.memory_space<vmem_shared>>)
        tpu.yield
      }) : () -> ()
      %scan3A_48 = arith.constant 0 : i32
      scf.yield %scan3A_48 : i32
    }
    %scan3A_30 = arith.constant 80 : i32
    %barrier3A_31 = arith.constant 0 : index
    tpu.barrier barrier_id(%barrier3A_31)
    %mul3A_32 = arith.constant 624 : i32
    %mul3A_33 = arith.muli %arg1, %mul3A_32 : i32
    "tpu.region"() ({
      %run_scoped3A = tpu.sem_alloc : memref<!tpu.dma_semaphore, #tpu.memory_space<semaphore_mem>>
      %dma_start3A = arith.constant 0 : i32
      %dma_start3A_36 = tpu.memref_slice %arg5[%arg0, %mul3A_33, %dma_start3A] : memref<2x10000x128xf32, #tpu.memory_space<hbm>> -> memref<1x624x128xf32, #tpu.memory_space<hbm>>
      %dma_start3A_37 = tpu.memref_squeeze %dma_start3A_36 : memref<1x624x128xf32, #tpu.memory_space<hbm>> -> memref<624x128xf32, #tpu.memory_space<hbm>>
      %dma_start3A_38 = arith.constant 0 : i32
      %dma_start3A_39 = tpu.memref_slice %arg9[%mul3A_33, %dma_start3A_38] : memref<10112x128xf32, #tpu.memory_space<vmem_shared>> -> memref<624x128xf32, #tpu.memory_space<vmem_shared>>
      tpu.enqueue_dma source(%dma_start3A_39 : memref<624x128xf32, #tpu.memory_space<vmem_shared>>) target(%dma_start3A_37 : memref<624x128xf32, #tpu.memory_space<hbm>>) target_semaphore(%run_scoped3A : memref<!tpu.dma_semaphore, #tpu.memory_space<semaphore_mem>>)
      %dma_wait3A = arith.constant 0 : i32
      %dma_wait3A_40 = tpu.memref_slice %arg5[%arg0, %mul3A_33, %dma_wait3A] : memref<2x10000x128xf32, #tpu.memory_space<hbm>> -> memref<1x624x128xf32, #tpu.memory_space<hbm>>
      %dma_wait3A_41 = tpu.memref_squeeze %dma_wait3A_40 : memref<1x624x128xf32, #tpu.memory_space<hbm>> -> memref<624x128xf32, #tpu.memory_space<hbm>>
      %dma_wait3A_42 = arith.constant 0 : i32
      %dma_wait3A_43 = tpu.memref_slice %arg9[%mul3A_33, %dma_wait3A_42] : memref<10112x128xf32, #tpu.memory_space<vmem_shared>> -> memref<624x128xf32, #tpu.memory_space<vmem_shared>>
      tpu.wait_dma2 semaphore(%run_scoped3A : memref<!tpu.dma_semaphore, #tpu.memory_space<semaphore_mem>>) src(%dma_wait3A_43 : memref<624x128xf32, #tpu.memory_space<vmem_shared>>) dst(%dma_wait3A_41 : memref<624x128xf32, #tpu.memory_space<hbm>>)
      tpu.yield
    }) : () -> ()
    %eq3A = arith.constant 15 : i32
    %eq3A_34 = arith.cmpi eq, %arg1, %eq3A : i32
    %convert_element_type3A = arith.extui %eq3A_34 : i1 to i32
    %cond3A = arith.constant 0 : i32
    %cond3A_35 = arith.cmpi ne, %convert_element_type3A, %cond3A : i32
    scf.if %cond3A_35 {
      "tpu.region"() ({
        %run_scoped3A = tpu.sem_alloc : memref<!tpu.dma_semaphore, #tpu.memory_space<semaphore_mem>>
        %dma_start3A = arith.constant 9984 : i32
        %dma_start3A_36 = arith.constant 0 : i32
        %dma_start3A_37 = tpu.memref_slice %arg5[%arg0, %dma_start3A, %dma_start3A_36] : memref<2x10000x128xf32, #tpu.memory_space<hbm>> -> memref<1x16x128xf32, #tpu.memory_space<hbm>>
        %dma_start3A_38 = tpu.memref_squeeze %dma_start3A_37 : memref<1x16x128xf32, #tpu.memory_space<hbm>> -> memref<16x128xf32, #tpu.memory_space<hbm>>
        %dma_start3A_39 = arith.constant 9984 : i32
        %dma_start3A_40 = arith.constant 0 : i32
        %dma_start3A_41 = tpu.memref_slice %arg9[%dma_start3A_39, %dma_start3A_40] : memref<10112x128xf32, #tpu.memory_space<vmem_shared>> -> memref<16x128xf32, #tpu.memory_space<vmem_shared>>
        tpu.enqueue_dma source(%dma_start3A_41 : memref<16x128xf32, #tpu.memory_space<vmem_shared>>) target(%dma_start3A_38 : memref<16x128xf32, #tpu.memory_space<hbm>>) target_semaphore(%run_scoped3A : memref<!tpu.dma_semaphore, #tpu.memory_space<semaphore_mem>>)
        %dma_wait3A = arith.constant 9984 : i32
        %dma_wait3A_42 = arith.constant 0 : i32
        %dma_wait3A_43 = tpu.memref_slice %arg5[%arg0, %dma_wait3A, %dma_wait3A_42] : memref<2x10000x128xf32, #tpu.memory_space<hbm>> -> memref<1x16x128xf32, #tpu.memory_space<hbm>>
        %dma_wait3A_44 = tpu.memref_squeeze %dma_wait3A_43 : memref<1x16x128xf32, #tpu.memory_space<hbm>> -> memref<16x128xf32, #tpu.memory_space<hbm>>
        %dma_wait3A_45 = arith.constant 9984 : i32
        %dma_wait3A_46 = arith.constant 0 : i32
        %dma_wait3A_47 = tpu.memref_slice %arg9[%dma_wait3A_45, %dma_wait3A_46] : memref<10112x128xf32, #tpu.memory_space<vmem_shared>> -> memref<16x128xf32, #tpu.memory_space<vmem_shared>>
        tpu.wait_dma2 semaphore(%run_scoped3A : memref<!tpu.dma_semaphore, #tpu.memory_space<semaphore_mem>>) src(%dma_wait3A_47 : memref<16x128xf32, #tpu.memory_space<vmem_shared>>) dst(%dma_wait3A_44 : memref<16x128xf32, #tpu.memory_space<hbm>>)
        tpu.yield
      }) : () -> ()
    } else {
    }
    return
  }
}

module attributes {stable_mosaic.version = 14 : i64} {
  func.func @_mid_body(%arg0: i32, %arg1: memref<2x1000x128xf32, #tpu.memory_space<vmem>>, %arg2: memref<1000x128xf32, #tpu.memory_space<vmem>>, %arg3: memref<1000x1xf32, #tpu.memory_space<vmem>>, %arg4: memref<1x128xf32, #tpu.memory_space<vmem>>, %arg5: memref<128x128xf32, #tpu.memory_space<vmem>>, %arg6: memref<1000x128xf32, #tpu.memory_space<vmem>>) attributes {dimension_semantics = [#tpu.dimension_semantics<arbitrary>], iteration_bounds = array<i64: 10>, scalar_prefetch = 0 : i64, scratch_operands = 0 : i64, tpu.core_type = #tpu.core_type<tc>, window_params = [{transform_indices = @transform_0, window_bounds = array<i64: 2, 1000, 128>}, {transform_indices = @transform_1, window_bounds = array<i64: 1000, 128>}, {transform_indices = @transform_2, window_bounds = array<i64: 1000, 1>}, {pipeline_mode = #tpu.pipeline_mode<synchronous>, transform_indices = @transform_3, window_bounds = array<i64: 1, 128>}, {pipeline_mode = #tpu.pipeline_mode<synchronous>, transform_indices = @transform_4, window_bounds = array<i64: 128, 128>}, {transform_indices = @transform_5, window_bounds = array<i64: 1000, 128>}]} {
    %get3A = arith.constant 0 : index
    %get3A_0 = arith.constant 0 : index
    %get3A_1 = arith.constant 0 : index
    %get3A_2 = vector.load %arg1[%get3A, %get3A_0, %get3A_1] : memref<2x1000x128xf32, #tpu.memory_space<vmem>>, vector<1x1000x128xf32>
    %get3A_3 = vector.shape_cast %get3A_2 : vector<1x1000x128xf32> to vector<1000x128xf32>
    %get3A_4 = arith.constant 1 : index
    %get3A_5 = arith.constant 0 : index
    %get3A_6 = arith.constant 0 : index
    %get3A_7 = vector.load %arg1[%get3A_4, %get3A_5, %get3A_6] : memref<2x1000x128xf32, #tpu.memory_space<vmem>>, vector<1x1000x128xf32>
    %get3A_8 = vector.shape_cast %get3A_7 : vector<1x1000x128xf32> to vector<1000x128xf32>
    %add3A = arith.addf %get3A_3, %get3A_8 : vector<1000x128xf32>
    %get3A_9 = arith.constant 0 : index
    %get3A_10 = arith.constant 0 : index
    %get3A_11 = vector.load %arg3[%get3A_9, %get3A_10] : memref<1000x1xf32, #tpu.memory_space<vmem>>, vector<1000x1xf32>
    %get3A_12 = arith.constant 0 : index
    %get3A_13 = arith.constant 0 : index
    %get3A_14 = vector.load %arg2[%get3A_12, %get3A_13] : memref<1000x128xf32, #tpu.memory_space<vmem>>, vector<1000x128xf32>
    %add3A_15 = arith.addf %add3A, %get3A_14 : vector<1000x128xf32>
    %mul3A = vector.broadcast %get3A_11 : vector<1000x1xf32> to vector<1000x128xf32>
    %mul3A_16 = arith.mulf %mul3A, %add3A_15 : vector<1000x128xf32>
    %get3A_17 = arith.constant 0 : index
    %get3A_18 = arith.constant 0 : index
    %get3A_19 = vector.load %arg4[%get3A_17, %get3A_18] : memref<1x128xf32, #tpu.memory_space<vmem>>, vector<1x128xf32>
    %add3A_20 = vector.broadcast %get3A_19 : vector<1x128xf32> to vector<1000x128xf32>
    %add3A_21 = arith.addf %mul3A_16, %add3A_20 : vector<1000x128xf32>
    %max3A = arith.constant 0.000000e+00 : f32
    %max3A_22 = vector.broadcast %max3A : f32 to vector<1000x128xf32>
    %max3A_23 = arith.maximumf %add3A_21, %max3A_22 : vector<1000x128xf32>
    %get3A_24 = arith.constant 0 : index
    %get3A_25 = arith.constant 0 : index
    %get3A_26 = vector.load %arg5[%get3A_24, %get3A_25] : memref<128x128xf32, #tpu.memory_space<vmem>>, vector<128x128xf32>
    %dot_general3A = arith.constant dense<0.000000e+00> : vector<1000x128xf32>
    %dot_general3A_27 = tpu.matmul %max3A_23, %get3A_26, %dot_general3A {dimension_numbers = #tpu.dot_dimension_numbers<[1], [0], [0], [1], [0, 0, 1, 1], [], []>, transpose_lhs_hint = false} : vector<1000x128xf32>, vector<128x128xf32>, vector<1000x128xf32> -> vector<1000x128xf32>
    %mul3A_28 = vector.broadcast %get3A_11 : vector<1000x1xf32> to vector<1000x128xf32>
    %mul3A_29 = arith.mulf %mul3A_28, %dot_general3A_27 : vector<1000x128xf32>
    %swap3A = arith.constant 0 : index
    %swap3A_30 = arith.constant 0 : index
    %swap3A_31 = vector.load %arg6[%swap3A, %swap3A_30] : memref<1000x128xf32, #tpu.memory_space<vmem>>, vector<1000x128xf32>
    tpu.vector_store %arg6[%swap3A, %swap3A_30], %mul3A_29 {strides = array<i32>} : memref<1000x128xf32, #tpu.memory_space<vmem>>, vector<1000x128xf32>,
    return
  }
  func.func @transform_0(%arg0: i32) -> (i32, i32, i32) {
    %c0_i32 = arith.constant 0 : i32
    %c0_i32_0 = arith.constant 0 : i32
    %c0_i32_1 = arith.constant 0 : i32
    return %c0_i32, %arg0, %c0_i32_0 : i32, i32, i32
  }
  func.func @transform_1(%arg0: i32) -> (i32, i32) {
    %c0_i32 = arith.constant 0 : i32
    %c0_i32_0 = arith.constant 0 : i32
    return %arg0, %c0_i32 : i32, i32
  }
  func.func @transform_2(%arg0: i32) -> (i32, i32) {
    %c0_i32 = arith.constant 0 : i32
    %c0_i32_0 = arith.constant 0 : i32
    return %arg0, %c0_i32 : i32, i32
  }
  func.func @transform_3(%arg0: i32) -> (i32, i32) {
    %c0_i32 = arith.constant 0 : i32
    %c0_i32_0 = arith.constant 0 : i32
    %c0_i32_1 = arith.constant 0 : i32
    return %c0_i32, %c0_i32_0 : i32, i32
  }
  func.func @transform_4(%arg0: i32) -> (i32, i32) {
    %c0_i32 = arith.constant 0 : i32
    %c0_i32_0 = arith.constant 0 : i32
    %c0_i32_1 = arith.constant 0 : i32
    return %c0_i32, %c0_i32_0 : i32, i32
  }
  func.func @transform_5(%arg0: i32) -> (i32, i32) {
    %c0_i32 = arith.constant 0 : i32
    %c0_i32_0 = arith.constant 0 : i32
    return %arg0, %c0_i32 : i32, i32
  }
}

module attributes {stable_mosaic.version = 14 : i64} {
  func.func @_l1_body(%arg0: i32, %arg1: memref<2x1000x16xf32, #tpu.memory_space<vmem>>, %arg2: memref<1000x128xf32, #tpu.memory_space<vmem>>, %arg3: memref<128x128xf32, #tpu.memory_space<vmem>>, %arg4: memref<1000x128xf32, #tpu.memory_space<vmem>>, %arg5: memref<1000x1xf32, #tpu.memory_space<vmem>>) attributes {dimension_semantics = [#tpu.dimension_semantics<arbitrary>], iteration_bounds = array<i64: 10>, scalar_prefetch = 0 : i64, scratch_operands = 0 : i64, tpu.core_type = #tpu.core_type<tc>, window_params = [{transform_indices = @transform_0, window_bounds = array<i64: 2, 1000, 16>}, {transform_indices = @transform_1, window_bounds = array<i64: 1000, 128>}, {pipeline_mode = #tpu.pipeline_mode<synchronous>, transform_indices = @transform_2, window_bounds = array<i64: 128, 128>}, {transform_indices = @transform_3, window_bounds = array<i64: 1000, 128>}, {transform_indices = @transform_4, window_bounds = array<i64: 1000, 1>}]} {
    %get3A = arith.constant 0 : index
    %get3A_0 = arith.constant 0 : index
    %get3A_1 = arith.constant 0 : index
    %get3A_2 = vector.load %arg1[%get3A, %get3A_0, %get3A_1] : memref<2x1000x16xf32, #tpu.memory_space<vmem>>, vector<1x1000x1xf32>
    %get3A_3 = vector.shape_cast %get3A_2 : vector<1x1000x1xf32> to vector<1000x1xf32>
    %get3A_4 = arith.constant 1 : index
    %get3A_5 = arith.constant 0 : index
    %get3A_6 = arith.constant 0 : index
    %get3A_7 = vector.load %arg1[%get3A_4, %get3A_5, %get3A_6] : memref<2x1000x16xf32, #tpu.memory_space<vmem>>, vector<1x1000x1xf32>
    %get3A_8 = vector.shape_cast %get3A_7 : vector<1x1000x1xf32> to vector<1000x1xf32>
    %add3A = arith.addf %get3A_3, %get3A_8 : vector<1000x1xf32>
    %add3A_9 = arith.constant 1.000000e+00 : f32
    %add3A_10 = vector.broadcast %add3A_9 : f32 to vector<1000x1xf32>
    %add3A_11 = arith.addf %add3A, %add3A_10 : vector<1000x1xf32>
    %rsqrt3A = math.rsqrt %add3A_11 : vector<1000x1xf32>
    %get3A_12 = arith.constant 0 : index
    %get3A_13 = arith.constant 0 : index
    %get3A_14 = vector.load %arg2[%get3A_12, %get3A_13] : memref<1000x128xf32, #tpu.memory_space<vmem>>, vector<1000x128xf32>
    %get3A_15 = arith.constant 0 : index
    %get3A_16 = arith.constant 0 : index
    %get3A_17 = vector.load %arg3[%get3A_15, %get3A_16] : memref<128x128xf32, #tpu.memory_space<vmem>>, vector<128x128xf32>
    %dot_general3A = arith.constant dense<0.000000e+00> : vector<1000x128xf32>
    %dot_general3A_18 = tpu.matmul %get3A_14, %get3A_17, %dot_general3A {dimension_numbers = #tpu.dot_dimension_numbers<[1], [0], [0], [1], [0, 0, 1, 1], [], []>, transpose_lhs_hint = false} : vector<1000x128xf32>, vector<128x128xf32>, vector<1000x128xf32> -> vector<1000x128xf32>
    %mul3A = vector.broadcast %rsqrt3A : vector<1000x1xf32> to vector<1000x128xf32>
    %mul3A_19 = arith.mulf %mul3A, %dot_general3A_18 : vector<1000x128xf32>
    %swap3A = arith.constant 0 : index
    %swap3A_20 = arith.constant 0 : index
    %swap3A_21 = vector.load %arg4[%swap3A, %swap3A_20] : memref<1000x128xf32, #tpu.memory_space<vmem>>, vector<1000x128xf32>
    tpu.vector_store %arg4[%swap3A, %swap3A_20], %mul3A_19 {strides = array<i32>} : memref<1000x128xf32, #tpu.memory_space<vmem>>, vector<1000x128xf32>,
    %swap3A_22 = arith.constant 0 : index
    %swap3A_23 = arith.constant 0 : index
    %swap3A_24 = vector.load %arg5[%swap3A_22, %swap3A_23] : memref<1000x1xf32, #tpu.memory_space<vmem>>, vector<1000x1xf32>
    tpu.vector_store %arg5[%swap3A_22, %swap3A_23], %rsqrt3A {strides = array<i32>} : memref<1000x1xf32, #tpu.memory_space<vmem>>, vector<1000x1xf32>,
    return
  }
  func.func @transform_0(%arg0: i32) -> (i32, i32, i32) {
    %c0_i32 = arith.constant 0 : i32
    %c0_i32_0 = arith.constant 0 : i32
    %c0_i32_1 = arith.constant 0 : i32
    return %c0_i32, %arg0, %c0_i32_0 : i32, i32, i32
  }
  func.func @transform_1(%arg0: i32) -> (i32, i32) {
    %c0_i32 = arith.constant 0 : i32
    %c0_i32_0 = arith.constant 0 : i32
    return %arg0, %c0_i32 : i32, i32
  }
  func.func @transform_2(%arg0: i32) -> (i32, i32) {
    %c0_i32 = arith.constant 0 : i32
    %c0_i32_0 = arith.constant 0 : i32
    %c0_i32_1 = arith.constant 0 : i32
    return %c0_i32, %c0_i32_0 : i32, i32
  }
  func.func @transform_3(%arg0: i32) -> (i32, i32) {
    %c0_i32 = arith.constant 0 : i32
    %c0_i32_0 = arith.constant 0 : i32
    return %arg0, %c0_i32 : i32, i32
  }
  func.func @transform_4(%arg0: i32) -> (i32, i32) {
    %c0_i32 = arith.constant 0 : i32
    %c0_i32_0 = arith.constant 0 : i32
    return %arg0, %c0_i32 : i32, i32
  }
}

module attributes {stable_mosaic.version = 14 : i64} {
  func.func @_final_body(%arg0: memref<2x10000x128xf32, #tpu.memory_space<vmem>>, %arg1: memref<10000x128xf32, #tpu.memory_space<vmem>>, %arg2: memref<10000x1xf32, #tpu.memory_space<vmem>>, %arg3: memref<1x128xf32, #tpu.memory_space<vmem>>, %arg4: memref<8x10000xi32, #tpu.memory_space<vmem>>, %arg5: memref<128x10xf32, #tpu.memory_space<vmem>>, %arg6: memref<1x10xf32, #tpu.memory_space<vmem>>, %arg7: memref<64x10xf32, #tpu.memory_space<vmem>>) attributes {dimension_semantics = [], scalar_prefetch = 0 : i64, scratch_operands = 0 : i64, tpu.core_type = #tpu.core_type<tc>} {
    %get3A = arith.constant 0 : index
    %get3A_0 = arith.constant 0 : index
    %get3A_1 = arith.constant 0 : index
    %get3A_2 = vector.load %arg0[%get3A, %get3A_0, %get3A_1] : memref<2x10000x128xf32, #tpu.memory_space<vmem>>, vector<1x10000x128xf32>
    %get3A_3 = vector.shape_cast %get3A_2 : vector<1x10000x128xf32> to vector<10000x128xf32>
    %get3A_4 = arith.constant 1 : index
    %get3A_5 = arith.constant 0 : index
    %get3A_6 = arith.constant 0 : index
    %get3A_7 = vector.load %arg0[%get3A_4, %get3A_5, %get3A_6] : memref<2x10000x128xf32, #tpu.memory_space<vmem>>, vector<1x10000x128xf32>
    %get3A_8 = vector.shape_cast %get3A_7 : vector<1x10000x128xf32> to vector<10000x128xf32>
    %add3A = arith.addf %get3A_3, %get3A_8 : vector<10000x128xf32>
    %get3A_9 = arith.constant 0 : index
    %get3A_10 = arith.constant 0 : index
    %get3A_11 = vector.load %arg2[%get3A_9, %get3A_10] : memref<10000x1xf32, #tpu.memory_space<vmem>>, vector<10000x1xf32>
    %get3A_12 = arith.constant 0 : index
    %get3A_13 = arith.constant 0 : index
    %get3A_14 = vector.load %arg1[%get3A_12, %get3A_13] : memref<10000x128xf32, #tpu.memory_space<vmem>>, vector<10000x128xf32>
    %add3A_15 = arith.addf %add3A, %get3A_14 : vector<10000x128xf32>
    %mul3A = vector.broadcast %get3A_11 : vector<10000x1xf32> to vector<10000x128xf32>
    %mul3A_16 = arith.mulf %mul3A, %add3A_15 : vector<10000x128xf32>
    %get3A_17 = arith.constant 0 : index
    %get3A_18 = arith.constant 0 : index
    %get3A_19 = vector.load %arg3[%get3A_17, %get3A_18] : memref<1x128xf32, #tpu.memory_space<vmem>>, vector<1x128xf32>
    %add3A_20 = vector.broadcast %get3A_19 : vector<1x128xf32> to vector<10000x128xf32>
    %add3A_21 = arith.addf %mul3A_16, %add3A_20 : vector<10000x128xf32>
    %max3A = arith.constant 0.000000e+00 : f32
    %max3A_22 = vector.broadcast %max3A : f32 to vector<10000x128xf32>
    %max3A_23 = arith.maximumf %add3A_21, %max3A_22 : vector<10000x128xf32>
    %get3A_24 = arith.constant 0 : index
    %get3A_25 = arith.constant 0 : index
    %get3A_26 = vector.load %arg4[%get3A_24, %get3A_25] : memref<8x10000xi32, #tpu.memory_space<vmem>>, vector<1x10000xi32>
    %iota3A = tpu.iota {dimensions = array<i32: 0>} : vector<64x10000xi32>
    %eq3A = vector.broadcast %get3A_26 : vector<1x10000xi32> to vector<64x10000xi32>
    %eq3A_27 = arith.cmpi eq, %iota3A, %eq3A : vector<64x10000xi32>
    %convert_element_type3A = arith.extui %eq3A_27 : vector<64x10000xi1> to vector<64x10000xi32>
    %convert_element_type3A_28 = arith.sitofp %convert_element_type3A : vector<64x10000xi32> to vector<64x10000xf32>
    %dot_general3A = arith.constant dense<0.000000e+00> : vector<64x128xf32>
    %dot_general3A_29 = tpu.matmul %convert_element_type3A_28, %max3A_23, %dot_general3A {dimension_numbers = #tpu.dot_dimension_numbers<[1], [0], [0], [1], [0, 0, 1, 1], [], []>, transpose_lhs_hint = false} : vector<64x10000xf32>, vector<10000x128xf32>, vector<64x128xf32> -> vector<64x128xf32>
    %reduce_sum3A = arith.constant dense<0.000000e+00> : vector<64xf32>
    %reduce_sum3A_30 = vector.multi_reduction <add>, %convert_element_type3A_28, %reduce_sum3A [1] : vector<64x10000xf32> to vector<64xf32>
    %broadcast_in_dim3A = vector.shape_cast %reduce_sum3A_30 : vector<64xf32> to vector<64x1xf32>
    %max3A_31 = arith.constant 1.000000e+00 : f32
    %max3A_32 = vector.broadcast %max3A_31 : f32 to vector<64x1xf32>
    %max3A_33 = arith.maximumf %broadcast_in_dim3A, %max3A_32 : vector<64x1xf32>
    %div3A = vector.broadcast %max3A_33 : vector<64x1xf32> to vector<64x128xf32>
    %div3A_34 = arith.divf %dot_general3A_29, %div3A : vector<64x128xf32>
    %get3A_35 = arith.constant 0 : index
    %get3A_36 = arith.constant 0 : index
    %get3A_37 = vector.load %arg5[%get3A_35, %get3A_36] : memref<128x10xf32, #tpu.memory_space<vmem>>, vector<128x10xf32>
    %dot_general3A_38 = arith.constant dense<0.000000e+00> : vector<64x10xf32>
    %dot_general3A_39 = tpu.matmul %div3A_34, %get3A_37, %dot_general3A_38 {dimension_numbers = #tpu.dot_dimension_numbers<[1], [0], [0], [1], [0, 0, 1, 1], [], []>, transpose_lhs_hint = false} : vector<64x128xf32>, vector<128x10xf32>, vector<64x10xf32> -> vector<64x10xf32>
    %get3A_40 = arith.constant 0 : index
    %get3A_41 = arith.constant 0 : index
    %get3A_42 = vector.load %arg6[%get3A_40, %get3A_41] : memref<1x10xf32, #tpu.memory_space<vmem>>, vector<1x10xf32>
    %add3A_43 = vector.broadcast %get3A_42 : vector<1x10xf32> to vector<64x10xf32>
    %add3A_44 = arith.addf %dot_general3A_39, %add3A_43 : vector<64x10xf32>
    %swap3A = arith.constant 0 : index
    %swap3A_45 = arith.constant 0 : index
    %swap3A_46 = vector.load %arg7[%swap3A, %swap3A_45] : memref<64x10xf32, #tpu.memory_space<vmem>>, vector<64x10xf32>
    tpu.vector_store %arg7[%swap3A, %swap3A_45], %add3A_44 {strides = array<i32>} : memref<64x10xf32, #tpu.memory_space<vmem>>, vector<64x10xf32>,
    return
  }
}

</mosaic_0001>

<sc_bundles>
// kernel: kernel.12.cloned.1.call-start
scs
__scs_entry_jumppad:
0x0: {  	(pc) =	sbr.rel $0x88, $3  }
0x1: {  	(tag) =	ssettag $0x0;
	lr =	simm.s32 $0x1  }
0x2: {  	[smem:$0x3F94] =	sst lr;
	_ =	strace $0xD0000000  }
0x3: {  	_ = 	snop  }
0x4: {  	_ = 	snop  }
0x5: {  	_ = 	snop  }
0x6: {  	_ = 	snop  }
0x7: {  	_ = 	snop  }
__scs_overlays_trampoline_lowered:
0x8: {  	[smem:$0x3FA3] =	sst s0  }
0x9: {  	[smem:$0x3FA4] =	sst s1  }
0xa: {  	[smem:$0x3FA5] =	sst s2  }
0xb: {  	[smem:$0x3FA6] =	sst s3  }
0xc: {  	[smem:$0x3FA7] =	sst s4  }
0xd: {  	[smem:$0x3FA8] =	sst s5  }
0xe: {  	[smem:$0x3FA9] =	sst s6  }
0xf: {  	[smem:$0x3FAA] =	sst s7  }
0x10: {  	[smem:$0x3FAB] =	sst s8  }
0x11: {  	[smem:$0x3FAC] =	sst s9;
	s0 =	simm.s32 @!p0 $0x0  }
0x12: {  	s1 =	sld [smem:$0x3F92];
	s0 =	simm.s32 @p0 $0x1  }
0x13: {  	[smem:$0x3FAD] =	sst s0;
	s0 =	simm.s32 @!p1 $0x0  }
0x14: {  	s2 =	sld [smem:$0x3F91];
	s0 =	simm.s32 @p1 $0x1  }
0x15: {  	[smem:$0x3FAE] =	sst s0;
	s0 =	simm.s32 @!p2 $0x0  }
0x16: {  	s3 =	sld [smem:$0x3FDB];
	s0 =	simm.s32 @p2 $0x1  }
0x17: {  	s4 =	simm.s32 $0x1BF5;
	[smem:$0x3FB0] =	sst s0  }
0x18: {  	s0 =	sld [smem:$0x3F93];
	_ =	swait.ge [sflag:s4], $0x0  }
0x19: {  	s7 =	sld [smem:$0x3F94]  }
0x1a: {  	s8 =	sadd.s32 $0xFFFFE003, lr  }
0x1b: {  	s9 =	sadd.s32 $0xFFFFFEF7, lr;
	s5 =	simm.s32 $0xFFFFFFFF;
	p2 =	slt.u32 s8, $0xFFFFF086  }
0x1c: {  	p1 =	slt.u32 s9, $0xF7A;
	s5 =	simm.s32 @!p2 $0x0  }
0x1d: {  	s5 =	simm.s32 @p1 $0x1;
	p0 =	seq.s32 s7, s2  }
0x1e: {  	s7 =	smul.u32 @!p0 $0xF7A, s2;
	p2 =	seq.s32 @!p0 s5, $0x0  }
0x1f: {  	s9 =	smul.u32 $0xF7A, s1;
	s8 =	simm.s32 @!p0 $0x1BF5;
	p2 =	por !p2, p0  }
0x20: {  	[sflag:s8] =	ssyncset.s32 @!p0 $0xFFFFF086;
	s6 =	sadd.s32 @!p0 s3, s7;
	s7 =	simm.s32 @!p0 $0x108  }
0x21: {  	s3 =	sadd.s32 s3, s9;
	s6 =	sadd.s32 @!p0 $0x88, s6;
	s7 =	simm.s32 @p2 $0x1082  }
0x22: {  	[simem:s7], [sflag:s8] =	dma.local @!p0 [hbm:s6], $0xF7A  }
0x23: {  	s9 =	sor.u32 $0xD0000000, s2;
	s6 =	simm.s32 $0x108;
	_ =	swait.ge @!p0 [sflag:s8], $0x0  }
0x24: {  	s3 =	sadd.s32 $0x88, s3;
	s6 =	simm.s32 @!p1 $0x1082;
	[sflag:s4] =	ssyncset.s32 $0xFFFFF086  }
0x25: {  	[simem:s6], [sflag:s4] =	dma.local [hbm:s3], $0xF7A  }
0x26: {  	[smem:$0x3F94] =	sst s1;
	(tag) =	ssettag s2;
	_ =	strace s9  }
0x27: {  	s1 =	sld [smem:$0x3FA4]  }
0x28: {  	s2 =	sld [smem:$0x3FA5]  }
0x29: {  	s4 =	sld [smem:$0x3FA7]  }
0x2a: {  	p0 =	seq.s32 s5, $0x0;
	s5 =	sld [smem:$0x3FA8]  }
0x2b: {  	s6 =	sld [smem:$0x3FA9]  }
0x2c: {  	s7 =	sld [smem:$0x3FAA]  }
0x2d: {  	s3 =	simm.s32 $0x108;
	s8 =	sld [smem:$0x3FAB]  }
0x2e: {  	s3 =	simm.s32 @!p0 $0x1082;
	s9 =	sld [smem:$0x3FAC]  }
0x2f: {  	lr =	sadd.s32 s0, s3;
	s0 =	sld [smem:$0x3FA3]  }
0x30: {  	s3 =	sld [smem:$0x3FA6]  }
0x31: {  	[smem:$0x3FAF] =	sst s10  }
0x32: {  	s10 =	sld [smem:$0x3FAD];
	_ =	sdelay $0x3  }
0x33: {  	p0 =	seq.s32 s10, $0x1;
	s10 =	sld [smem:$0x3FAF];
	_ =	sdelay $0x3  }
0x34: {  	[smem:$0x3FAF] =	sst s10  }
0x35: {  	s10 =	sld [smem:$0x3FAE];
	_ =	sdelay $0x3  }
0x36: {  	p1 =	seq.s32 s10, $0x1;
	s10 =	sld [smem:$0x3FAF];
	_ =	sdelay $0x3  }
0x37: {  	[smem:$0x3FAF] =	sst s10  }
0x38: {  	s10 =	sld [smem:$0x3FB0]  }
0x39: {  	_ = 	snop;
	(pc) =	sbr.ind lr, $3  }
0x3a: {  	_ = 	snop  }
0x3b: {  	_ = 	snop  }
0x3c: {  	p2 =	seq.s32 s10, $0x1;
	s10 =	sld [smem:$0x3FAF]  }
0x3d: {  	_ =	shalt  }
0x3e: {  	_ =	shalt  }
0x3f: {  	_ =	shalt  }
0x40: {  	_ =	shalt  }
0x41: {  	_ =	shalt  }
0x42: {  	_ =	shalt  }
0x43: {  	_ =	shalt  }
0x44: {  	_ =	shalt  }
0x45: {  	_ =	shalt  }
0x46: {  	_ =	shalt  }
0x47: {  	_ =	shalt  }
0x48: {  	_ =	shalt  }
0x49: {  	_ =	shalt  }
0x4a: {  	_ =	shalt  }
0x4b: {  	_ =	shalt  }
0x4c: {  	_ =	shalt  }
0x4d: {  	_ =	shalt  }
0x4e: {  	_ =	shalt  }
0x4f: {  	_ =	shalt  }
0x50: {  	_ =	shalt  }
0x51: {  	_ =	shalt  }
0x52: {  	_ =	shalt  }
0x53: {  	_ =	shalt  }
0x54: {  	_ =	shalt  }
0x55: {  	_ =	shalt  }
0x56: {  	_ =	shalt  }
0x57: {  	_ =	shalt  }
0x58: {  	_ =	shalt  }
0x59: {  	_ =	shalt  }
0x5a: {  	_ =	shalt  }
0x5b: {  	_ =	shalt  }
0x5c: {  	_ =	shalt  }
0x5d: {  	_ =	shalt  }
0x5e: {  	_ =	shalt  }
0x5f: {  	_ =	shalt  }
0x60: {  	_ =	shalt  }
0x61: {  	_ =	shalt  }
0x62: {  	_ =	shalt  }
0x63: {  	_ =	shalt  }
0x64: {  	_ =	shalt  }
0x65: {  	_ =	shalt  }
0x66: {  	_ =	shalt  }
0x67: {  	_ =	shalt  }
0x68: {  	_ =	shalt  }
0x69: {  	_ =	shalt  }
0x6a: {  	_ =	shalt  }
0x6b: {  	_ =	shalt  }
0x6c: {  	_ =	shalt  }
0x6d: {  	_ =	shalt  }
0x6e: {  	_ =	shalt  }
0x6f: {  	_ =	shalt  }
0x70: {  	_ =	shalt  }
0x71: {  	_ =	shalt  }
0x72: {  	_ =	shalt  }
0x73: {  	_ =	shalt  }
0x74: {  	_ =	shalt  }
0x75: {  	_ =	shalt  }
0x76: {  	_ =	shalt  }
0x77: {  	_ =	shalt  }
0x78: {  	_ =	shalt  }
0x79: {  	_ =	shalt  }
0x7a: {  	_ =	shalt  }
0x7b: {  	_ =	shalt  }
0x7c: {  	_ =	shalt  }
0x7d: {  	_ =	shalt  }
0x7e: {  	_ =	shalt  }
0x7f: {  	_ =	shalt  }
0x80: {  	_ =	shalt  }
0x81: {  	_ =	shalt  }
0x82: {  	_ =	shalt  }
0x83: {  	_ =	shalt  }
0x84: {  	_ =	shalt  }
0x85: {  	_ =	shalt  }
0x86: {  	_ =	shalt  }
0x87: {  	_ =	shalt  }
.Lfunc_end0:
.L_simem_size_0:
called_computation_lowered:
.L_overlay_start_0:
0x88: {  	s2 =	sld [smem:$0x3FD9]  }
0x89: {  	s3 =	sld [smem:$0x3FFE];
	_ =	sdelay $0x1  }
0x8a: {  	s1 =	srdreg.scid  }
0x8b: {  	s0 =	sand.u32 $0x1, s1  }
0x8c: {  	s16 =	sshll.u32 s0, $0xA;
	s2 =	sadd.s32 s3, s2  }
0x8d: {  	s2 =	sadd.s32 s2, s16  }
0x8e: {  	[smem:$0x3FBB] =	sst s2  }
0x8f: {  	_ = 	snop  }
0x90: {  	(tm) =	ssettm $0x1  }
0x91: {  	s17 =	sld [smem:$0x3FFB];
	_ =	sdelay $0x3  }
0x92: {  	_ =	strace s17  }
0x93: {  	s2 =	sld [smem:$0x3FFC];
	_ =	sdelay $0x3  }
0x94: {  	_ =	strace s2  }
0x95: {  	s2 =	sld [smem:$0x3FFD];
	_ =	sdelay $0x3  }
0x96: {  	_ =	strace s2  }
0x97: {  	_ =	strace $0x8FFFFFFF  }
0x98: {  	s18 =	sld [smem:$0x3FDB];
	_ =	sdelay $0x1  }
0x99: {  	s19 =	simm.s32 $_scs_section_size  }
0x9a: {  	s4 =	simm.s32 $_size__tile_overlayer_lowered;
	s5 =	simm.s32 $_tile_overlayer_lowered  }
0x9b: {  	s22 =	simm.s32 $0x1BFF;
	s21 =	sshll.u32 s5, $0x1;
	s2 =	sadd.s32 s19, s18  }
0x9c: {  	s6 =	simm.s32 $0x0;
	s20 =	sshll.u32 s4, $0x1;
	s4 =	sadd.s32 s21, s2  }
0x9d: {  	[timem:s6], [sflag:s22] =	dma.local [hbm:s4], s20  }
0x9e: {  	_ =	swait.ge [sflag:s22], s20  }
0x9f: {  	s3 =	ssub.s32 $0x0, s20;
	[sflag:s22] =	ssyncset.done $0x0  }
0xa0: {  	[sflag:s22] =	ssyncadd.s32 s3;
	_ =	sdelay $0x1  }
0xa1: {  	s23 =	simm.s32 $0x1B8B  }
0xa2: {  	_ =	swait.ge [sflag:s23], $0x1  }
0xa3: {  	[sflag:s23] =	ssyncset.done $0x0  }
0xa4: {  	s25 =	simm.s32 $0x1B8E;
	s24 =	sld [smem:$0x3FFE];
	[sflag:s23] =	ssyncadd.s32 $0xFFFFFFFF  }
0xa5: {  	s26 =	simm.s32 $execute0_lowered;
	[smem:$0x3FD2] =	sst s25  }
0xa6: {  	s4 =	sshll.u32 s26, $0x1;
	_ =	strace $0x80000046;
	[dreg:$0x1] =	wrdreg $0xFFFFFFFF  }
0xa7: {  	s28 =	simm.s32 $_size_execute0_lowered;
	s2 =	sadd.s32 s2, s4;
	[dreg:$0x0] =	wrdreg $0x0  }
0xa8: {  	s4 =	sshll.u32 s28, $0x1;
	[dreg:$0x2] =	wrdreg s2  }
0xa9: {  	[dreg:$0x3] =	wrdreg s4  }
0xaa: {  	[dreg:$0x4] =	wrdreg $0xC0  }
0xab: {  	_ =	task [dreg:s6], $0x5FFFF  }
0xac: {  	[dreg:$0x1] =	wrdreg $0xFFFFFFFF  }
0xad: {  	[dreg:$0x0] =	wrdreg $0x60  }
0xae: {  	[dreg:$0x2] =	wrdreg s24  }
0xaf: {  	[dreg:$0x3] =	wrdreg $0x68000  }
0xb0: {  	[dreg:$0x4] =	wrdreg $0x9  }
0xb1: {  	_ =	task.clear_ibuf [dreg:s6], $0x5FFFF;
	_ =	strace $0x90000046  }
0xb2: {  	s29 =	simm.s32 $0x9;
	_ =	strace $0x80000048  }
0xb3: {  	_ =	swait.ge [sflag:s29], $0x1  }
0xb4: {  	[sflag:s29] =	ssyncadd.s32 $0xFFFFFFFF  }
0xb5: {  	_ =	strace $0x90000048  }
0xb6: {  	_ =	sfence  }
0xb7: {  	s30 =	sld [smem:$0x0];
	_ =	sdelay $0x2  }
0xb8: {  	s31 =	sshll.u32 s1, $0xD;
	s1 =	sshrl.u32 s1, $0x2  }
0xb9: {  	s3 =	sand.u32 $0x4000, s31;
	s1 =	sadd.s32 s1, s30  }
0xba: {  	s0 =	sor.u32 s3, s0;
	s1 =	sshll.u32 s1, $0x11  }
0xbb: {  	s0 =	sor.u32 s1, s0  }
0xbc: {  	s0 =	sadd.s32 $0x8F2B, s0  }
0xbd: {  	[sflag:s0] =	ssyncadd.remote.s32 $0x1  }
0xbe: {  	_ =	sfence.sel $0xFFFF  }
0xbf: {  	[dreg:$0x0] =	wrdreg $0xFFFFFFFF;
	(pc) =	sbr.abs _section_cstart, $3  }
0xc0: {  	[dreg:$0x1] =	wrdreg $0xFFFFFFFF  }
0xc1: {  	_ =	task.clear_ibuf [dreg:s6], $0x2FFFF;
	_ =	strace $0x9FFFFFFF  }
0xc2: {  	(tm) =	ssettm $0x7FFFFFFF  }
0xc3: {  	_ =	shalt  }
tec
execute0_lowered:
.L_overlay_start_1:
0x0: {  	(tag) =	ssettag $0x1  }
0x1: {  	s0 =	srdreg.scid  }
0x2: {  	s4 =	rddreg [dreg:$0x0];
	s6 =	sand.u32 $0x1, s0;
	s0 =	stileid.u32  }
0x3: {  	s2 =	rddreg [dreg:$0x1];
	s3 =	simm.s32 $0x0;
	s8 =	smul.u32 $0x4F000, s0  }
0x4: {  	s21 =	simm.s32 $0x0;
	[smem:$0x7FF] =	sst s3;
	s12 =	smul.u32 $0x138800, s6  }
0x5: {  	s13 =	sadd.s32 $0xDE00, s4;
	s20 =	sadd.s32 $0x138000, s2;
	s15 =	smul.u32 $0x13800, s0  }
0x6: {  	s1 =	sshll.u32 s6, $0x4;
	s7 =	ssub.s32 $0x2, s6;
	s16 =	smul.u32 $0x4E000, s0  }
0x7: {  	s18 =	sshll.u32 s0, $0x6;
	p0 =	sne.s32 s0, $0xF;
	s5 =	sor.u32 s0, s1  }
0x8: {  	s1 =	rddreg [dreg:$0x2];
	_ =	strace $0x80000047;
	s9 =	sshrl.u32 s7, $0x1  }
0x9: {  	s18 =	sor.u32 $0x1C01, s18;
	s20 =	sshrl.u32 @!p0 s20, $0x3;
	s5 =	smul.u32 $0x500, s5  }
0xa: {  	s14 =	ssub.s32 s7, s9;
	s31 =	sshrl.u32 s8, $0x2;
	s15 =	sadd.s32 s15, s12  }
0xb: {  	s16 =	sshrl.u32 s16, $0x2;
	s17 =	sshrl.u32 s12, $0x3;
	s15 =	sshrl.u32 s15, $0x3  }
0xc: {  	s19 =	sadd.s32 s16, s2;
	s14 =	smax.u32 s14, $0x1;
	s16 =	simm.s32 $0x2800  }
0xd: {  	s5 =	sadd.s32 s5, s4;
	s12 =	sadd.s32 s13, s15;
	s13 =	sadd.s32 s13, s17  }
0xe: {  	s15 =	simm.s32 $0x1;
	s17 =	simm.s32 $0x7D;
	s19 =	sshrl.u32 s19, $0x3  }
0xf: {  	s4 =	sadd.s32 $0x3E00, s5;
	s5 =	sadd.s32 s31, s2;
	s13 =	sadd.s32 $0x27000, s13  }
0x10: {  	s6 =	sadd.s32 $0x3400, s5;
	s7 =	sadd.s32 $0x6800, s5;
	s8 =	sadd.s32 $0x9C00, s5  }
0x11: {  	v0 =	vimm.f32 $0.0e+00;
	v1 =	vimm.f32 $1.000000000e+00;
	s9 =	sadd.s32 $0xD000, s5;
	s10 =	sadd.s32 $0x10400, s5;
	s11 =	sadd.s32 $0x13800, s5  }
.LBB2_1:
0x12: {  	[tilespmem:s3], [sflag:$0x1] =	stream.linear.gather [hbm4b:s4+s3], $0x2800, $0x38;
	[tilespmem:$0x8F80] =	vst v63  }
0x13: {  	_ =	swait.ge [sflag:s15], $0x2800  }
0x14: {  	[sflag:s15] =	ssyncset.done $0x0  }
0x15: {  	s22 =	simm.s32 $0x200;
	s23 =	simm.s32 $0x0;
	[sflag:s15] =	ssyncadd.s32 $0xFFFFD800  }
.LBB2_2:
0x16: {  	p1 =	sne.s32 s22, $0xF800;
	[tilespmem:s23+$0x2800] =	vst v0;
	s23 =	smov.u32 s22;
	s22 =	sadd.s32 $0x200, s22  }
.Ltmp0:
0x17: {  	(pc) =	sbr.rel @p1 .LBB2_2-.Ltmp0, $2  }
0x18: {  	_ =	sdelay $0x2  }
0x19: {  	s23 =	sshra.s32 s23, $0x2  }
0x1a: {  	[tilespmem:s23+$0x2800] =	vst v0  }
0x1b: {  	[spmem:s5] =	stream.linear.scatter [tilespmem:s16], [sflag:$0x1], $0x3400, $0x38;
	[tilespmem:$0x8F80] =	vst v63  }
0x1c: {  	_ =	swait.ge [sflag:s15], $0x3400  }
0x1d: {  	[sflag:s15] =	ssyncset.done $0x0  }
0x1e: {  	[sflag:s15] =	ssyncadd.s32 $0xFFFFCC00  }
0x1f: {  	[spmem:s6] =	stream.linear.scatter [tilespmem:s16], [sflag:$0x1], $0x3400, $0x38;
	[tilespmem:$0x8F80] =	vst v63  }
0x20: {  	_ =	swait.ge [sflag:s15], $0x3400  }
0x21: {  	[sflag:s15] =	ssyncset.done $0x0  }
0x22: {  	[sflag:s15] =	ssyncadd.s32 $0xFFFFCC00  }
0x23: {  	[spmem:s7] =	stream.linear.scatter [tilespmem:s16], [sflag:$0x1], $0x3400, $0x38;
	[tilespmem:$0x8F80] =	vst v63  }
0x24: {  	_ =	swait.ge [sflag:s15], $0x3400  }
0x25: {  	[sflag:s15] =	ssyncset.done $0x0  }
0x26: {  	[sflag:s15] =	ssyncadd.s32 $0xFFFFCC00  }
0x27: {  	[spmem:s8] =	stream.linear.scatter [tilespmem:s16], [sflag:$0x1], $0x3400, $0x38;
	[tilespmem:$0x8F80] =	vst v63  }
0x28: {  	_ =	swait.ge [sflag:s15], $0x3400  }
0x29: {  	[sflag:s15] =	ssyncset.done $0x0  }
0x2a: {  	[sflag:s15] =	ssyncadd.s32 $0xFFFFCC00  }
0x2b: {  	[spmem:s9] =	stream.linear.scatter [tilespmem:s16], [sflag:$0x1], $0x3400, $0x38;
	[tilespmem:$0x8F80] =	vst v63  }
0x2c: {  	_ =	swait.ge [sflag:s15], $0x3400  }
0x2d: {  	[sflag:s15] =	ssyncset.done $0x0  }
0x2e: {  	[sflag:s15] =	ssyncadd.s32 $0xFFFFCC00  }
0x2f: {  	[spmem:s10] =	stream.linear.scatter [tilespmem:s16], [sflag:$0x1], $0x3400, $0x38;
	[tilespmem:$0x8F80] =	vst v63  }
0x30: {  	_ =	swait.ge [sflag:s15], $0x3400  }
0x31: {  	[sflag:s15] =	ssyncset.done $0x0  }
0x32: {  	[sflag:s15] =	ssyncadd.s32 $0xFFFFCC00  }
0x33: {  	[spmem:s11] =	stream.linear.scatter [tilespmem:s16], [sflag:$0x1], $0x400, $0x38;
	[tilespmem:$0x8F80] =	vst v63  }
0x34: {  	_ =	swait.ge [sflag:s15], $0x400  }
0x35: {  	[sflag:s15] =	ssyncset.done $0x0  }
0x36: {  	s22 =	simm.s32 $0x200;
	s23 =	simm.s32 $0x0;
	[sflag:s15] =	ssyncadd.s32 $0xFFFFFC00  }
.LBB2_4:
0x37: {  	p1 =	sne.s32 s22, $0xF800;
	[tilespmem:s23+$0x2800] =	vst v1;
	s23 =	smov.u32 s22;
	s22 =	sadd.s32 $0x200, s22  }
.Ltmp1:
0x38: {  	(pc) =	sbr.rel @p1 .LBB2_4-.Ltmp1, $2  }
0x39: {  	_ =	sdelay $0x2  }
0x3a: {  	s23 =	sshra.s32 s23, $0x2  }
0x3b: {  	[tilespmem:s23+$0x2800] =	vst v1  }
0x3c: {  	s22 =	simm.s32 $0x0;
	[bflag:$0x0] =	sbarrier.arrive $0xFFFF  }
0x3d: {  	[spmem:s2] =	stream.indirect.scatter.add.f32 [tilespmem:s16], [sflag:$0x1], $0x10, s22, s17, $0xb8;
	[tilespmem:$0x8F80] =	vst v63  }
0x3e: {  	_ =	swait.ge [sflag:s15], $0x7D0  }
0x3f: {  	s22 =	simm.s32 $0x200;
	[sflag:s15] =	ssyncset.done $0x0  }
.LBB2_6:
0x40: {  	s23 =	sshra.s32 s22, $0x2;
	[sflag:s15] =	ssyncadd.s32 $0xFFFFF830;
	p1 =	sne.s32 s22, $0x9E00  }
0x41: {  	[spmem:s2] =	stream.indirect.scatter.add.f32 [tilespmem:s16], [sflag:$0x1], $0x10, s23, s17, $0xb8;
	[tilespmem:$0x8F80] =	vst v63  }
.Ltmp2:
0x42: {  	_ = 	snop;
	(pc) =	sbr.rel @p1 .LBB2_6-.Ltmp2, $4  }
0x43: {  	_ = 	snop  }
0x44: {  	s22 =	sadd.s32 $0x200, s22  }
0x45: {  	_ =	swait.ge [sflag:s15], $0x7D0  }
0x46: {  	[sflag:s15] =	ssyncset.done $0x0  }
0x47: {  	[sflag:s15] =	ssyncadd.s32 $0xFFFFF830  }
0x48: {  	[bflag:$0x0] =	sbarrier.arrive $0xFFFF  }
0x49: {  	[hbm:s12], [sflag:s18] =	dma.local [spmem:s19], $0x2700  }
0x4a: {  	s21 =	sadd.s32 $0x1, s21;
	_ =	swait.ge [sflag:s15], $0x2700  }
0x4b: {  	p1 =	sne.s32 s21, s14;
	[sflag:s15] =	ssyncset.done $0x0  }
.Ltmp3:
0x4c: {  	s22 =	simm.s32 @!p0 $0x1;
	[sflag:s15] =	ssyncadd.s32 $0xFFFFD900;
	(pc) =	sbr.rel @p1 .LBB2_1-.Ltmp3, $4  }
0x4d: {  	[hbm:s13], [sflag:s18] =	dma.local @!p0 [spmem:s20], $0x100  }
0x4e: {  	_ =	swait.ge @!p0 [sflag:s22], $0x100  }
0x4f: {  	[sflag:s22] =	ssyncset.done @!p0 $0x0  }
0x50: {  	[sflag:s22] =	ssyncadd.s32 @!p0 $0xFFFFFF00  }
0x51: {  	_ =	sfence.sel $0x180000  }
0x52: {  	[bflag:$0x0] =	sbarrier.arrive $0xFFFF  }
0x53: {  	p0 =	sne.s32 s0, $0x0;
	_ =	strace $0x90000047  }
0x54: {  	s0 =	sadd.s32 @!p0 $0x100000, s1;
	[bflag:$0x2] =	sbarrier.arrive $0xFFFF  }
0x55: {  	[sflag:s0] =	ssyncadd.tile.s32 @!p0 $0x1;
	_ =	shalt  }
.Lfunc_end2:
_tile_overlayer_lowered:
.L_overlay_start_2:
0x56: {  	(tag) =	ssettag $0x2  }
0x57: {  	s0 =	rddreg [dreg:$0x0];
	s2 =	stileid.u32  }
0x58: {  	s1 =	rddreg [dreg:$0x1];
	p0 =	sne.s32 s2, $0x0  }
0x59: {  	s3 =	rddreg [dreg:$0x2];
	[bflag:$0x3] =	sbarrier.arrive $0xFFFF;
	s2 =	simm.s32 @!p0 $0x1C01  }
0x5a: {  	[timem:s3], [sflag:s2] =	dma.local @!p0 [hbm:s0], s1  }
0x5b: {  	s0 =	simm.s32 @!p0 $0x1  }
0x5c: {  	_ =	swait.ge @!p0 [sflag:s0], s1  }
0x5d: {  	s1 =	ssub.s32 @!p0 $0x0, s1;
	[sflag:s0] =	ssyncset.done @!p0 $0x0  }
0x5e: {  	[sflag:s0] =	ssyncadd.s32 @!p0 s1  }
0x5f: {  	[bflag:$0x3] =	sbarrier.arrive $0xFFFF  }
0x60: {  	_ =	shalt  }

// kernel: kernel.15.cloned.1.call-start
scs
__scs_entry_jumppad:
0x0: {  	(pc) =	sbr.rel $0x88, $3  }
0x1: {  	(tag) =	ssettag $0x0;
	lr =	simm.s32 $0x1  }
0x2: {  	[smem:$0x3F94] =	sst lr;
	_ =	strace $0xD0000000  }
0x3: {  	_ = 	snop  }
0x4: {  	_ = 	snop  }
0x5: {  	_ = 	snop  }
0x6: {  	_ = 	snop  }
0x7: {  	_ = 	snop  }
__scs_overlays_trampoline_lowered:
0x8: {  	[smem:$0x3FA3] =	sst s0  }
0x9: {  	[smem:$0x3FA4] =	sst s1  }
0xa: {  	[smem:$0x3FA5] =	sst s2  }
0xb: {  	[smem:$0x3FA6] =	sst s3  }
0xc: {  	[smem:$0x3FA7] =	sst s4  }
0xd: {  	[smem:$0x3FA8] =	sst s5  }
0xe: {  	[smem:$0x3FA9] =	sst s6  }
0xf: {  	[smem:$0x3FAA] =	sst s7  }
0x10: {  	[smem:$0x3FAB] =	sst s8  }
0x11: {  	[smem:$0x3FAC] =	sst s9;
	s0 =	simm.s32 @!p0 $0x0  }
0x12: {  	s1 =	sld [smem:$0x3F92];
	s0 =	simm.s32 @p0 $0x1  }
0x13: {  	[smem:$0x3FAD] =	sst s0;
	s0 =	simm.s32 @!p1 $0x0  }
0x14: {  	s2 =	sld [smem:$0x3F91];
	s0 =	simm.s32 @p1 $0x1  }
0x15: {  	[smem:$0x3FAE] =	sst s0;
	s0 =	simm.s32 @!p2 $0x0  }
0x16: {  	s3 =	sld [smem:$0x3FDB];
	s0 =	simm.s32 @p2 $0x1  }
0x17: {  	s4 =	simm.s32 $0x1BF5;
	[smem:$0x3FB0] =	sst s0  }
0x18: {  	s0 =	sld [smem:$0x3F93];
	_ =	swait.ge [sflag:s4], $0x0  }
0x19: {  	s7 =	sld [smem:$0x3F94]  }
0x1a: {  	s8 =	sadd.s32 $0xFFFFE003, lr  }
0x1b: {  	s9 =	sadd.s32 $0xFFFFFEF7, lr;
	s5 =	simm.s32 $0xFFFFFFFF;
	p2 =	slt.u32 s8, $0xFFFFF086  }
0x1c: {  	p1 =	slt.u32 s9, $0xF7A;
	s5 =	simm.s32 @!p2 $0x0  }
0x1d: {  	s5 =	simm.s32 @p1 $0x1;
	p0 =	seq.s32 s7, s2  }
0x1e: {  	s7 =	smul.u32 @!p0 $0xF7A, s2;
	p2 =	seq.s32 @!p0 s5, $0x0  }
0x1f: {  	s9 =	smul.u32 $0xF7A, s1;
	s8 =	simm.s32 @!p0 $0x1BF5;
	p2 =	por !p2, p0  }
0x20: {  	[sflag:s8] =	ssyncset.s32 @!p0 $0xFFFFF086;
	s6 =	sadd.s32 @!p0 s3, s7;
	s7 =	simm.s32 @!p0 $0x108  }
0x21: {  	s3 =	sadd.s32 s3, s9;
	s6 =	sadd.s32 @!p0 $0x88, s6;
	s7 =	simm.s32 @p2 $0x1082  }
0x22: {  	[simem:s7], [sflag:s8] =	dma.local @!p0 [hbm:s6], $0xF7A  }
0x23: {  	s9 =	sor.u32 $0xD0000000, s2;
	s6 =	simm.s32 $0x108;
	_ =	swait.ge @!p0 [sflag:s8], $0x0  }
0x24: {  	s3 =	sadd.s32 $0x88, s3;
	s6 =	simm.s32 @!p1 $0x1082;
	[sflag:s4] =	ssyncset.s32 $0xFFFFF086  }
0x25: {  	[simem:s6], [sflag:s4] =	dma.local [hbm:s3], $0xF7A  }
0x26: {  	[smem:$0x3F94] =	sst s1;
	(tag) =	ssettag s2;
	_ =	strace s9  }
0x27: {  	s1 =	sld [smem:$0x3FA4]  }
0x28: {  	s2 =	sld [smem:$0x3FA5]  }
0x29: {  	s4 =	sld [smem:$0x3FA7]  }
0x2a: {  	p0 =	seq.s32 s5, $0x0;
	s5 =	sld [smem:$0x3FA8]  }
0x2b: {  	s6 =	sld [smem:$0x3FA9]  }
0x2c: {  	s7 =	sld [smem:$0x3FAA]  }
0x2d: {  	s3 =	simm.s32 $0x108;
	s8 =	sld [smem:$0x3FAB]  }
0x2e: {  	s3 =	simm.s32 @!p0 $0x1082;
	s9 =	sld [smem:$0x3FAC]  }
0x2f: {  	lr =	sadd.s32 s0, s3;
	s0 =	sld [smem:$0x3FA3]  }
0x30: {  	s3 =	sld [smem:$0x3FA6]  }
0x31: {  	[smem:$0x3FAF] =	sst s10  }
0x32: {  	s10 =	sld [smem:$0x3FAD];
	_ =	sdelay $0x3  }
0x33: {  	p0 =	seq.s32 s10, $0x1;
	s10 =	sld [smem:$0x3FAF];
	_ =	sdelay $0x3  }
0x34: {  	[smem:$0x3FAF] =	sst s10  }
0x35: {  	s10 =	sld [smem:$0x3FAE];
	_ =	sdelay $0x3  }
0x36: {  	p1 =	seq.s32 s10, $0x1;
	s10 =	sld [smem:$0x3FAF];
	_ =	sdelay $0x3  }
0x37: {  	[smem:$0x3FAF] =	sst s10  }
0x38: {  	s10 =	sld [smem:$0x3FB0]  }
0x39: {  	_ = 	snop;
	(pc) =	sbr.ind lr, $3  }
0x3a: {  	_ = 	snop  }
0x3b: {  	_ = 	snop  }
0x3c: {  	p2 =	seq.s32 s10, $0x1;
	s10 =	sld [smem:$0x3FAF]  }
0x3d: {  	_ =	shalt  }
0x3e: {  	_ =	shalt  }
0x3f: {  	_ =	shalt  }
0x40: {  	_ =	shalt  }
0x41: {  	_ =	shalt  }
0x42: {  	_ =	shalt  }
0x43: {  	_ =	shalt  }
0x44: {  	_ =	shalt  }
0x45: {  	_ =	shalt  }
0x46: {  	_ =	shalt  }
0x47: {  	_ =	shalt  }
0x48: {  	_ =	shalt  }
0x49: {  	_ =	shalt  }
0x4a: {  	_ =	shalt  }
0x4b: {  	_ =	shalt  }
0x4c: {  	_ =	shalt  }
0x4d: {  	_ =	shalt  }
0x4e: {  	_ =	shalt  }
0x4f: {  	_ =	shalt  }
0x50: {  	_ =	shalt  }
0x51: {  	_ =	shalt  }
0x52: {  	_ =	shalt  }
0x53: {  	_ =	shalt  }
0x54: {  	_ =	shalt  }
0x55: {  	_ =	shalt  }
0x56: {  	_ =	shalt  }
0x57: {  	_ =	shalt  }
0x58: {  	_ =	shalt  }
0x59: {  	_ =	shalt  }
0x5a: {  	_ =	shalt  }
0x5b: {  	_ =	shalt  }
0x5c: {  	_ =	shalt  }
0x5d: {  	_ =	shalt  }
0x5e: {  	_ =	shalt  }
0x5f: {  	_ =	shalt  }
0x60: {  	_ =	shalt  }
0x61: {  	_ =	shalt  }
0x62: {  	_ =	shalt  }
0x63: {  	_ =	shalt  }
0x64: {  	_ =	shalt  }
0x65: {  	_ =	shalt  }
0x66: {  	_ =	shalt  }
0x67: {  	_ =	shalt  }
0x68: {  	_ =	shalt  }
0x69: {  	_ =	shalt  }
0x6a: {  	_ =	shalt  }
0x6b: {  	_ =	shalt  }
0x6c: {  	_ =	shalt  }
0x6d: {  	_ =	shalt  }
0x6e: {  	_ =	shalt  }
0x6f: {  	_ =	shalt  }
0x70: {  	_ =	shalt  }
0x71: {  	_ =	shalt  }
0x72: {  	_ =	shalt  }
0x73: {  	_ =	shalt  }
0x74: {  	_ =	shalt  }
0x75: {  	_ =	shalt  }
0x76: {  	_ =	shalt  }
0x77: {  	_ =	shalt  }
0x78: {  	_ =	shalt  }
0x79: {  	_ =	shalt  }
0x7a: {  	_ =	shalt  }
0x7b: {  	_ =	shalt  }
0x7c: {  	_ =	shalt  }
0x7d: {  	_ =	shalt  }
0x7e: {  	_ =	shalt  }
0x7f: {  	_ =	shalt  }
0x80: {  	_ =	shalt  }
0x81: {  	_ =	shalt  }
0x82: {  	_ =	shalt  }
0x83: {  	_ =	shalt  }
0x84: {  	_ =	shalt  }
0x85: {  	_ =	shalt  }
0x86: {  	_ =	shalt  }
0x87: {  	_ =	shalt  }
.Lfunc_end0:
.L_simem_size_0:
called_computation.1_lowered:
.L_overlay_start_0:
0x88: {  	s2 =	sld [smem:$0x3FD9]  }
0x89: {  	s3 =	sld [smem:$0x3FFE];
	_ =	sdelay $0x1  }
0x8a: {  	s1 =	srdreg.scid  }
0x8b: {  	s0 =	sand.u32 $0x1, s1  }
0x8c: {  	s16 =	sshll.u32 s0, $0xA;
	s2 =	sadd.s32 s3, s2  }
0x8d: {  	s2 =	sadd.s32 s2, s16  }
0x8e: {  	[smem:$0x3FBB] =	sst s2  }
0x8f: {  	_ = 	snop  }
0x90: {  	(tm) =	ssettm $0x1  }
0x91: {  	s17 =	sld [smem:$0x3FFB];
	_ =	sdelay $0x3  }
0x92: {  	_ =	strace s17  }
0x93: {  	s2 =	sld [smem:$0x3FFC];
	_ =	sdelay $0x3  }
0x94: {  	_ =	strace s2  }
0x95: {  	s2 =	sld [smem:$0x3FFD];
	_ =	sdelay $0x3  }
0x96: {  	_ =	strace s2  }
0x97: {  	_ =	strace $0x8FFFFFFF  }
0x98: {  	s18 =	sld [smem:$0x3FDB];
	_ =	sdelay $0x1  }
0x99: {  	s19 =	simm.s32 $_scs_section_size  }
0x9a: {  	s4 =	simm.s32 $_size__tile_overlayer_lowered;
	s5 =	simm.s32 $_tile_overlayer_lowered  }
0x9b: {  	s22 =	simm.s32 $0x1BFF;
	s21 =	sshll.u32 s5, $0x1;
	s2 =	sadd.s32 s19, s18  }
0x9c: {  	s6 =	simm.s32 $0x0;
	s20 =	sshll.u32 s4, $0x1;
	s4 =	sadd.s32 s21, s2  }
0x9d: {  	[timem:s6], [sflag:s22] =	dma.local [hbm:s4], s20  }
0x9e: {  	_ =	swait.ge [sflag:s22], s20  }
0x9f: {  	s3 =	ssub.s32 $0x0, s20;
	[sflag:s22] =	ssyncset.done $0x0  }
0xa0: {  	[sflag:s22] =	ssyncadd.s32 s3;
	_ =	sdelay $0x1  }
0xa1: {  	s23 =	simm.s32 $0x1B8B  }
0xa2: {  	_ =	swait.ge [sflag:s23], $0x1  }
0xa3: {  	[sflag:s23] =	ssyncset.done $0x0  }
0xa4: {  	s25 =	simm.s32 $0x1B8E;
	s24 =	sld [smem:$0x3FFE];
	[sflag:s23] =	ssyncadd.s32 $0xFFFFFFFF  }
0xa5: {  	s26 =	simm.s32 $execute0_lowered;
	[smem:$0x3FD2] =	sst s25  }
0xa6: {  	s4 =	sshll.u32 s26, $0x1;
	_ =	strace $0x80000049;
	[dreg:$0x1] =	wrdreg $0xFFFFFFFF  }
0xa7: {  	s28 =	simm.s32 $_size_execute0_lowered;
	s2 =	sadd.s32 s2, s4;
	[dreg:$0x0] =	wrdreg $0x0  }
0xa8: {  	s4 =	sshll.u32 s28, $0x1;
	[dreg:$0x2] =	wrdreg s2  }
0xa9: {  	[dreg:$0x3] =	wrdreg s4  }
0xaa: {  	[dreg:$0x4] =	wrdreg $0xC0  }
0xab: {  	_ =	task [dreg:s6], $0x5FFFF  }
0xac: {  	[dreg:$0x1] =	wrdreg $0xFFFFFFFF  }
0xad: {  	[dreg:$0x0] =	wrdreg $0x60  }
0xae: {  	[dreg:$0x2] =	wrdreg s24  }
0xaf: {  	[dreg:$0x3] =	wrdreg $0x90000  }
0xb0: {  	[dreg:$0x4] =	wrdreg $0x9  }
0xb1: {  	_ =	task.clear_ibuf [dreg:s6], $0x5FFFF;
	_ =	strace $0x90000049  }
0xb2: {  	s29 =	simm.s32 $0x9;
	_ =	strace $0x8000004B  }
0xb3: {  	_ =	swait.ge [sflag:s29], $0x1  }
0xb4: {  	[sflag:s29] =	ssyncadd.s32 $0xFFFFFFFF  }
0xb5: {  	_ =	strace $0x9000004B  }
0xb6: {  	_ =	sfence  }
0xb7: {  	s30 =	sld [smem:$0x0];
	_ =	sdelay $0x2  }
0xb8: {  	s31 =	sshll.u32 s1, $0xD;
	s1 =	sshrl.u32 s1, $0x2  }
0xb9: {  	s3 =	sand.u32 $0x4000, s31;
	s1 =	sadd.s32 s1, s30  }
0xba: {  	s0 =	sor.u32 s3, s0;
	s1 =	sshll.u32 s1, $0x11  }
0xbb: {  	s0 =	sor.u32 s1, s0  }
0xbc: {  	s0 =	sadd.s32 $0x8F2B, s0  }
0xbd: {  	[sflag:s0] =	ssyncadd.remote.s32 $0x1  }
0xbe: {  	_ =	sfence.sel $0xFFFF  }
0xbf: {  	[dreg:$0x0] =	wrdreg $0xFFFFFFFF;
	(pc) =	sbr.abs _section_cstart, $3  }
0xc0: {  	[dreg:$0x1] =	wrdreg $0xFFFFFFFF  }
0xc1: {  	_ =	task.clear_ibuf [dreg:s6], $0x2FFFF;
	_ =	strace $0x9FFFFFFF  }
0xc2: {  	(tm) =	ssettm $0x7FFFFFFF  }
0xc3: {  	_ =	shalt  }
tec
execute0_lowered:
.L_overlay_start_1:
0x0: {  	(tag) =	ssettag $0x1  }
0x1: {  	s5 =	rddreg [dreg:$0x0]  }
0x2: {  	s1 =	rddreg [dreg:$0x1];
	s2 =	srdreg.scid  }
0x3: {  	s0 =	rddreg [dreg:$0x2];
	s3 =	simm.s32 $0x0;
	s20 =	simm.s32 $0x7D  }
0x4: {  	s21 =	simm.s32 $0x1;
	s8 =	sand.u32 $0x1, s2;
	s2 =	stileid.u32  }
0x5: {  	s24 =	simm.s32 $0x0;
	[smem:$0x7FF] =	sst s3;
	s9 =	smul.u32 $0x4F000, s2  }
0x6: {  	s15 =	sadd.s32 $0x66000, s5;
	s23 =	sadd.s32 $0x138000, s1;
	s14 =	smul.u32 $0x138800, s8  }
0x7: {  	s4 =	sshll.u32 s8, $0x4;
	_ =	strace $0x8000004A;
	s17 =	smul.u32 $0x13800, s2  }
0x8: {  	s7 =	ssub.s32 $0x2, s8;
	s18 =	smul.u32 $0x4E000, s2;
	p0 =	sne.s32 s2, $0xF  }
0x9: {  	s4 =	sor.u32 s2, s4;
	s30 =	sshrl.u32 s7, $0x1;
	s23 =	sshrl.u32 @!p0 s23, $0x3  }
0xa: {  	s6 =	smul.u32 $0x500, s4;
	s4 =	sadd.s32 $0xDE00, s5;
	s16 =	ssub.s32 s7, s30  }
0xb: {  	s31 =	sshrl.u32 s9, $0x2;
	s17 =	sadd.s32 s17, s14;
	s18 =	sshrl.u32 s18, $0x2  }
0xc: {  	s19 =	sshrl.u32 s14, $0x3;
	s7 =	sadd.s32 s31, s1;
	s17 =	sshrl.u32 s17, $0x3  }
0xd: {  	s22 =	sadd.s32 s18, s1;
	s16 =	smax.u32 s16, $0x1;
	s18 =	simm.s32 $0x2800  }
0xe: {  	s6 =	sadd.s32 s6, s5;
	s8 =	sadd.s32 $0x3400, s7;
	s9 =	sadd.s32 $0x6800, s7  }
0xf: {  	s10 =	sadd.s32 $0x9C00, s7;
	s11 =	sadd.s32 $0xD000, s7;
	s12 =	sadd.s32 $0x10400, s7  }
0x10: {  	s13 =	sadd.s32 $0x13800, s7;
	s14 =	sadd.s32 s15, s17;
	s15 =	sadd.s32 s15, s19  }
0x11: {  	s17 =	simm.s32 $0x2;
	s19 =	simm.s32 $0x5000;
	s22 =	sshrl.u32 s22, $0x3  }
0x12: {  	v0 =	vimm.f32 $0.0e+00;
	s5 =	sadd.s32 $0x5C000, s6;
	s6 =	sadd.s32 $0x3E00, s6;
	s15 =	sadd.s32 $0x27000, s15  }
.LBB2_1:
0x13: {  	[tilespmem:s3], [sflag:$0x2] =	stream.linear.gather [hbm4b:s5+s3], $0x2800, $0x38;
	[tilespmem:$0x1CC00] =	vst v63  }
0x14: {  	_ =	swait.ge [sflag:s17], $0x2800  }
0x15: {  	[sflag:s17] =	ssyncset.done $0x0  }
0x16: {  	[sflag:s17] =	ssyncadd.s32 $0xFFFFD800  }
0x17: {  	[tilespmem:s18], [sflag:$0x2] =	stream.linear.gather [hbm4b:s6+s3], $0x2800, $0x38;
	[tilespmem:$0x1CC00] =	vst v63  }
0x18: {  	_ =	swait.ge [sflag:s17], $0x2800  }
0x19: {  	[sflag:s17] =	ssyncset.done $0x0  }
0x1a: {  	s25 =	simm.s32 $0x0;
	s26 =	simm.s32 $0x200;
	[sflag:s17] =	ssyncadd.s32 $0xFFFFD800  }
.LBB2_2:
0x1b: {  	p1 =	sne.s32 s26, $0xF800;
	[tilespmem:s25+$0x5070] =	vst v0  }
0x1c: {  	[tilespmem:s25+$0x5000] =	vst v0  }
0x1d: {  	[tilespmem:s25+$0x5010] =	vst v0  }
.Ltmp0:
0x1e: {  	[tilespmem:s25+$0x5020] =	vst v0;
	(pc) =	sbr.rel @p1 .LBB2_2-.Ltmp0, $4  }
0x1f: {  	[tilespmem:s25+$0x5030] =	vst v0  }
0x20: {  	[tilespmem:s25+$0x5040] =	vst v0  }
0x21: {  	[tilespmem:s25+$0x5050] =	vst v0  }
0x22: {  	[tilespmem:s25+$0x5060] =	vst v0;
	s25 =	sshra.s32 s26, $0x2;
	s26 =	sadd.s32 $0x200, s26  }
0x23: {  	[tilespmem:s25+$0x5070] =	vst v0  }
0x24: {  	[tilespmem:s25+$0x5000] =	vst v0  }
0x25: {  	[tilespmem:s25+$0x5010] =	vst v0  }
0x26: {  	[tilespmem:s25+$0x5020] =	vst v0  }
0x27: {  	[tilespmem:s25+$0x5030] =	vst v0  }
0x28: {  	[tilespmem:s25+$0x5040] =	vst v0  }
0x29: {  	[tilespmem:s25+$0x5050] =	vst v0  }
0x2a: {  	[tilespmem:s25+$0x5060] =	vst v0  }
0x2b: {  	[spmem:s7] =	stream.linear.scatter [tilespmem:s19], [sflag:$0x2], $0x3400, $0x38;
	[tilespmem:$0x1CC00] =	vst v63  }
0x2c: {  	_ =	swait.ge [sflag:s17], $0x3400  }
0x2d: {  	[sflag:s17] =	ssyncset.done $0x0  }
0x2e: {  	[sflag:s17] =	ssyncadd.s32 $0xFFFFCC00  }
0x2f: {  	[spmem:s8] =	stream.linear.scatter [tilespmem:s19], [sflag:$0x2], $0x3400, $0x38;
	[tilespmem:$0x1CC00] =	vst v63  }
0x30: {  	_ =	swait.ge [sflag:s17], $0x3400  }
0x31: {  	[sflag:s17] =	ssyncset.done $0x0  }
0x32: {  	[sflag:s17] =	ssyncadd.s32 $0xFFFFCC00  }
0x33: {  	[spmem:s9] =	stream.linear.scatter [tilespmem:s19], [sflag:$0x2], $0x3400, $0x38;
	[tilespmem:$0x1CC00] =	vst v63  }
0x34: {  	_ =	swait.ge [sflag:s17], $0x3400  }
0x35: {  	[sflag:s17] =	ssyncset.done $0x0  }
0x36: {  	[sflag:s17] =	ssyncadd.s32 $0xFFFFCC00  }
0x37: {  	[spmem:s10] =	stream.linear.scatter [tilespmem:s19], [sflag:$0x2], $0x3400, $0x38;
	[tilespmem:$0x1CC00] =	vst v63  }
0x38: {  	_ =	swait.ge [sflag:s17], $0x3400  }
0x39: {  	[sflag:s17] =	ssyncset.done $0x0  }
0x3a: {  	[sflag:s17] =	ssyncadd.s32 $0xFFFFCC00  }
0x3b: {  	[spmem:s11] =	stream.linear.scatter [tilespmem:s19], [sflag:$0x2], $0x3400, $0x38;
	[tilespmem:$0x1CC00] =	vst v63  }
0x3c: {  	_ =	swait.ge [sflag:s17], $0x3400  }
0x3d: {  	[sflag:s17] =	ssyncset.done $0x0  }
0x3e: {  	[sflag:s17] =	ssyncadd.s32 $0xFFFFCC00  }
0x3f: {  	[spmem:s12] =	stream.linear.scatter [tilespmem:s19], [sflag:$0x2], $0x3400, $0x38;
	[tilespmem:$0x1CC00] =	vst v63  }
0x40: {  	_ =	swait.ge [sflag:s17], $0x3400  }
0x41: {  	[sflag:s17] =	ssyncset.done $0x0  }
0x42: {  	[sflag:s17] =	ssyncadd.s32 $0xFFFFCC00  }
0x43: {  	[spmem:s13] =	stream.linear.scatter [tilespmem:s19], [sflag:$0x2], $0x400, $0x38;
	[tilespmem:$0x1CC00] =	vst v63  }
0x44: {  	_ =	swait.ge [sflag:s17], $0x400  }
0x45: {  	[sflag:s17] =	ssyncset.done $0x0  }
0x46: {  	[sflag:s17] =	ssyncadd.s32 $0xFFFFFC00  }
0x47: {  	s30 =	simm.s32 $0x0;
	[bflag:$0x0] =	sbarrier.arrive $0xFFFF  }
0x48: {  	[tilespmem:s19], [sflag:$0x1] =	stream.indirect.gather [hbm4b:s4+s20], $0x80, s30, s20, $0xb8;
	[tilespmem:$0x1CC00] =	vst v63  }
0x49: {  	_ =	swait.ge [sflag:s21], $0x3E80  }
0x4a: {  	[sflag:s21] =	ssyncset.done $0x0  }
0x4b: {  	s31 =	simm.s32 $0x2800;
	[sflag:s21] =	ssyncadd.s32 $0xFFFFC180  }
0x4c: {  	[spmem:s1] =	stream.indirect.scatter.add.f32 [tilespmem:s19], [sflag:$0x2], $0x80, s31, s20, $0xb8;
	[tilespmem:$0x1CC00] =	vst v63  }
0x4d: {  	_ =	swait.ge [sflag:s17], $0x3E80  }
0x4e: {  	s25 =	simm.s32 $0x200;
	s26 =	simm.s32 $0x400;
	[sflag:s17] =	ssyncset.done $0x0  }
.LBB2_4:
0x4f: {  	s28 =	sshra.s32 s25, $0x2  }
0x50: {  	[sflag:s17] =	ssyncadd.s32 $0xFFFFC180;
	s25 =	smov.u32 s26;
	s29 =	sadd.s32 $0x200, s26  }
0x51: {  	[tilespmem:s19], [sflag:$0x1] =	stream.indirect.gather [hbm4b:s4+s20], $0x80, s28, s20, $0xb8;
	[tilespmem:$0x1CC00] =	vst v63  }
0x52: {  	p1 =	sne.s32 s26, $0x9E00;
	_ =	swait.ge [sflag:s21], $0x3E80  }
.Ltmp1:
0x53: {  	[sflag:s21] =	ssyncset.done $0x0;
	(pc) =	sbr.rel @p1 .LBB2_4-.Ltmp1, $4  }
0x54: {  	s26 =	sadd.s32 $0x2800, s28;
	[sflag:s21] =	ssyncadd.s32 $0xFFFFC180  }
0x55: {  	[spmem:s1] =	stream.indirect.scatter.add.f32 [tilespmem:s19], [sflag:$0x2], $0x80, s26, s20, $0xb8;
	[tilespmem:$0x1CC00] =	vst v63  }
0x56: {  	_ =	swait.ge [sflag:s17], $0x3E80  }
0x57: {  	s26 =	smov.u32 s29;
	[sflag:s17] =	ssyncset.done $0x0  }
0x58: {  	s25 =	sshra.s32 s25, $0x2;
	[sflag:s17] =	ssyncadd.s32 $0xFFFFC180  }
0x59: {  	[tilespmem:s19], [sflag:$0x1] =	stream.indirect.gather [hbm4b:s4+s20], $0x80, s25, s20, $0xb8;
	[tilespmem:$0x1CC00] =	vst v63  }
0x5a: {  	_ =	swait.ge [sflag:s21], $0x3E80  }
0x5b: {  	[sflag:s21] =	ssyncset.done $0x0  }
0x5c: {  	s25 =	sadd.s32 $0x2800, s25;
	[sflag:s21] =	ssyncadd.s32 $0xFFFFC180  }
0x5d: {  	[spmem:s1] =	stream.indirect.scatter.add.f32 [tilespmem:s19], [sflag:$0x2], $0x80, s25, s20, $0xb8;
	[tilespmem:$0x1CC00] =	vst v63  }
0x5e: {  	_ =	swait.ge [sflag:s17], $0x3E80  }
0x5f: {  	[sflag:s17] =	ssyncset.done $0x0  }
0x60: {  	s31 =	sshll.u32 s2, $0x6;
	[sflag:s17] =	ssyncadd.s32 $0xFFFFC180  }
0x61: {  	s25 =	sor.u32 $0x1C02, s31;
	[bflag:$0x0] =	sbarrier.arrive $0xFFFF  }
0x62: {  	[hbm:s14], [sflag:s25] =	dma.local [spmem:s22], $0x2700  }
0x63: {  	_ =	swait.ge [sflag:s17], $0x2700  }
0x64: {  	s24 =	sadd.s32 $0x1, s24;
	[sflag:s17] =	ssyncset.done $0x0  }
0x65: {  	p1 =	sne.s32 s24, s16;
	[sflag:s17] =	ssyncadd.s32 $0xFFFFD900  }
0x66: {  	[hbm:s15], [sflag:s25] =	dma.local @!p0 [spmem:s23], $0x100  }
.Ltmp2:
0x67: {  	_ = 	snop;
	(pc) =	sbr.rel @p1 .LBB2_1-.Ltmp2, $4  }
0x68: {  	s25 =	simm.s32 @!p0 $0x2  }
0x69: {  	_ =	swait.ge @!p0 [sflag:s25], $0x100  }
0x6a: {  	[sflag:s25] =	ssyncset.done @!p0 $0x0  }
0x6b: {  	[sflag:s25] =	ssyncadd.s32 @!p0 $0xFFFFFF00  }
0x6c: {  	_ =	sfence.sel $0x180000  }
0x6d: {  	[bflag:$0x0] =	sbarrier.arrive $0xFFFF  }
0x6e: {  	p0 =	sne.s32 s2, $0x0;
	_ =	strace $0x9000004A  }
0x6f: {  	s0 =	sadd.s32 @!p0 $0x100000, s0;
	[bflag:$0x2] =	sbarrier.arrive $0xFFFF  }
0x70: {  	[sflag:s0] =	ssyncadd.tile.s32 @!p0 $0x1;
	_ =	shalt  }
.Lfunc_end2:
_tile_overlayer_lowered:
.L_overlay_start_2:
0x71: {  	(tag) =	ssettag $0x2  }
0x72: {  	s0 =	rddreg [dreg:$0x0];
	s2 =	stileid.u32  }
0x73: {  	s1 =	rddreg [dreg:$0x1];
	p0 =	sne.s32 s2, $0x0  }
0x74: {  	s3 =	rddreg [dreg:$0x2];
	[bflag:$0x3] =	sbarrier.arrive $0xFFFF;
	s2 =	simm.s32 @!p0 $0x1C02  }
0x75: {  	[timem:s3], [sflag:s2] =	dma.local @!p0 [hbm:s0], s1  }
0x76: {  	s0 =	simm.s32 @!p0 $0x2  }
0x77: {  	_ =	swait.ge @!p0 [sflag:s0], s1  }
0x78: {  	s1 =	ssub.s32 @!p0 $0x0, s1;
	[sflag:s0] =	ssyncset.done @!p0 $0x0  }
0x79: {  	[sflag:s0] =	ssyncadd.s32 @!p0 s1  }
0x7a: {  	[bflag:$0x3] =	sbarrier.arrive $0xFFFF  }
0x7b: {  	_ =	shalt  }

// kernel: kernel.18.cloned.1.call-start
scs
__scs_entry_jumppad:
0x0: {  	(pc) =	sbr.rel $0x88, $3  }
0x1: {  	(tag) =	ssettag $0x0;
	lr =	simm.s32 $0x1  }
0x2: {  	[smem:$0x3F94] =	sst lr;
	_ =	strace $0xD0000000  }
0x3: {  	_ = 	snop  }
0x4: {  	_ = 	snop  }
0x5: {  	_ = 	snop  }
0x6: {  	_ = 	snop  }
0x7: {  	_ = 	snop  }
__scs_overlays_trampoline_lowered:
0x8: {  	[smem:$0x3FA3] =	sst s0  }
0x9: {  	[smem:$0x3FA4] =	sst s1  }
0xa: {  	[smem:$0x3FA5] =	sst s2  }
0xb: {  	[smem:$0x3FA6] =	sst s3  }
0xc: {  	[smem:$0x3FA7] =	sst s4  }
0xd: {  	[smem:$0x3FA8] =	sst s5  }
0xe: {  	[smem:$0x3FA9] =	sst s6  }
0xf: {  	[smem:$0x3FAA] =	sst s7  }
0x10: {  	[smem:$0x3FAB] =	sst s8  }
0x11: {  	[smem:$0x3FAC] =	sst s9;
	s0 =	simm.s32 @!p0 $0x0  }
0x12: {  	s1 =	sld [smem:$0x3F92];
	s0 =	simm.s32 @p0 $0x1  }
0x13: {  	[smem:$0x3FAD] =	sst s0;
	s0 =	simm.s32 @!p1 $0x0  }
0x14: {  	s2 =	sld [smem:$0x3F91];
	s0 =	simm.s32 @p1 $0x1  }
0x15: {  	[smem:$0x3FAE] =	sst s0;
	s0 =	simm.s32 @!p2 $0x0  }
0x16: {  	s3 =	sld [smem:$0x3FDB];
	s0 =	simm.s32 @p2 $0x1  }
0x17: {  	s4 =	simm.s32 $0x1BF5;
	[smem:$0x3FB0] =	sst s0  }
0x18: {  	s0 =	sld [smem:$0x3F93];
	_ =	swait.ge [sflag:s4], $0x0  }
0x19: {  	s7 =	sld [smem:$0x3F94]  }
0x1a: {  	s8 =	sadd.s32 $0xFFFFE003, lr  }
0x1b: {  	s9 =	sadd.s32 $0xFFFFFEF7, lr;
	s5 =	simm.s32 $0xFFFFFFFF;
	p2 =	slt.u32 s8, $0xFFFFF086  }
0x1c: {  	p1 =	slt.u32 s9, $0xF7A;
	s5 =	simm.s32 @!p2 $0x0  }
0x1d: {  	s5 =	simm.s32 @p1 $0x1;
	p0 =	seq.s32 s7, s2  }
0x1e: {  	s7 =	smul.u32 @!p0 $0xF7A, s2;
	p2 =	seq.s32 @!p0 s5, $0x0  }
0x1f: {  	s9 =	smul.u32 $0xF7A, s1;
	s8 =	simm.s32 @!p0 $0x1BF5;
	p2 =	por !p2, p0  }
0x20: {  	[sflag:s8] =	ssyncset.s32 @!p0 $0xFFFFF086;
	s6 =	sadd.s32 @!p0 s3, s7;
	s7 =	simm.s32 @!p0 $0x108  }
0x21: {  	s3 =	sadd.s32 s3, s9;
	s6 =	sadd.s32 @!p0 $0x88, s6;
	s7 =	simm.s32 @p2 $0x1082  }
0x22: {  	[simem:s7], [sflag:s8] =	dma.local @!p0 [hbm:s6], $0xF7A  }
0x23: {  	s9 =	sor.u32 $0xD0000000, s2;
	s6 =	simm.s32 $0x108;
	_ =	swait.ge @!p0 [sflag:s8], $0x0  }
0x24: {  	s3 =	sadd.s32 $0x88, s3;
	s6 =	simm.s32 @!p1 $0x1082;
	[sflag:s4] =	ssyncset.s32 $0xFFFFF086  }
0x25: {  	[simem:s6], [sflag:s4] =	dma.local [hbm:s3], $0xF7A  }
0x26: {  	[smem:$0x3F94] =	sst s1;
	(tag) =	ssettag s2;
	_ =	strace s9  }
0x27: {  	s1 =	sld [smem:$0x3FA4]  }
0x28: {  	s2 =	sld [smem:$0x3FA5]  }
0x29: {  	s4 =	sld [smem:$0x3FA7]  }
0x2a: {  	p0 =	seq.s32 s5, $0x0;
	s5 =	sld [smem:$0x3FA8]  }
0x2b: {  	s6 =	sld [smem:$0x3FA9]  }
0x2c: {  	s7 =	sld [smem:$0x3FAA]  }
0x2d: {  	s3 =	simm.s32 $0x108;
	s8 =	sld [smem:$0x3FAB]  }
0x2e: {  	s3 =	simm.s32 @!p0 $0x1082;
	s9 =	sld [smem:$0x3FAC]  }
0x2f: {  	lr =	sadd.s32 s0, s3;
	s0 =	sld [smem:$0x3FA3]  }
0x30: {  	s3 =	sld [smem:$0x3FA6]  }
0x31: {  	[smem:$0x3FAF] =	sst s10  }
0x32: {  	s10 =	sld [smem:$0x3FAD];
	_ =	sdelay $0x3  }
0x33: {  	p0 =	seq.s32 s10, $0x1;
	s10 =	sld [smem:$0x3FAF];
	_ =	sdelay $0x3  }
0x34: {  	[smem:$0x3FAF] =	sst s10  }
0x35: {  	s10 =	sld [smem:$0x3FAE];
	_ =	sdelay $0x3  }
0x36: {  	p1 =	seq.s32 s10, $0x1;
	s10 =	sld [smem:$0x3FAF];
	_ =	sdelay $0x3  }
0x37: {  	[smem:$0x3FAF] =	sst s10  }
0x38: {  	s10 =	sld [smem:$0x3FB0]  }
0x39: {  	_ = 	snop;
	(pc) =	sbr.ind lr, $3  }
0x3a: {  	_ = 	snop  }
0x3b: {  	_ = 	snop  }
0x3c: {  	p2 =	seq.s32 s10, $0x1;
	s10 =	sld [smem:$0x3FAF]  }
0x3d: {  	_ =	shalt  }
0x3e: {  	_ =	shalt  }
0x3f: {  	_ =	shalt  }
0x40: {  	_ =	shalt  }
0x41: {  	_ =	shalt  }
0x42: {  	_ =	shalt  }
0x43: {  	_ =	shalt  }
0x44: {  	_ =	shalt  }
0x45: {  	_ =	shalt  }
0x46: {  	_ =	shalt  }
0x47: {  	_ =	shalt  }
0x48: {  	_ =	shalt  }
0x49: {  	_ =	shalt  }
0x4a: {  	_ =	shalt  }
0x4b: {  	_ =	shalt  }
0x4c: {  	_ =	shalt  }
0x4d: {  	_ =	shalt  }
0x4e: {  	_ =	shalt  }
0x4f: {  	_ =	shalt  }
0x50: {  	_ =	shalt  }
0x51: {  	_ =	shalt  }
0x52: {  	_ =	shalt  }
0x53: {  	_ =	shalt  }
0x54: {  	_ =	shalt  }
0x55: {  	_ =	shalt  }
0x56: {  	_ =	shalt  }
0x57: {  	_ =	shalt  }
0x58: {  	_ =	shalt  }
0x59: {  	_ =	shalt  }
0x5a: {  	_ =	shalt  }
0x5b: {  	_ =	shalt  }
0x5c: {  	_ =	shalt  }
0x5d: {  	_ =	shalt  }
0x5e: {  	_ =	shalt  }
0x5f: {  	_ =	shalt  }
0x60: {  	_ =	shalt  }
0x61: {  	_ =	shalt  }
0x62: {  	_ =	shalt  }
0x63: {  	_ =	shalt  }
0x64: {  	_ =	shalt  }
0x65: {  	_ =	shalt  }
0x66: {  	_ =	shalt  }
0x67: {  	_ =	shalt  }
0x68: {  	_ =	shalt  }
0x69: {  	_ =	shalt  }
0x6a: {  	_ =	shalt  }
0x6b: {  	_ =	shalt  }
0x6c: {  	_ =	shalt  }
0x6d: {  	_ =	shalt  }
0x6e: {  	_ =	shalt  }
0x6f: {  	_ =	shalt  }
0x70: {  	_ =	shalt  }
0x71: {  	_ =	shalt  }
0x72: {  	_ =	shalt  }
0x73: {  	_ =	shalt  }
0x74: {  	_ =	shalt  }
0x75: {  	_ =	shalt  }
0x76: {  	_ =	shalt  }
0x77: {  	_ =	shalt  }
0x78: {  	_ =	shalt  }
0x79: {  	_ =	shalt  }
0x7a: {  	_ =	shalt  }
0x7b: {  	_ =	shalt  }
0x7c: {  	_ =	shalt  }
0x7d: {  	_ =	shalt  }
0x7e: {  	_ =	shalt  }
0x7f: {  	_ =	shalt  }
0x80: {  	_ =	shalt  }
0x81: {  	_ =	shalt  }
0x82: {  	_ =	shalt  }
0x83: {  	_ =	shalt  }
0x84: {  	_ =	shalt  }
0x85: {  	_ =	shalt  }
0x86: {  	_ =	shalt  }
0x87: {  	_ =	shalt  }
.Lfunc_end0:
.L_simem_size_0:
called_computation.2_lowered:
.L_overlay_start_0:
0x88: {  	s2 =	sld [smem:$0x3FD9]  }
0x89: {  	s3 =	sld [smem:$0x3FFE];
	_ =	sdelay $0x1  }
0x8a: {  	s1 =	srdreg.scid  }
0x8b: {  	s0 =	sand.u32 $0x1, s1  }
0x8c: {  	s16 =	sshll.u32 s0, $0xA;
	s2 =	sadd.s32 s3, s2  }
0x8d: {  	s2 =	sadd.s32 s2, s16  }
0x8e: {  	[smem:$0x3FBB] =	sst s2  }
0x8f: {  	_ = 	snop  }
0x90: {  	(tm) =	ssettm $0x1  }
0x91: {  	s17 =	sld [smem:$0x3FFB];
	_ =	sdelay $0x3  }
0x92: {  	_ =	strace s17  }
0x93: {  	s2 =	sld [smem:$0x3FFC];
	_ =	sdelay $0x3  }
0x94: {  	_ =	strace s2  }
0x95: {  	s2 =	sld [smem:$0x3FFD];
	_ =	sdelay $0x3  }
0x96: {  	_ =	strace s2  }
0x97: {  	_ =	strace $0x8FFFFFFF  }
0x98: {  	s18 =	sld [smem:$0x3FDB];
	_ =	sdelay $0x1  }
0x99: {  	s19 =	simm.s32 $_scs_section_size  }
0x9a: {  	s4 =	simm.s32 $_size__tile_overlayer_lowered;
	s5 =	simm.s32 $_tile_overlayer_lowered  }
0x9b: {  	s22 =	simm.s32 $0x1BFF;
	s21 =	sshll.u32 s5, $0x1;
	s2 =	sadd.s32 s19, s18  }
0x9c: {  	s6 =	simm.s32 $0x0;
	s20 =	sshll.u32 s4, $0x1;
	s4 =	sadd.s32 s21, s2  }
0x9d: {  	[timem:s6], [sflag:s22] =	dma.local [hbm:s4], s20  }
0x9e: {  	_ =	swait.ge [sflag:s22], s20  }
0x9f: {  	s3 =	ssub.s32 $0x0, s20;
	[sflag:s22] =	ssyncset.done $0x0  }
0xa0: {  	[sflag:s22] =	ssyncadd.s32 s3;
	_ =	sdelay $0x1  }
0xa1: {  	s23 =	simm.s32 $0x1B8B  }
0xa2: {  	_ =	swait.ge [sflag:s23], $0x1  }
0xa3: {  	[sflag:s23] =	ssyncset.done $0x0  }
0xa4: {  	s25 =	simm.s32 $0x1B8E;
	s24 =	sld [smem:$0x3FFE];
	[sflag:s23] =	ssyncadd.s32 $0xFFFFFFFF  }
0xa5: {  	s26 =	simm.s32 $execute0_lowered;
	[smem:$0x3FD2] =	sst s25  }
0xa6: {  	s4 =	sshll.u32 s26, $0x1;
	_ =	strace $0x8000004C;
	[dreg:$0x1] =	wrdreg $0xFFFFFFFF  }
0xa7: {  	s28 =	simm.s32 $_size_execute0_lowered;
	s2 =	sadd.s32 s2, s4;
	[dreg:$0x0] =	wrdreg $0x0  }
0xa8: {  	s4 =	sshll.u32 s28, $0x1;
	[dreg:$0x2] =	wrdreg s2  }
0xa9: {  	[dreg:$0x3] =	wrdreg s4  }
0xaa: {  	[dreg:$0x4] =	wrdreg $0xC0  }
0xab: {  	_ =	task [dreg:s6], $0x5FFFF  }
0xac: {  	[dreg:$0x1] =	wrdreg $0xFFFFFFFF  }
0xad: {  	[dreg:$0x0] =	wrdreg $0x60  }
0xae: {  	[dreg:$0x2] =	wrdreg s24  }
0xaf: {  	[dreg:$0x3] =	wrdreg $0x90000  }
0xb0: {  	[dreg:$0x4] =	wrdreg $0x9  }
0xb1: {  	_ =	task.clear_ibuf [dreg:s6], $0x5FFFF;
	_ =	strace $0x9000004C  }
0xb2: {  	s29 =	simm.s32 $0x9;
	_ =	strace $0x8000004E  }
0xb3: {  	_ =	swait.ge [sflag:s29], $0x1  }
0xb4: {  	[sflag:s29] =	ssyncadd.s32 $0xFFFFFFFF  }
0xb5: {  	_ =	strace $0x9000004E  }
0xb6: {  	_ =	sfence  }
0xb7: {  	s30 =	sld [smem:$0x0];
	_ =	sdelay $0x2  }
0xb8: {  	s31 =	sshll.u32 s1, $0xD;
	s1 =	sshrl.u32 s1, $0x2  }
0xb9: {  	s3 =	sand.u32 $0x4000, s31;
	s1 =	sadd.s32 s1, s30  }
0xba: {  	s0 =	sor.u32 s3, s0;
	s1 =	sshll.u32 s1, $0x11  }
0xbb: {  	s0 =	sor.u32 s1, s0  }
0xbc: {  	s0 =	sadd.s32 $0x8F2B, s0  }
0xbd: {  	[sflag:s0] =	ssyncadd.remote.s32 $0x1  }
0xbe: {  	_ =	sfence.sel $0xFFFF  }
0xbf: {  	[dreg:$0x0] =	wrdreg $0xFFFFFFFF;
	(pc) =	sbr.abs _section_cstart, $3  }
0xc0: {  	[dreg:$0x1] =	wrdreg $0xFFFFFFFF  }
0xc1: {  	_ =	task.clear_ibuf [dreg:s6], $0x2FFFF;
	_ =	strace $0x9FFFFFFF  }
0xc2: {  	(tm) =	ssettm $0x7FFFFFFF  }
0xc3: {  	_ =	shalt  }
tec
execute0_lowered:
.L_overlay_start_1:
0x0: {  	(tag) =	ssettag $0x1  }
0x1: {  	s5 =	rddreg [dreg:$0x0]  }
0x2: {  	s1 =	rddreg [dreg:$0x1];
	s2 =	srdreg.scid  }
0x3: {  	s0 =	rddreg [dreg:$0x2];
	s3 =	simm.s32 $0x0;
	s20 =	simm.s32 $0x7D  }
0x4: {  	s21 =	simm.s32 $0x1;
	s8 =	sand.u32 $0x1, s2;
	s2 =	stileid.u32  }
0x5: {  	s24 =	simm.s32 $0x0;
	[smem:$0x7FF] =	sst s3;
	s9 =	smul.u32 $0x4F000, s2  }
0x6: {  	s15 =	sadd.s32 $0x66000, s5;
	s23 =	sadd.s32 $0x138000, s1;
	s14 =	smul.u32 $0x138800, s8  }
0x7: {  	s4 =	sshll.u32 s8, $0x4;
	_ =	strace $0x8000004D;
	s17 =	smul.u32 $0x13800, s2  }
0x8: {  	s7 =	ssub.s32 $0x2, s8;
	s18 =	smul.u32 $0x4E000, s2;
	p0 =	sne.s32 s2, $0xF  }
0x9: {  	s4 =	sor.u32 s2, s4;
	s30 =	sshrl.u32 s7, $0x1;
	s23 =	sshrl.u32 @!p0 s23, $0x3  }
0xa: {  	s6 =	smul.u32 $0x500, s4;
	s4 =	sadd.s32 $0xDE00, s5;
	s16 =	ssub.s32 s7, s30  }
0xb: {  	s31 =	sshrl.u32 s9, $0x2;
	s17 =	sadd.s32 s17, s14;
	s18 =	sshrl.u32 s18, $0x2  }
0xc: {  	s19 =	sshrl.u32 s14, $0x3;
	s7 =	sadd.s32 s31, s1;
	s17 =	sshrl.u32 s17, $0x3  }
0xd: {  	s22 =	sadd.s32 s18, s1;
	s16 =	smax.u32 s16, $0x1;
	s18 =	simm.s32 $0x2800  }
0xe: {  	s6 =	sadd.s32 s6, s5;
	s8 =	sadd.s32 $0x3400, s7;
	s9 =	sadd.s32 $0x6800, s7  }
0xf: {  	s10 =	sadd.s32 $0x9C00, s7;
	s11 =	sadd.s32 $0xD000, s7;
	s12 =	sadd.s32 $0x10400, s7  }
0x10: {  	s13 =	sadd.s32 $0x13800, s7;
	s14 =	sadd.s32 s15, s17;
	s15 =	sadd.s32 s15, s19  }
0x11: {  	s17 =	simm.s32 $0x2;
	s19 =	simm.s32 $0x5000;
	s22 =	sshrl.u32 s22, $0x3  }
0x12: {  	v0 =	vimm.f32 $0.0e+00;
	s5 =	sadd.s32 $0x5C000, s6;
	s6 =	sadd.s32 $0x3E00, s6;
	s15 =	sadd.s32 $0x27000, s15  }
.LBB2_1:
0x13: {  	[tilespmem:s3], [sflag:$0x2] =	stream.linear.gather [hbm4b:s5+s3], $0x2800, $0x38;
	[tilespmem:$0x1CC00] =	vst v63  }
0x14: {  	_ =	swait.ge [sflag:s17], $0x2800  }
0x15: {  	[sflag:s17] =	ssyncset.done $0x0  }
0x16: {  	[sflag:s17] =	ssyncadd.s32 $0xFFFFD800  }
0x17: {  	[tilespmem:s18], [sflag:$0x2] =	stream.linear.gather [hbm4b:s6+s3], $0x2800, $0x38;
	[tilespmem:$0x1CC00] =	vst v63  }
0x18: {  	_ =	swait.ge [sflag:s17], $0x2800  }
0x19: {  	[sflag:s17] =	ssyncset.done $0x0  }
0x1a: {  	s25 =	simm.s32 $0x0;
	s26 =	simm.s32 $0x200;
	[sflag:s17] =	ssyncadd.s32 $0xFFFFD800  }
.LBB2_2:
0x1b: {  	p1 =	sne.s32 s26, $0xF800;
	[tilespmem:s25+$0x5070] =	vst v0  }
0x1c: {  	[tilespmem:s25+$0x5000] =	vst v0  }
0x1d: {  	[tilespmem:s25+$0x5010] =	vst v0  }
.Ltmp0:
0x1e: {  	[tilespmem:s25+$0x5020] =	vst v0;
	(pc) =	sbr.rel @p1 .LBB2_2-.Ltmp0, $4  }
0x1f: {  	[tilespmem:s25+$0x5030] =	vst v0  }
0x20: {  	[tilespmem:s25+$0x5040] =	vst v0  }
0x21: {  	[tilespmem:s25+$0x5050] =	vst v0  }
0x22: {  	[tilespmem:s25+$0x5060] =	vst v0;
	s25 =	sshra.s32 s26, $0x2;
	s26 =	sadd.s32 $0x200, s26  }
0x23: {  	[tilespmem:s25+$0x5070] =	vst v0  }
0x24: {  	[tilespmem:s25+$0x5000] =	vst v0  }
0x25: {  	[tilespmem:s25+$0x5010] =	vst v0  }
0x26: {  	[tilespmem:s25+$0x5020] =	vst v0  }
0x27: {  	[tilespmem:s25+$0x5030] =	vst v0  }
0x28: {  	[tilespmem:s25+$0x5040] =	vst v0  }
0x29: {  	[tilespmem:s25+$0x5050] =	vst v0  }
0x2a: {  	[tilespmem:s25+$0x5060] =	vst v0  }
0x2b: {  	[spmem:s7] =	stream.linear.scatter [tilespmem:s19], [sflag:$0x2], $0x3400, $0x38;
	[tilespmem:$0x1CC00] =	vst v63  }
0x2c: {  	_ =	swait.ge [sflag:s17], $0x3400  }
0x2d: {  	[sflag:s17] =	ssyncset.done $0x0  }
0x2e: {  	[sflag:s17] =	ssyncadd.s32 $0xFFFFCC00  }
0x2f: {  	[spmem:s8] =	stream.linear.scatter [tilespmem:s19], [sflag:$0x2], $0x3400, $0x38;
	[tilespmem:$0x1CC00] =	vst v63  }
0x30: {  	_ =	swait.ge [sflag:s17], $0x3400  }
0x31: {  	[sflag:s17] =	ssyncset.done $0x0  }
0x32: {  	[sflag:s17] =	ssyncadd.s32 $0xFFFFCC00  }
0x33: {  	[spmem:s9] =	stream.linear.scatter [tilespmem:s19], [sflag:$0x2], $0x3400, $0x38;
	[tilespmem:$0x1CC00] =	vst v63  }
0x34: {  	_ =	swait.ge [sflag:s17], $0x3400  }
0x35: {  	[sflag:s17] =	ssyncset.done $0x0  }
0x36: {  	[sflag:s17] =	ssyncadd.s32 $0xFFFFCC00  }
0x37: {  	[spmem:s10] =	stream.linear.scatter [tilespmem:s19], [sflag:$0x2], $0x3400, $0x38;
	[tilespmem:$0x1CC00] =	vst v63  }
0x38: {  	_ =	swait.ge [sflag:s17], $0x3400  }
0x39: {  	[sflag:s17] =	ssyncset.done $0x0  }
0x3a: {  	[sflag:s17] =	ssyncadd.s32 $0xFFFFCC00  }
0x3b: {  	[spmem:s11] =	stream.linear.scatter [tilespmem:s19], [sflag:$0x2], $0x3400, $0x38;
	[tilespmem:$0x1CC00] =	vst v63  }
0x3c: {  	_ =	swait.ge [sflag:s17], $0x3400  }
0x3d: {  	[sflag:s17] =	ssyncset.done $0x0  }
0x3e: {  	[sflag:s17] =	ssyncadd.s32 $0xFFFFCC00  }
0x3f: {  	[spmem:s12] =	stream.linear.scatter [tilespmem:s19], [sflag:$0x2], $0x3400, $0x38;
	[tilespmem:$0x1CC00] =	vst v63  }
0x40: {  	_ =	swait.ge [sflag:s17], $0x3400  }
0x41: {  	[sflag:s17] =	ssyncset.done $0x0  }
0x42: {  	[sflag:s17] =	ssyncadd.s32 $0xFFFFCC00  }
0x43: {  	[spmem:s13] =	stream.linear.scatter [tilespmem:s19], [sflag:$0x2], $0x400, $0x38;
	[tilespmem:$0x1CC00] =	vst v63  }
0x44: {  	_ =	swait.ge [sflag:s17], $0x400  }
0x45: {  	[sflag:s17] =	ssyncset.done $0x0  }
0x46: {  	[sflag:s17] =	ssyncadd.s32 $0xFFFFFC00  }
0x47: {  	s30 =	simm.s32 $0x0;
	[bflag:$0x0] =	sbarrier.arrive $0xFFFF  }
0x48: {  	[tilespmem:s19], [sflag:$0x1] =	stream.indirect.gather [hbm4b:s4+s20], $0x80, s30, s20, $0xb8;
	[tilespmem:$0x1CC00] =	vst v63  }
0x49: {  	_ =	swait.ge [sflag:s21], $0x3E80  }
0x4a: {  	[sflag:s21] =	ssyncset.done $0x0  }
0x4b: {  	s31 =	simm.s32 $0x2800;
	[sflag:s21] =	ssyncadd.s32 $0xFFFFC180  }
0x4c: {  	[spmem:s1] =	stream.indirect.scatter.add.f32 [tilespmem:s19], [sflag:$0x2], $0x80, s31, s20, $0xb8;
	[tilespmem:$0x1CC00] =	vst v63  }
0x4d: {  	_ =	swait.ge [sflag:s17], $0x3E80  }
0x4e: {  	s25 =	simm.s32 $0x200;
	s26 =	simm.s32 $0x400;
	[sflag:s17] =	ssyncset.done $0x0  }
.LBB2_4:
0x4f: {  	s28 =	sshra.s32 s25, $0x2  }
0x50: {  	[sflag:s17] =	ssyncadd.s32 $0xFFFFC180;
	s25 =	smov.u32 s26;
	s29 =	sadd.s32 $0x200, s26  }
0x51: {  	[tilespmem:s19], [sflag:$0x1] =	stream.indirect.gather [hbm4b:s4+s20], $0x80, s28, s20, $0xb8;
	[tilespmem:$0x1CC00] =	vst v63  }
0x52: {  	p1 =	sne.s32 s26, $0x9E00;
	_ =	swait.ge [sflag:s21], $0x3E80  }
.Ltmp1:
0x53: {  	[sflag:s21] =	ssyncset.done $0x0;
	(pc) =	sbr.rel @p1 .LBB2_4-.Ltmp1, $4  }
0x54: {  	s26 =	sadd.s32 $0x2800, s28;
	[sflag:s21] =	ssyncadd.s32 $0xFFFFC180  }
0x55: {  	[spmem:s1] =	stream.indirect.scatter.add.f32 [tilespmem:s19], [sflag:$0x2], $0x80, s26, s20, $0xb8;
	[tilespmem:$0x1CC00] =	vst v63  }
0x56: {  	_ =	swait.ge [sflag:s17], $0x3E80  }
0x57: {  	s26 =	smov.u32 s29;
	[sflag:s17] =	ssyncset.done $0x0  }
0x58: {  	s25 =	sshra.s32 s25, $0x2;
	[sflag:s17] =	ssyncadd.s32 $0xFFFFC180  }
0x59: {  	[tilespmem:s19], [sflag:$0x1] =	stream.indirect.gather [hbm4b:s4+s20], $0x80, s25, s20, $0xb8;
	[tilespmem:$0x1CC00] =	vst v63  }
0x5a: {  	_ =	swait.ge [sflag:s21], $0x3E80  }
0x5b: {  	[sflag:s21] =	ssyncset.done $0x0  }
0x5c: {  	s25 =	sadd.s32 $0x2800, s25;
	[sflag:s21] =	ssyncadd.s32 $0xFFFFC180  }
0x5d: {  	[spmem:s1] =	stream.indirect.scatter.add.f32 [tilespmem:s19], [sflag:$0x2], $0x80, s25, s20, $0xb8;
	[tilespmem:$0x1CC00] =	vst v63  }
0x5e: {  	_ =	swait.ge [sflag:s17], $0x3E80  }
0x5f: {  	[sflag:s17] =	ssyncset.done $0x0  }
0x60: {  	s31 =	sshll.u32 s2, $0x6;
	[sflag:s17] =	ssyncadd.s32 $0xFFFFC180  }
0x61: {  	s25 =	sor.u32 $0x1C02, s31;
	[bflag:$0x0] =	sbarrier.arrive $0xFFFF  }
0x62: {  	[hbm:s14], [sflag:s25] =	dma.local [spmem:s22], $0x2700  }
0x63: {  	_ =	swait.ge [sflag:s17], $0x2700  }
0x64: {  	s24 =	sadd.s32 $0x1, s24;
	[sflag:s17] =	ssyncset.done $0x0  }
0x65: {  	p1 =	sne.s32 s24, s16;
	[sflag:s17] =	ssyncadd.s32 $0xFFFFD900  }
0x66: {  	[hbm:s15], [sflag:s25] =	dma.local @!p0 [spmem:s23], $0x100  }
.Ltmp2:
0x67: {  	_ = 	snop;
	(pc) =	sbr.rel @p1 .LBB2_1-.Ltmp2, $4  }
0x68: {  	s25 =	simm.s32 @!p0 $0x2  }
0x69: {  	_ =	swait.ge @!p0 [sflag:s25], $0x100  }
0x6a: {  	[sflag:s25] =	ssyncset.done @!p0 $0x0  }
0x6b: {  	[sflag:s25] =	ssyncadd.s32 @!p0 $0xFFFFFF00  }
0x6c: {  	_ =	sfence.sel $0x180000  }
0x6d: {  	[bflag:$0x0] =	sbarrier.arrive $0xFFFF  }
0x6e: {  	p0 =	sne.s32 s2, $0x0;
	_ =	strace $0x9000004D  }
0x6f: {  	s0 =	sadd.s32 @!p0 $0x100000, s0;
	[bflag:$0x2] =	sbarrier.arrive $0xFFFF  }
0x70: {  	[sflag:s0] =	ssyncadd.tile.s32 @!p0 $0x1;
	_ =	shalt  }
.Lfunc_end2:
_tile_overlayer_lowered:
.L_overlay_start_2:
0x71: {  	(tag) =	ssettag $0x2  }
0x72: {  	s0 =	rddreg [dreg:$0x0];
	s2 =	stileid.u32  }
0x73: {  	s1 =	rddreg [dreg:$0x1];
	p0 =	sne.s32 s2, $0x0  }
0x74: {  	s3 =	rddreg [dreg:$0x2];
	[bflag:$0x3] =	sbarrier.arrive $0xFFFF;
	s2 =	simm.s32 @!p0 $0x1C02  }
0x75: {  	[timem:s3], [sflag:s2] =	dma.local @!p0 [hbm:s0], s1  }
0x76: {  	s0 =	simm.s32 @!p0 $0x2  }
0x77: {  	_ =	swait.ge @!p0 [sflag:s0], s1  }
0x78: {  	s1 =	ssub.s32 @!p0 $0x0, s1;
	[sflag:s0] =	ssyncset.done @!p0 $0x0  }
0x79: {  	[sflag:s0] =	ssyncadd.s32 @!p0 s1  }
0x7a: {  	[bflag:$0x3] =	sbarrier.arrive $0xFFFF  }
0x7b: {  	_ =	shalt  }

// kernel: kernel.21.cloned.1.call-start
scs
__scs_entry_jumppad:
0x0: {  	(pc) =	sbr.rel $0x88, $3  }
0x1: {  	(tag) =	ssettag $0x0;
	lr =	simm.s32 $0x1  }
0x2: {  	[smem:$0x3F94] =	sst lr;
	_ =	strace $0xD0000000  }
0x3: {  	_ = 	snop  }
0x4: {  	_ = 	snop  }
0x5: {  	_ = 	snop  }
0x6: {  	_ = 	snop  }
0x7: {  	_ = 	snop  }
__scs_overlays_trampoline_lowered:
0x8: {  	[smem:$0x3FA3] =	sst s0  }
0x9: {  	[smem:$0x3FA4] =	sst s1  }
0xa: {  	[smem:$0x3FA5] =	sst s2  }
0xb: {  	[smem:$0x3FA6] =	sst s3  }
0xc: {  	[smem:$0x3FA7] =	sst s4  }
0xd: {  	[smem:$0x3FA8] =	sst s5  }
0xe: {  	[smem:$0x3FA9] =	sst s6  }
0xf: {  	[smem:$0x3FAA] =	sst s7  }
0x10: {  	[smem:$0x3FAB] =	sst s8  }
0x11: {  	[smem:$0x3FAC] =	sst s9;
	s0 =	simm.s32 @!p0 $0x0  }
0x12: {  	s1 =	sld [smem:$0x3F92];
	s0 =	simm.s32 @p0 $0x1  }
0x13: {  	[smem:$0x3FAD] =	sst s0;
	s0 =	simm.s32 @!p1 $0x0  }
0x14: {  	s2 =	sld [smem:$0x3F91];
	s0 =	simm.s32 @p1 $0x1  }
0x15: {  	[smem:$0x3FAE] =	sst s0;
	s0 =	simm.s32 @!p2 $0x0  }
0x16: {  	s3 =	sld [smem:$0x3FDB];
	s0 =	simm.s32 @p2 $0x1  }
0x17: {  	s4 =	simm.s32 $0x1BF5;
	[smem:$0x3FB0] =	sst s0  }
0x18: {  	s0 =	sld [smem:$0x3F93];
	_ =	swait.ge [sflag:s4], $0x0  }
0x19: {  	s7 =	sld [smem:$0x3F94]  }
0x1a: {  	s8 =	sadd.s32 $0xFFFFE003, lr  }
0x1b: {  	s9 =	sadd.s32 $0xFFFFFEF7, lr;
	s5 =	simm.s32 $0xFFFFFFFF;
	p2 =	slt.u32 s8, $0xFFFFF086  }
0x1c: {  	p1 =	slt.u32 s9, $0xF7A;
	s5 =	simm.s32 @!p2 $0x0  }
0x1d: {  	s5 =	simm.s32 @p1 $0x1;
	p0 =	seq.s32 s7, s2  }
0x1e: {  	s7 =	smul.u32 @!p0 $0xF7A, s2;
	p2 =	seq.s32 @!p0 s5, $0x0  }
0x1f: {  	s9 =	smul.u32 $0xF7A, s1;
	s8 =	simm.s32 @!p0 $0x1BF5;
	p2 =	por !p2, p0  }
0x20: {  	[sflag:s8] =	ssyncset.s32 @!p0 $0xFFFFF086;
	s6 =	sadd.s32 @!p0 s3, s7;
	s7 =	simm.s32 @!p0 $0x108  }
0x21: {  	s3 =	sadd.s32 s3, s9;
	s6 =	sadd.s32 @!p0 $0x88, s6;
	s7 =	simm.s32 @p2 $0x1082  }
0x22: {  	[simem:s7], [sflag:s8] =	dma.local @!p0 [hbm:s6], $0xF7A  }
0x23: {  	s9 =	sor.u32 $0xD0000000, s2;
	s6 =	simm.s32 $0x108;
	_ =	swait.ge @!p0 [sflag:s8], $0x0  }
0x24: {  	s3 =	sadd.s32 $0x88, s3;
	s6 =	simm.s32 @!p1 $0x1082;
	[sflag:s4] =	ssyncset.s32 $0xFFFFF086  }
0x25: {  	[simem:s6], [sflag:s4] =	dma.local [hbm:s3], $0xF7A  }
0x26: {  	[smem:$0x3F94] =	sst s1;
	(tag) =	ssettag s2;
	_ =	strace s9  }
0x27: {  	s1 =	sld [smem:$0x3FA4]  }
0x28: {  	s2 =	sld [smem:$0x3FA5]  }
0x29: {  	s4 =	sld [smem:$0x3FA7]  }
0x2a: {  	p0 =	seq.s32 s5, $0x0;
	s5 =	sld [smem:$0x3FA8]  }
0x2b: {  	s6 =	sld [smem:$0x3FA9]  }
0x2c: {  	s7 =	sld [smem:$0x3FAA]  }
0x2d: {  	s3 =	simm.s32 $0x108;
	s8 =	sld [smem:$0x3FAB]  }
0x2e: {  	s3 =	simm.s32 @!p0 $0x1082;
	s9 =	sld [smem:$0x3FAC]  }
0x2f: {  	lr =	sadd.s32 s0, s3;
	s0 =	sld [smem:$0x3FA3]  }
0x30: {  	s3 =	sld [smem:$0x3FA6]  }
0x31: {  	[smem:$0x3FAF] =	sst s10  }
0x32: {  	s10 =	sld [smem:$0x3FAD];
	_ =	sdelay $0x3  }
0x33: {  	p0 =	seq.s32 s10, $0x1;
	s10 =	sld [smem:$0x3FAF];
	_ =	sdelay $0x3  }
0x34: {  	[smem:$0x3FAF] =	sst s10  }
0x35: {  	s10 =	sld [smem:$0x3FAE];
	_ =	sdelay $0x3  }
0x36: {  	p1 =	seq.s32 s10, $0x1;
	s10 =	sld [smem:$0x3FAF];
	_ =	sdelay $0x3  }
0x37: {  	[smem:$0x3FAF] =	sst s10  }
0x38: {  	s10 =	sld [smem:$0x3FB0]  }
0x39: {  	_ = 	snop;
	(pc) =	sbr.ind lr, $3  }
0x3a: {  	_ = 	snop  }
0x3b: {  	_ = 	snop  }
0x3c: {  	p2 =	seq.s32 s10, $0x1;
	s10 =	sld [smem:$0x3FAF]  }
0x3d: {  	_ =	shalt  }
0x3e: {  	_ =	shalt  }
0x3f: {  	_ =	shalt  }
0x40: {  	_ =	shalt  }
0x41: {  	_ =	shalt  }
0x42: {  	_ =	shalt  }
0x43: {  	_ =	shalt  }
0x44: {  	_ =	shalt  }
0x45: {  	_ =	shalt  }
0x46: {  	_ =	shalt  }
0x47: {  	_ =	shalt  }
0x48: {  	_ =	shalt  }
0x49: {  	_ =	shalt  }
0x4a: {  	_ =	shalt  }
0x4b: {  	_ =	shalt  }
0x4c: {  	_ =	shalt  }
0x4d: {  	_ =	shalt  }
0x4e: {  	_ =	shalt  }
0x4f: {  	_ =	shalt  }
0x50: {  	_ =	shalt  }
0x51: {  	_ =	shalt  }
0x52: {  	_ =	shalt  }
0x53: {  	_ =	shalt  }
0x54: {  	_ =	shalt  }
0x55: {  	_ =	shalt  }
0x56: {  	_ =	shalt  }
0x57: {  	_ =	shalt  }
0x58: {  	_ =	shalt  }
0x59: {  	_ =	shalt  }
0x5a: {  	_ =	shalt  }
0x5b: {  	_ =	shalt  }
0x5c: {  	_ =	shalt  }
0x5d: {  	_ =	shalt  }
0x5e: {  	_ =	shalt  }
0x5f: {  	_ =	shalt  }
0x60: {  	_ =	shalt  }
0x61: {  	_ =	shalt  }
0x62: {  	_ =	shalt  }
0x63: {  	_ =	shalt  }
0x64: {  	_ =	shalt  }
0x65: {  	_ =	shalt  }
0x66: {  	_ =	shalt  }
0x67: {  	_ =	shalt  }
0x68: {  	_ =	shalt  }
0x69: {  	_ =	shalt  }
0x6a: {  	_ =	shalt  }
0x6b: {  	_ =	shalt  }
0x6c: {  	_ =	shalt  }
0x6d: {  	_ =	shalt  }
0x6e: {  	_ =	shalt  }
0x6f: {  	_ =	shalt  }
0x70: {  	_ =	shalt  }
0x71: {  	_ =	shalt  }
0x72: {  	_ =	shalt  }
0x73: {  	_ =	shalt  }
0x74: {  	_ =	shalt  }
0x75: {  	_ =	shalt  }
0x76: {  	_ =	shalt  }
0x77: {  	_ =	shalt  }
0x78: {  	_ =	shalt  }
0x79: {  	_ =	shalt  }
0x7a: {  	_ =	shalt  }
0x7b: {  	_ =	shalt  }
0x7c: {  	_ =	shalt  }
0x7d: {  	_ =	shalt  }
0x7e: {  	_ =	shalt  }
0x7f: {  	_ =	shalt  }
0x80: {  	_ =	shalt  }
0x81: {  	_ =	shalt  }
0x82: {  	_ =	shalt  }
0x83: {  	_ =	shalt  }
0x84: {  	_ =	shalt  }
0x85: {  	_ =	shalt  }
0x86: {  	_ =	shalt  }
0x87: {  	_ =	shalt  }
.Lfunc_end0:
.L_simem_size_0:
called_computation.3_lowered:
.L_overlay_start_0:
0x88: {  	s2 =	sld [smem:$0x3FD9]  }
0x89: {  	s3 =	sld [smem:$0x3FFE];
	_ =	sdelay $0x1  }
0x8a: {  	s1 =	srdreg.scid  }
0x8b: {  	s0 =	sand.u32 $0x1, s1  }
0x8c: {  	s16 =	sshll.u32 s0, $0xA;
	s2 =	sadd.s32 s3, s2  }
0x8d: {  	s2 =	sadd.s32 s2, s16  }
0x8e: {  	[smem:$0x3FBB] =	sst s2  }
0x8f: {  	_ = 	snop  }
0x90: {  	(tm) =	ssettm $0x1  }
0x91: {  	s17 =	sld [smem:$0x3FFB];
	_ =	sdelay $0x3  }
0x92: {  	_ =	strace s17  }
0x93: {  	s2 =	sld [smem:$0x3FFC];
	_ =	sdelay $0x3  }
0x94: {  	_ =	strace s2  }
0x95: {  	s2 =	sld [smem:$0x3FFD];
	_ =	sdelay $0x3  }
0x96: {  	_ =	strace s2  }
0x97: {  	_ =	strace $0x8FFFFFFF  }
0x98: {  	s18 =	sld [smem:$0x3FDB];
	_ =	sdelay $0x1  }
0x99: {  	s19 =	simm.s32 $_scs_section_size  }
0x9a: {  	s4 =	simm.s32 $_size__tile_overlayer_lowered;
	s5 =	simm.s32 $_tile_overlayer_lowered  }
0x9b: {  	s22 =	simm.s32 $0x1BFF;
	s21 =	sshll.u32 s5, $0x1;
	s2 =	sadd.s32 s19, s18  }
0x9c: {  	s6 =	simm.s32 $0x0;
	s20 =	sshll.u32 s4, $0x1;
	s4 =	sadd.s32 s21, s2  }
0x9d: {  	[timem:s6], [sflag:s22] =	dma.local [hbm:s4], s20  }
0x9e: {  	_ =	swait.ge [sflag:s22], s20  }
0x9f: {  	s3 =	ssub.s32 $0x0, s20;
	[sflag:s22] =	ssyncset.done $0x0  }
0xa0: {  	[sflag:s22] =	ssyncadd.s32 s3;
	_ =	sdelay $0x1  }
0xa1: {  	s23 =	simm.s32 $0x1B8B  }
0xa2: {  	_ =	swait.ge [sflag:s23], $0x1  }
0xa3: {  	[sflag:s23] =	ssyncset.done $0x0  }
0xa4: {  	s25 =	simm.s32 $0x1B8E;
	s24 =	sld [smem:$0x3FFE];
	[sflag:s23] =	ssyncadd.s32 $0xFFFFFFFF  }
0xa5: {  	s26 =	simm.s32 $execute0_lowered;
	[smem:$0x3FD2] =	sst s25  }
0xa6: {  	s4 =	sshll.u32 s26, $0x1;
	_ =	strace $0x8000004F;
	[dreg:$0x1] =	wrdreg $0xFFFFFFFF  }
0xa7: {  	s28 =	simm.s32 $_size_execute0_lowered;
	s2 =	sadd.s32 s2, s4;
	[dreg:$0x0] =	wrdreg $0x0  }
0xa8: {  	s4 =	sshll.u32 s28, $0x1;
	[dreg:$0x2] =	wrdreg s2  }
0xa9: {  	[dreg:$0x3] =	wrdreg s4  }
0xaa: {  	[dreg:$0x4] =	wrdreg $0xC0  }
0xab: {  	_ =	task [dreg:s6], $0x5FFFF  }
0xac: {  	[dreg:$0x1] =	wrdreg $0xFFFFFFFF  }
0xad: {  	[dreg:$0x0] =	wrdreg $0x60  }
0xae: {  	[dreg:$0x2] =	wrdreg s24  }
0xaf: {  	[dreg:$0x3] =	wrdreg $0x90000  }
0xb0: {  	[dreg:$0x4] =	wrdreg $0x9  }
0xb1: {  	_ =	task.clear_ibuf [dreg:s6], $0x5FFFF;
	_ =	strace $0x9000004F  }
0xb2: {  	s29 =	simm.s32 $0x9;
	_ =	strace $0x80000051  }
0xb3: {  	_ =	swait.ge [sflag:s29], $0x1  }
0xb4: {  	[sflag:s29] =	ssyncadd.s32 $0xFFFFFFFF  }
0xb5: {  	_ =	strace $0x90000051  }
0xb6: {  	_ =	sfence  }
0xb7: {  	s30 =	sld [smem:$0x0];
	_ =	sdelay $0x2  }
0xb8: {  	s31 =	sshll.u32 s1, $0xD;
	s1 =	sshrl.u32 s1, $0x2  }
0xb9: {  	s3 =	sand.u32 $0x4000, s31;
	s1 =	sadd.s32 s1, s30  }
0xba: {  	s0 =	sor.u32 s3, s0;
	s1 =	sshll.u32 s1, $0x11  }
0xbb: {  	s0 =	sor.u32 s1, s0  }
0xbc: {  	s0 =	sadd.s32 $0x8F2B, s0  }
0xbd: {  	[sflag:s0] =	ssyncadd.remote.s32 $0x1  }
0xbe: {  	_ =	sfence.sel $0xFFFF  }
0xbf: {  	[dreg:$0x0] =	wrdreg $0xFFFFFFFF;
	(pc) =	sbr.abs _section_cstart, $3  }
0xc0: {  	[dreg:$0x1] =	wrdreg $0xFFFFFFFF  }
0xc1: {  	_ =	task.clear_ibuf [dreg:s6], $0x2FFFF;
	_ =	strace $0x9FFFFFFF  }
0xc2: {  	(tm) =	ssettm $0x7FFFFFFF  }
0xc3: {  	_ =	shalt  }
tec
execute0_lowered:
.L_overlay_start_1:
0x0: {  	(tag) =	ssettag $0x1  }
0x1: {  	s5 =	rddreg [dreg:$0x0]  }
0x2: {  	s1 =	rddreg [dreg:$0x1];
	s2 =	srdreg.scid  }
0x3: {  	s0 =	rddreg [dreg:$0x2];
	s3 =	simm.s32 $0x0;
	s20 =	simm.s32 $0x7D  }
0x4: {  	s21 =	simm.s32 $0x1;
	s8 =	sand.u32 $0x1, s2;
	s2 =	stileid.u32  }
0x5: {  	s24 =	simm.s32 $0x0;
	[smem:$0x7FF] =	sst s3;
	s9 =	smul.u32 $0x4F000, s2  }
0x6: {  	s15 =	sadd.s32 $0x66000, s5;
	s23 =	sadd.s32 $0x138000, s1;
	s14 =	smul.u32 $0x138800, s8  }
0x7: {  	s4 =	sshll.u32 s8, $0x4;
	_ =	strace $0x80000050;
	s17 =	smul.u32 $0x13800, s2  }
0x8: {  	s7 =	ssub.s32 $0x2, s8;
	s18 =	smul.u32 $0x4E000, s2;
	p0 =	sne.s32 s2, $0xF  }
0x9: {  	s4 =	sor.u32 s2, s4;
	s30 =	sshrl.u32 s7, $0x1;
	s23 =	sshrl.u32 @!p0 s23, $0x3  }
0xa: {  	s6 =	smul.u32 $0x500, s4;
	s4 =	sadd.s32 $0xDE00, s5;
	s16 =	ssub.s32 s7, s30  }
0xb: {  	s31 =	sshrl.u32 s9, $0x2;
	s17 =	sadd.s32 s17, s14;
	s18 =	sshrl.u32 s18, $0x2  }
0xc: {  	s19 =	sshrl.u32 s14, $0x3;
	s7 =	sadd.s32 s31, s1;
	s17 =	sshrl.u32 s17, $0x3  }
0xd: {  	s22 =	sadd.s32 s18, s1;
	s16 =	smax.u32 s16, $0x1;
	s18 =	simm.s32 $0x2800  }
0xe: {  	s6 =	sadd.s32 s6, s5;
	s8 =	sadd.s32 $0x3400, s7;
	s9 =	sadd.s32 $0x6800, s7  }
0xf: {  	s10 =	sadd.s32 $0x9C00, s7;
	s11 =	sadd.s32 $0xD000, s7;
	s12 =	sadd.s32 $0x10400, s7  }
0x10: {  	s13 =	sadd.s32 $0x13800, s7;
	s14 =	sadd.s32 s15, s17;
	s15 =	sadd.s32 s15, s19  }
0x11: {  	s17 =	simm.s32 $0x2;
	s19 =	simm.s32 $0x5000;
	s22 =	sshrl.u32 s22, $0x3  }
0x12: {  	v0 =	vimm.f32 $0.0e+00;
	s5 =	sadd.s32 $0x5C000, s6;
	s6 =	sadd.s32 $0x3E00, s6;
	s15 =	sadd.s32 $0x27000, s15  }
.LBB2_1:
0x13: {  	[tilespmem:s3], [sflag:$0x2] =	stream.linear.gather [hbm4b:s5+s3], $0x2800, $0x38;
	[tilespmem:$0x1CC00] =	vst v63  }
0x14: {  	_ =	swait.ge [sflag:s17], $0x2800  }
0x15: {  	[sflag:s17] =	ssyncset.done $0x0  }
0x16: {  	[sflag:s17] =	ssyncadd.s32 $0xFFFFD800  }
0x17: {  	[tilespmem:s18], [sflag:$0x2] =	stream.linear.gather [hbm4b:s6+s3], $0x2800, $0x38;
	[tilespmem:$0x1CC00] =	vst v63  }
0x18: {  	_ =	swait.ge [sflag:s17], $0x2800  }
0x19: {  	[sflag:s17] =	ssyncset.done $0x0  }
0x1a: {  	s25 =	simm.s32 $0x0;
	s26 =	simm.s32 $0x200;
	[sflag:s17] =	ssyncadd.s32 $0xFFFFD800  }
.LBB2_2:
0x1b: {  	p1 =	sne.s32 s26, $0xF800;
	[tilespmem:s25+$0x5070] =	vst v0  }
0x1c: {  	[tilespmem:s25+$0x5000] =	vst v0  }
0x1d: {  	[tilespmem:s25+$0x5010] =	vst v0  }
.Ltmp0:
0x1e: {  	[tilespmem:s25+$0x5020] =	vst v0;
	(pc) =	sbr.rel @p1 .LBB2_2-.Ltmp0, $4  }
0x1f: {  	[tilespmem:s25+$0x5030] =	vst v0  }
0x20: {  	[tilespmem:s25+$0x5040] =	vst v0  }
0x21: {  	[tilespmem:s25+$0x5050] =	vst v0  }
0x22: {  	[tilespmem:s25+$0x5060] =	vst v0;
	s25 =	sshra.s32 s26, $0x2;
	s26 =	sadd.s32 $0x200, s26  }
0x23: {  	[tilespmem:s25+$0x5070] =	vst v0  }
0x24: {  	[tilespmem:s25+$0x5000] =	vst v0  }
0x25: {  	[tilespmem:s25+$0x5010] =	vst v0  }
0x26: {  	[tilespmem:s25+$0x5020] =	vst v0  }
0x27: {  	[tilespmem:s25+$0x5030] =	vst v0  }
0x28: {  	[tilespmem:s25+$0x5040] =	vst v0  }
0x29: {  	[tilespmem:s25+$0x5050] =	vst v0  }
0x2a: {  	[tilespmem:s25+$0x5060] =	vst v0  }
0x2b: {  	[spmem:s7] =	stream.linear.scatter [tilespmem:s19], [sflag:$0x2], $0x3400, $0x38;
	[tilespmem:$0x1CC00] =	vst v63  }
0x2c: {  	_ =	swait.ge [sflag:s17], $0x3400  }
0x2d: {  	[sflag:s17] =	ssyncset.done $0x0  }
0x2e: {  	[sflag:s17] =	ssyncadd.s32 $0xFFFFCC00  }
0x2f: {  	[spmem:s8] =	stream.linear.scatter [tilespmem:s19], [sflag:$0x2], $0x3400, $0x38;
	[tilespmem:$0x1CC00] =	vst v63  }
0x30: {  	_ =	swait.ge [sflag:s17], $0x3400  }
0x31: {  	[sflag:s17] =	ssyncset.done $0x0  }
0x32: {  	[sflag:s17] =	ssyncadd.s32 $0xFFFFCC00  }
0x33: {  	[spmem:s9] =	stream.linear.scatter [tilespmem:s19], [sflag:$0x2], $0x3400, $0x38;
	[tilespmem:$0x1CC00] =	vst v63  }
0x34: {  	_ =	swait.ge [sflag:s17], $0x3400  }
0x35: {  	[sflag:s17] =	ssyncset.done $0x0  }
0x36: {  	[sflag:s17] =	ssyncadd.s32 $0xFFFFCC00  }
0x37: {  	[spmem:s10] =	stream.linear.scatter [tilespmem:s19], [sflag:$0x2], $0x3400, $0x38;
	[tilespmem:$0x1CC00] =	vst v63  }
0x38: {  	_ =	swait.ge [sflag:s17], $0x3400  }
0x39: {  	[sflag:s17] =	ssyncset.done $0x0  }
0x3a: {  	[sflag:s17] =	ssyncadd.s32 $0xFFFFCC00  }
0x3b: {  	[spmem:s11] =	stream.linear.scatter [tilespmem:s19], [sflag:$0x2], $0x3400, $0x38;
	[tilespmem:$0x1CC00] =	vst v63  }
0x3c: {  	_ =	swait.ge [sflag:s17], $0x3400  }
0x3d: {  	[sflag:s17] =	ssyncset.done $0x0  }
0x3e: {  	[sflag:s17] =	ssyncadd.s32 $0xFFFFCC00  }
0x3f: {  	[spmem:s12] =	stream.linear.scatter [tilespmem:s19], [sflag:$0x2], $0x3400, $0x38;
	[tilespmem:$0x1CC00] =	vst v63  }
0x40: {  	_ =	swait.ge [sflag:s17], $0x3400  }
0x41: {  	[sflag:s17] =	ssyncset.done $0x0  }
0x42: {  	[sflag:s17] =	ssyncadd.s32 $0xFFFFCC00  }
0x43: {  	[spmem:s13] =	stream.linear.scatter [tilespmem:s19], [sflag:$0x2], $0x400, $0x38;
	[tilespmem:$0x1CC00] =	vst v63  }
0x44: {  	_ =	swait.ge [sflag:s17], $0x400  }
0x45: {  	[sflag:s17] =	ssyncset.done $0x0  }
0x46: {  	[sflag:s17] =	ssyncadd.s32 $0xFFFFFC00  }
0x47: {  	s30 =	simm.s32 $0x0;
	[bflag:$0x0] =	sbarrier.arrive $0xFFFF  }
0x48: {  	[tilespmem:s19], [sflag:$0x1] =	stream.indirect.gather [hbm4b:s4+s20], $0x80, s30, s20, $0xb8;
	[tilespmem:$0x1CC00] =	vst v63  }
0x49: {  	_ =	swait.ge [sflag:s21], $0x3E80  }
0x4a: {  	[sflag:s21] =	ssyncset.done $0x0  }
0x4b: {  	s31 =	simm.s32 $0x2800;
	[sflag:s21] =	ssyncadd.s32 $0xFFFFC180  }
0x4c: {  	[spmem:s1] =	stream.indirect.scatter.add.f32 [tilespmem:s19], [sflag:$0x2], $0x80, s31, s20, $0xb8;
	[tilespmem:$0x1CC00] =	vst v63  }
0x4d: {  	_ =	swait.ge [sflag:s17], $0x3E80  }
0x4e: {  	s25 =	simm.s32 $0x200;
	s26 =	simm.s32 $0x400;
	[sflag:s17] =	ssyncset.done $0x0  }
.LBB2_4:
0x4f: {  	s28 =	sshra.s32 s25, $0x2  }
0x50: {  	[sflag:s17] =	ssyncadd.s32 $0xFFFFC180;
	s25 =	smov.u32 s26;
	s29 =	sadd.s32 $0x200, s26  }
0x51: {  	[tilespmem:s19], [sflag:$0x1] =	stream.indirect.gather [hbm4b:s4+s20], $0x80, s28, s20, $0xb8;
	[tilespmem:$0x1CC00] =	vst v63  }
0x52: {  	p1 =	sne.s32 s26, $0x9E00;
	_ =	swait.ge [sflag:s21], $0x3E80  }
.Ltmp1:
0x53: {  	[sflag:s21] =	ssyncset.done $0x0;
	(pc) =	sbr.rel @p1 .LBB2_4-.Ltmp1, $4  }
0x54: {  	s26 =	sadd.s32 $0x2800, s28;
	[sflag:s21] =	ssyncadd.s32 $0xFFFFC180  }
0x55: {  	[spmem:s1] =	stream.indirect.scatter.add.f32 [tilespmem:s19], [sflag:$0x2], $0x80, s26, s20, $0xb8;
	[tilespmem:$0x1CC00] =	vst v63  }
0x56: {  	_ =	swait.ge [sflag:s17], $0x3E80  }
0x57: {  	s26 =	smov.u32 s29;
	[sflag:s17] =	ssyncset.done $0x0  }
0x58: {  	s25 =	sshra.s32 s25, $0x2;
	[sflag:s17] =	ssyncadd.s32 $0xFFFFC180  }
0x59: {  	[tilespmem:s19], [sflag:$0x1] =	stream.indirect.gather [hbm4b:s4+s20], $0x80, s25, s20, $0xb8;
	[tilespmem:$0x1CC00] =	vst v63  }
0x5a: {  	_ =	swait.ge [sflag:s21], $0x3E80  }
0x5b: {  	[sflag:s21] =	ssyncset.done $0x0  }
0x5c: {  	s25 =	sadd.s32 $0x2800, s25;
	[sflag:s21] =	ssyncadd.s32 $0xFFFFC180  }
0x5d: {  	[spmem:s1] =	stream.indirect.scatter.add.f32 [tilespmem:s19], [sflag:$0x2], $0x80, s25, s20, $0xb8;
	[tilespmem:$0x1CC00] =	vst v63  }
0x5e: {  	_ =	swait.ge [sflag:s17], $0x3E80  }
0x5f: {  	[sflag:s17] =	ssyncset.done $0x0  }
0x60: {  	s31 =	sshll.u32 s2, $0x6;
	[sflag:s17] =	ssyncadd.s32 $0xFFFFC180  }
0x61: {  	s25 =	sor.u32 $0x1C02, s31;
	[bflag:$0x0] =	sbarrier.arrive $0xFFFF  }
0x62: {  	[hbm:s14], [sflag:s25] =	dma.local [spmem:s22], $0x2700  }
0x63: {  	_ =	swait.ge [sflag:s17], $0x2700  }
0x64: {  	s24 =	sadd.s32 $0x1, s24;
	[sflag:s17] =	ssyncset.done $0x0  }
0x65: {  	p1 =	sne.s32 s24, s16;
	[sflag:s17] =	ssyncadd.s32 $0xFFFFD900  }
0x66: {  	[hbm:s15], [sflag:s25] =	dma.local @!p0 [spmem:s23], $0x100  }
.Ltmp2:
0x67: {  	_ = 	snop;
	(pc) =	sbr.rel @p1 .LBB2_1-.Ltmp2, $4  }
0x68: {  	s25 =	simm.s32 @!p0 $0x2  }
0x69: {  	_ =	swait.ge @!p0 [sflag:s25], $0x100  }
0x6a: {  	[sflag:s25] =	ssyncset.done @!p0 $0x0  }
0x6b: {  	[sflag:s25] =	ssyncadd.s32 @!p0 $0xFFFFFF00  }
0x6c: {  	_ =	sfence.sel $0x180000  }
0x6d: {  	[bflag:$0x0] =	sbarrier.arrive $0xFFFF  }
0x6e: {  	p0 =	sne.s32 s2, $0x0;
	_ =	strace $0x90000050  }
0x6f: {  	s0 =	sadd.s32 @!p0 $0x100000, s0;
	[bflag:$0x2] =	sbarrier.arrive $0xFFFF  }
0x70: {  	[sflag:s0] =	ssyncadd.tile.s32 @!p0 $0x1;
	_ =	shalt  }
.Lfunc_end2:
_tile_overlayer_lowered:
.L_overlay_start_2:
0x71: {  	(tag) =	ssettag $0x2  }
0x72: {  	s0 =	rddreg [dreg:$0x0];
	s2 =	stileid.u32  }
0x73: {  	s1 =	rddreg [dreg:$0x1];
	p0 =	sne.s32 s2, $0x0  }
0x74: {  	s3 =	rddreg [dreg:$0x2];
	[bflag:$0x3] =	sbarrier.arrive $0xFFFF;
	s2 =	simm.s32 @!p0 $0x1C02  }
0x75: {  	[timem:s3], [sflag:s2] =	dma.local @!p0 [hbm:s0], s1  }
0x76: {  	s0 =	simm.s32 @!p0 $0x2  }
0x77: {  	_ =	swait.ge @!p0 [sflag:s0], s1  }
0x78: {  	s1 =	ssub.s32 @!p0 $0x0, s1;
	[sflag:s0] =	ssyncset.done @!p0 $0x0  }
0x79: {  	[sflag:s0] =	ssyncadd.s32 @!p0 s1  }
0x7a: {  	[bflag:$0x3] =	sbarrier.arrive $0xFFFF  }
0x7b: {  	_ =	shalt  }

// kernel: kernel.24.cloned.1.call-start
scs
__scs_entry_jumppad:
0x0: {  	(pc) =	sbr.rel $0x88, $3  }
0x1: {  	(tag) =	ssettag $0x0;
	lr =	simm.s32 $0x1  }
0x2: {  	[smem:$0x3F94] =	sst lr;
	_ =	strace $0xD0000000  }
0x3: {  	_ = 	snop  }
0x4: {  	_ = 	snop  }
0x5: {  	_ = 	snop  }
0x6: {  	_ = 	snop  }
0x7: {  	_ = 	snop  }
__scs_overlays_trampoline_lowered:
0x8: {  	[smem:$0x3FA3] =	sst s0  }
0x9: {  	[smem:$0x3FA4] =	sst s1  }
0xa: {  	[smem:$0x3FA5] =	sst s2  }
0xb: {  	[smem:$0x3FA6] =	sst s3  }
0xc: {  	[smem:$0x3FA7] =	sst s4  }
0xd: {  	[smem:$0x3FA8] =	sst s5  }
0xe: {  	[smem:$0x3FA9] =	sst s6  }
0xf: {  	[smem:$0x3FAA] =	sst s7  }
0x10: {  	[smem:$0x3FAB] =	sst s8  }
0x11: {  	[smem:$0x3FAC] =	sst s9;
	s0 =	simm.s32 @!p0 $0x0  }
0x12: {  	s1 =	sld [smem:$0x3F92];
	s0 =	simm.s32 @p0 $0x1  }
0x13: {  	[smem:$0x3FAD] =	sst s0;
	s0 =	simm.s32 @!p1 $0x0  }
0x14: {  	s2 =	sld [smem:$0x3F91];
	s0 =	simm.s32 @p1 $0x1  }
0x15: {  	[smem:$0x3FAE] =	sst s0;
	s0 =	simm.s32 @!p2 $0x0  }
0x16: {  	s3 =	sld [smem:$0x3FDB];
	s0 =	simm.s32 @p2 $0x1  }
0x17: {  	s4 =	simm.s32 $0x1BF5;
	[smem:$0x3FB0] =	sst s0  }
0x18: {  	s0 =	sld [smem:$0x3F93];
	_ =	swait.ge [sflag:s4], $0x0  }
0x19: {  	s7 =	sld [smem:$0x3F94]  }
0x1a: {  	s8 =	sadd.s32 $0xFFFFE003, lr  }
0x1b: {  	s9 =	sadd.s32 $0xFFFFFEF7, lr;
	s5 =	simm.s32 $0xFFFFFFFF;
	p2 =	slt.u32 s8, $0xFFFFF086  }
0x1c: {  	p1 =	slt.u32 s9, $0xF7A;
	s5 =	simm.s32 @!p2 $0x0  }
0x1d: {  	s5 =	simm.s32 @p1 $0x1;
	p0 =	seq.s32 s7, s2  }
0x1e: {  	s7 =	smul.u32 @!p0 $0xF7A, s2;
	p2 =	seq.s32 @!p0 s5, $0x0  }
0x1f: {  	s9 =	smul.u32 $0xF7A, s1;
	s8 =	simm.s32 @!p0 $0x1BF5;
	p2 =	por !p2, p0  }
0x20: {  	[sflag:s8] =	ssyncset.s32 @!p0 $0xFFFFF086;
	s6 =	sadd.s32 @!p0 s3, s7;
	s7 =	simm.s32 @!p0 $0x108  }
0x21: {  	s3 =	sadd.s32 s3, s9;
	s6 =	sadd.s32 @!p0 $0x88, s6;
	s7 =	simm.s32 @p2 $0x1082  }
0x22: {  	[simem:s7], [sflag:s8] =	dma.local @!p0 [hbm:s6], $0xF7A  }
0x23: {  	s9 =	sor.u32 $0xD0000000, s2;
	s6 =	simm.s32 $0x108;
	_ =	swait.ge @!p0 [sflag:s8], $0x0  }
0x24: {  	s3 =	sadd.s32 $0x88, s3;
	s6 =	simm.s32 @!p1 $0x1082;
	[sflag:s4] =	ssyncset.s32 $0xFFFFF086  }
0x25: {  	[simem:s6], [sflag:s4] =	dma.local [hbm:s3], $0xF7A  }
0x26: {  	[smem:$0x3F94] =	sst s1;
	(tag) =	ssettag s2;
	_ =	strace s9  }
0x27: {  	s1 =	sld [smem:$0x3FA4]  }
0x28: {  	s2 =	sld [smem:$0x3FA5]  }
0x29: {  	s4 =	sld [smem:$0x3FA7]  }
0x2a: {  	p0 =	seq.s32 s5, $0x0;
	s5 =	sld [smem:$0x3FA8]  }
0x2b: {  	s6 =	sld [smem:$0x3FA9]  }
0x2c: {  	s7 =	sld [smem:$0x3FAA]  }
0x2d: {  	s3 =	simm.s32 $0x108;
	s8 =	sld [smem:$0x3FAB]  }
0x2e: {  	s3 =	simm.s32 @!p0 $0x1082;
	s9 =	sld [smem:$0x3FAC]  }
0x2f: {  	lr =	sadd.s32 s0, s3;
	s0 =	sld [smem:$0x3FA3]  }
0x30: {  	s3 =	sld [smem:$0x3FA6]  }
0x31: {  	[smem:$0x3FAF] =	sst s10  }
0x32: {  	s10 =	sld [smem:$0x3FAD];
	_ =	sdelay $0x3  }
0x33: {  	p0 =	seq.s32 s10, $0x1;
	s10 =	sld [smem:$0x3FAF];
	_ =	sdelay $0x3  }
0x34: {  	[smem:$0x3FAF] =	sst s10  }
0x35: {  	s10 =	sld [smem:$0x3FAE];
	_ =	sdelay $0x3  }
0x36: {  	p1 =	seq.s32 s10, $0x1;
	s10 =	sld [smem:$0x3FAF];
	_ =	sdelay $0x3  }
0x37: {  	[smem:$0x3FAF] =	sst s10  }
0x38: {  	s10 =	sld [smem:$0x3FB0]  }
0x39: {  	_ = 	snop;
	(pc) =	sbr.ind lr, $3  }
0x3a: {  	_ = 	snop  }
0x3b: {  	_ = 	snop  }
0x3c: {  	p2 =	seq.s32 s10, $0x1;
	s10 =	sld [smem:$0x3FAF]  }
0x3d: {  	_ =	shalt  }
0x3e: {  	_ =	shalt  }
0x3f: {  	_ =	shalt  }
0x40: {  	_ =	shalt  }
0x41: {  	_ =	shalt  }
0x42: {  	_ =	shalt  }
0x43: {  	_ =	shalt  }
0x44: {  	_ =	shalt  }
0x45: {  	_ =	shalt  }
0x46: {  	_ =	shalt  }
0x47: {  	_ =	shalt  }
0x48: {  	_ =	shalt  }
0x49: {  	_ =	shalt  }
0x4a: {  	_ =	shalt  }
0x4b: {  	_ =	shalt  }
0x4c: {  	_ =	shalt  }
0x4d: {  	_ =	shalt  }
0x4e: {  	_ =	shalt  }
0x4f: {  	_ =	shalt  }
0x50: {  	_ =	shalt  }
0x51: {  	_ =	shalt  }
0x52: {  	_ =	shalt  }
0x53: {  	_ =	shalt  }
0x54: {  	_ =	shalt  }
0x55: {  	_ =	shalt  }
0x56: {  	_ =	shalt  }
0x57: {  	_ =	shalt  }
0x58: {  	_ =	shalt  }
0x59: {  	_ =	shalt  }
0x5a: {  	_ =	shalt  }
0x5b: {  	_ =	shalt  }
0x5c: {  	_ =	shalt  }
0x5d: {  	_ =	shalt  }
0x5e: {  	_ =	shalt  }
0x5f: {  	_ =	shalt  }
0x60: {  	_ =	shalt  }
0x61: {  	_ =	shalt  }
0x62: {  	_ =	shalt  }
0x63: {  	_ =	shalt  }
0x64: {  	_ =	shalt  }
0x65: {  	_ =	shalt  }
0x66: {  	_ =	shalt  }
0x67: {  	_ =	shalt  }
0x68: {  	_ =	shalt  }
0x69: {  	_ =	shalt  }
0x6a: {  	_ =	shalt  }
0x6b: {  	_ =	shalt  }
0x6c: {  	_ =	shalt  }
0x6d: {  	_ =	shalt  }
0x6e: {  	_ =	shalt  }
0x6f: {  	_ =	shalt  }
0x70: {  	_ =	shalt  }
0x71: {  	_ =	shalt  }
0x72: {  	_ =	shalt  }
0x73: {  	_ =	shalt  }
0x74: {  	_ =	shalt  }
0x75: {  	_ =	shalt  }
0x76: {  	_ =	shalt  }
0x77: {  	_ =	shalt  }
0x78: {  	_ =	shalt  }
0x79: {  	_ =	shalt  }
0x7a: {  	_ =	shalt  }
0x7b: {  	_ =	shalt  }
0x7c: {  	_ =	shalt  }
0x7d: {  	_ =	shalt  }
0x7e: {  	_ =	shalt  }
0x7f: {  	_ =	shalt  }
0x80: {  	_ =	shalt  }
0x81: {  	_ =	shalt  }
0x82: {  	_ =	shalt  }
0x83: {  	_ =	shalt  }
0x84: {  	_ =	shalt  }
0x85: {  	_ =	shalt  }
0x86: {  	_ =	shalt  }
0x87: {  	_ =	shalt  }
.Lfunc_end0:
.L_simem_size_0:
called_computation.4_lowered:
.L_overlay_start_0:
0x88: {  	s2 =	sld [smem:$0x3FD9]  }
0x89: {  	s3 =	sld [smem:$0x3FFE];
	_ =	sdelay $0x1  }
0x8a: {  	s1 =	srdreg.scid  }
0x8b: {  	s0 =	sand.u32 $0x1, s1  }
0x8c: {  	s16 =	sshll.u32 s0, $0xA;
	s2 =	sadd.s32 s3, s2  }
0x8d: {  	s2 =	sadd.s32 s2, s16  }
0x8e: {  	[smem:$0x3FBB] =	sst s2  }
0x8f: {  	_ = 	snop  }
0x90: {  	(tm) =	ssettm $0x1  }
0x91: {  	s17 =	sld [smem:$0x3FFB];
	_ =	sdelay $0x3  }
0x92: {  	_ =	strace s17  }
0x93: {  	s2 =	sld [smem:$0x3FFC];
	_ =	sdelay $0x3  }
0x94: {  	_ =	strace s2  }
0x95: {  	s2 =	sld [smem:$0x3FFD];
	_ =	sdelay $0x3  }
0x96: {  	_ =	strace s2  }
0x97: {  	_ =	strace $0x8FFFFFFF  }
0x98: {  	s18 =	sld [smem:$0x3FDB];
	_ =	sdelay $0x1  }
0x99: {  	s19 =	simm.s32 $_scs_section_size  }
0x9a: {  	s4 =	simm.s32 $_size__tile_overlayer_lowered;
	s5 =	simm.s32 $_tile_overlayer_lowered  }
0x9b: {  	s22 =	simm.s32 $0x1BFF;
	s21 =	sshll.u32 s5, $0x1;
	s2 =	sadd.s32 s19, s18  }
0x9c: {  	s6 =	simm.s32 $0x0;
	s20 =	sshll.u32 s4, $0x1;
	s4 =	sadd.s32 s21, s2  }
0x9d: {  	[timem:s6], [sflag:s22] =	dma.local [hbm:s4], s20  }
0x9e: {  	_ =	swait.ge [sflag:s22], s20  }
0x9f: {  	s3 =	ssub.s32 $0x0, s20;
	[sflag:s22] =	ssyncset.done $0x0  }
0xa0: {  	[sflag:s22] =	ssyncadd.s32 s3;
	_ =	sdelay $0x1  }
0xa1: {  	s23 =	simm.s32 $0x1B8B  }
0xa2: {  	_ =	swait.ge [sflag:s23], $0x1  }
0xa3: {  	[sflag:s23] =	ssyncset.done $0x0  }
0xa4: {  	s25 =	simm.s32 $0x1B8E;
	s24 =	sld [smem:$0x3FFE];
	[sflag:s23] =	ssyncadd.s32 $0xFFFFFFFF  }
0xa5: {  	s26 =	simm.s32 $execute0_lowered;
	[smem:$0x3FD2] =	sst s25  }
0xa6: {  	s4 =	sshll.u32 s26, $0x1;
	_ =	strace $0x80000052;
	[dreg:$0x1] =	wrdreg $0xFFFFFFFF  }
0xa7: {  	s28 =	simm.s32 $_size_execute0_lowered;
	s2 =	sadd.s32 s2, s4;
	[dreg:$0x0] =	wrdreg $0x0  }
0xa8: {  	s4 =	sshll.u32 s28, $0x1;
	[dreg:$0x2] =	wrdreg s2  }
0xa9: {  	[dreg:$0x3] =	wrdreg s4  }
0xaa: {  	[dreg:$0x4] =	wrdreg $0xC0  }
0xab: {  	_ =	task [dreg:s6], $0x5FFFF  }
0xac: {  	[dreg:$0x1] =	wrdreg $0xFFFFFFFF  }
0xad: {  	[dreg:$0x0] =	wrdreg $0x60  }
0xae: {  	[dreg:$0x2] =	wrdreg s24  }
0xaf: {  	[dreg:$0x3] =	wrdreg $0x90000  }
0xb0: {  	[dreg:$0x4] =	wrdreg $0x9  }
0xb1: {  	_ =	task.clear_ibuf [dreg:s6], $0x5FFFF;
	_ =	strace $0x90000052  }
0xb2: {  	s29 =	simm.s32 $0x9;
	_ =	strace $0x80000054  }
0xb3: {  	_ =	swait.ge [sflag:s29], $0x1  }
0xb4: {  	[sflag:s29] =	ssyncadd.s32 $0xFFFFFFFF  }
0xb5: {  	_ =	strace $0x90000054  }
0xb6: {  	_ =	sfence  }
0xb7: {  	s30 =	sld [smem:$0x0];
	_ =	sdelay $0x2  }
0xb8: {  	s31 =	sshll.u32 s1, $0xD;
	s1 =	sshrl.u32 s1, $0x2  }
0xb9: {  	s3 =	sand.u32 $0x4000, s31;
	s1 =	sadd.s32 s1, s30  }
0xba: {  	s0 =	sor.u32 s3, s0;
	s1 =	sshll.u32 s1, $0x11  }
0xbb: {  	s0 =	sor.u32 s1, s0  }
0xbc: {  	s0 =	sadd.s32 $0x8F2B, s0  }
0xbd: {  	[sflag:s0] =	ssyncadd.remote.s32 $0x1  }
0xbe: {  	_ =	sfence.sel $0xFFFF  }
0xbf: {  	[dreg:$0x0] =	wrdreg $0xFFFFFFFF;
	(pc) =	sbr.abs _section_cstart, $3  }
0xc0: {  	[dreg:$0x1] =	wrdreg $0xFFFFFFFF  }
0xc1: {  	_ =	task.clear_ibuf [dreg:s6], $0x2FFFF;
	_ =	strace $0x9FFFFFFF  }
0xc2: {  	(tm) =	ssettm $0x7FFFFFFF  }
0xc3: {  	_ =	shalt  }
tec
execute0_lowered:
.L_overlay_start_1:
0x0: {  	(tag) =	ssettag $0x1  }
0x1: {  	s5 =	rddreg [dreg:$0x0]  }
0x2: {  	s1 =	rddreg [dreg:$0x1];
	s2 =	srdreg.scid  }
0x3: {  	s0 =	rddreg [dreg:$0x2];
	s3 =	simm.s32 $0x0;
	s20 =	simm.s32 $0x7D  }
0x4: {  	s21 =	simm.s32 $0x1;
	s8 =	sand.u32 $0x1, s2;
	s2 =	stileid.u32  }
0x5: {  	s24 =	simm.s32 $0x0;
	[smem:$0x7FF] =	sst s3;
	s9 =	smul.u32 $0x4F000, s2  }
0x6: {  	s15 =	sadd.s32 $0x66000, s5;
	s23 =	sadd.s32 $0x138000, s1;
	s14 =	smul.u32 $0x138800, s8  }
0x7: {  	s4 =	sshll.u32 s8, $0x4;
	_ =	strace $0x80000053;
	s17 =	smul.u32 $0x13800, s2  }
0x8: {  	s7 =	ssub.s32 $0x2, s8;
	s18 =	smul.u32 $0x4E000, s2;
	p0 =	sne.s32 s2, $0xF  }
0x9: {  	s4 =	sor.u32 s2, s4;
	s30 =	sshrl.u32 s7, $0x1;
	s23 =	sshrl.u32 @!p0 s23, $0x3  }
0xa: {  	s6 =	smul.u32 $0x500, s4;
	s4 =	sadd.s32 $0xDE00, s5;
	s16 =	ssub.s32 s7, s30  }
0xb: {  	s31 =	sshrl.u32 s9, $0x2;
	s17 =	sadd.s32 s17, s14;
	s18 =	sshrl.u32 s18, $0x2  }
0xc: {  	s19 =	sshrl.u32 s14, $0x3;
	s7 =	sadd.s32 s31, s1;
	s17 =	sshrl.u32 s17, $0x3  }
0xd: {  	s22 =	sadd.s32 s18, s1;
	s16 =	smax.u32 s16, $0x1;
	s18 =	simm.s32 $0x2800  }
0xe: {  	s6 =	sadd.s32 s6, s5;
	s8 =	sadd.s32 $0x3400, s7;
	s9 =	sadd.s32 $0x6800, s7  }
0xf: {  	s10 =	sadd.s32 $0x9C00, s7;
	s11 =	sadd.s32 $0xD000, s7;
	s12 =	sadd.s32 $0x10400, s7  }
0x10: {  	s13 =	sadd.s32 $0x13800, s7;
	s14 =	sadd.s32 s15, s17;
	s15 =	sadd.s32 s15, s19  }
0x11: {  	s17 =	simm.s32 $0x2;
	s19 =	simm.s32 $0x5000;
	s22 =	sshrl.u32 s22, $0x3  }
0x12: {  	v0 =	vimm.f32 $0.0e+00;
	s5 =	sadd.s32 $0x5C000, s6;
	s6 =	sadd.s32 $0x3E00, s6;
	s15 =	sadd.s32 $0x27000, s15  }
.LBB2_1:
0x13: {  	[tilespmem:s3], [sflag:$0x2] =	stream.linear.gather [hbm4b:s5+s3], $0x2800, $0x38;
	[tilespmem:$0x1CC00] =	vst v63  }
0x14: {  	_ =	swait.ge [sflag:s17], $0x2800  }
0x15: {  	[sflag:s17] =	ssyncset.done $0x0  }
0x16: {  	[sflag:s17] =	ssyncadd.s32 $0xFFFFD800  }
0x17: {  	[tilespmem:s18], [sflag:$0x2] =	stream.linear.gather [hbm4b:s6+s3], $0x2800, $0x38;
	[tilespmem:$0x1CC00] =	vst v63  }
0x18: {  	_ =	swait.ge [sflag:s17], $0x2800  }
0x19: {  	[sflag:s17] =	ssyncset.done $0x0  }
0x1a: {  	s25 =	simm.s32 $0x0;
	s26 =	simm.s32 $0x200;
	[sflag:s17] =	ssyncadd.s32 $0xFFFFD800  }
.LBB2_2:
0x1b: {  	p1 =	sne.s32 s26, $0xF800;
	[tilespmem:s25+$0x5070] =	vst v0  }
0x1c: {  	[tilespmem:s25+$0x5000] =	vst v0  }
0x1d: {  	[tilespmem:s25+$0x5010] =	vst v0  }
.Ltmp0:
0x1e: {  	[tilespmem:s25+$0x5020] =	vst v0;
	(pc) =	sbr.rel @p1 .LBB2_2-.Ltmp0, $4  }
0x1f: {  	[tilespmem:s25+$0x5030] =	vst v0  }
0x20: {  	[tilespmem:s25+$0x5040] =	vst v0  }
0x21: {  	[tilespmem:s25+$0x5050] =	vst v0  }
0x22: {  	[tilespmem:s25+$0x5060] =	vst v0;
	s25 =	sshra.s32 s26, $0x2;
	s26 =	sadd.s32 $0x200, s26  }
0x23: {  	[tilespmem:s25+$0x5070] =	vst v0  }
0x24: {  	[tilespmem:s25+$0x5000] =	vst v0  }
0x25: {  	[tilespmem:s25+$0x5010] =	vst v0  }
0x26: {  	[tilespmem:s25+$0x5020] =	vst v0  }
0x27: {  	[tilespmem:s25+$0x5030] =	vst v0  }
0x28: {  	[tilespmem:s25+$0x5040] =	vst v0  }
0x29: {  	[tilespmem:s25+$0x5050] =	vst v0  }
0x2a: {  	[tilespmem:s25+$0x5060] =	vst v0  }
0x2b: {  	[spmem:s7] =	stream.linear.scatter [tilespmem:s19], [sflag:$0x2], $0x3400, $0x38;
	[tilespmem:$0x1CC00] =	vst v63  }
0x2c: {  	_ =	swait.ge [sflag:s17], $0x3400  }
0x2d: {  	[sflag:s17] =	ssyncset.done $0x0  }
0x2e: {  	[sflag:s17] =	ssyncadd.s32 $0xFFFFCC00  }
0x2f: {  	[spmem:s8] =	stream.linear.scatter [tilespmem:s19], [sflag:$0x2], $0x3400, $0x38;
	[tilespmem:$0x1CC00] =	vst v63  }
0x30: {  	_ =	swait.ge [sflag:s17], $0x3400  }
0x31: {  	[sflag:s17] =	ssyncset.done $0x0  }
0x32: {  	[sflag:s17] =	ssyncadd.s32 $0xFFFFCC00  }
0x33: {  	[spmem:s9] =	stream.linear.scatter [tilespmem:s19], [sflag:$0x2], $0x3400, $0x38;
	[tilespmem:$0x1CC00] =	vst v63  }
0x34: {  	_ =	swait.ge [sflag:s17], $0x3400  }
0x35: {  	[sflag:s17] =	ssyncset.done $0x0  }
0x36: {  	[sflag:s17] =	ssyncadd.s32 $0xFFFFCC00  }
0x37: {  	[spmem:s10] =	stream.linear.scatter [tilespmem:s19], [sflag:$0x2], $0x3400, $0x38;
	[tilespmem:$0x1CC00] =	vst v63  }
0x38: {  	_ =	swait.ge [sflag:s17], $0x3400  }
0x39: {  	[sflag:s17] =	ssyncset.done $0x0  }
0x3a: {  	[sflag:s17] =	ssyncadd.s32 $0xFFFFCC00  }
0x3b: {  	[spmem:s11] =	stream.linear.scatter [tilespmem:s19], [sflag:$0x2], $0x3400, $0x38;
	[tilespmem:$0x1CC00] =	vst v63  }
0x3c: {  	_ =	swait.ge [sflag:s17], $0x3400  }
0x3d: {  	[sflag:s17] =	ssyncset.done $0x0  }
0x3e: {  	[sflag:s17] =	ssyncadd.s32 $0xFFFFCC00  }
0x3f: {  	[spmem:s12] =	stream.linear.scatter [tilespmem:s19], [sflag:$0x2], $0x3400, $0x38;
	[tilespmem:$0x1CC00] =	vst v63  }
0x40: {  	_ =	swait.ge [sflag:s17], $0x3400  }
0x41: {  	[sflag:s17] =	ssyncset.done $0x0  }
0x42: {  	[sflag:s17] =	ssyncadd.s32 $0xFFFFCC00  }
0x43: {  	[spmem:s13] =	stream.linear.scatter [tilespmem:s19], [sflag:$0x2], $0x400, $0x38;
	[tilespmem:$0x1CC00] =	vst v63  }
0x44: {  	_ =	swait.ge [sflag:s17], $0x400  }
0x45: {  	[sflag:s17] =	ssyncset.done $0x0  }
0x46: {  	[sflag:s17] =	ssyncadd.s32 $0xFFFFFC00  }
0x47: {  	s30 =	simm.s32 $0x0;
	[bflag:$0x0] =	sbarrier.arrive $0xFFFF  }
0x48: {  	[tilespmem:s19], [sflag:$0x1] =	stream.indirect.gather [hbm4b:s4+s20], $0x80, s30, s20, $0xb8;
	[tilespmem:$0x1CC00] =	vst v63  }
0x49: {  	_ =	swait.ge [sflag:s21], $0x3E80  }
0x4a: {  	[sflag:s21] =	ssyncset.done $0x0  }
0x4b: {  	s31 =	simm.s32 $0x2800;
	[sflag:s21] =	ssyncadd.s32 $0xFFFFC180  }
0x4c: {  	[spmem:s1] =	stream.indirect.scatter.add.f32 [tilespmem:s19], [sflag:$0x2], $0x80, s31, s20, $0xb8;
	[tilespmem:$0x1CC00] =	vst v63  }
0x4d: {  	_ =	swait.ge [sflag:s17], $0x3E80  }
0x4e: {  	s25 =	simm.s32 $0x200;
	s26 =	simm.s32 $0x400;
	[sflag:s17] =	ssyncset.done $0x0  }
.LBB2_4:
0x4f: {  	s28 =	sshra.s32 s25, $0x2  }
0x50: {  	[sflag:s17] =	ssyncadd.s32 $0xFFFFC180;
	s25 =	smov.u32 s26;
	s29 =	sadd.s32 $0x200, s26  }
0x51: {  	[tilespmem:s19], [sflag:$0x1] =	stream.indirect.gather [hbm4b:s4+s20], $0x80, s28, s20, $0xb8;
	[tilespmem:$0x1CC00] =	vst v63  }
0x52: {  	p1 =	sne.s32 s26, $0x9E00;
	_ =	swait.ge [sflag:s21], $0x3E80  }
.Ltmp1:
0x53: {  	[sflag:s21] =	ssyncset.done $0x0;
	(pc) =	sbr.rel @p1 .LBB2_4-.Ltmp1, $4  }
0x54: {  	s26 =	sadd.s32 $0x2800, s28;
	[sflag:s21] =	ssyncadd.s32 $0xFFFFC180  }
0x55: {  	[spmem:s1] =	stream.indirect.scatter.add.f32 [tilespmem:s19], [sflag:$0x2], $0x80, s26, s20, $0xb8;
	[tilespmem:$0x1CC00] =	vst v63  }
0x56: {  	_ =	swait.ge [sflag:s17], $0x3E80  }
0x57: {  	s26 =	smov.u32 s29;
	[sflag:s17] =	ssyncset.done $0x0  }
0x58: {  	s25 =	sshra.s32 s25, $0x2;
	[sflag:s17] =	ssyncadd.s32 $0xFFFFC180  }
0x59: {  	[tilespmem:s19], [sflag:$0x1] =	stream.indirect.gather [hbm4b:s4+s20], $0x80, s25, s20, $0xb8;
	[tilespmem:$0x1CC00] =	vst v63  }
0x5a: {  	_ =	swait.ge [sflag:s21], $0x3E80  }
0x5b: {  	[sflag:s21] =	ssyncset.done $0x0  }
0x5c: {  	s25 =	sadd.s32 $0x2800, s25;
	[sflag:s21] =	ssyncadd.s32 $0xFFFFC180  }
0x5d: {  	[spmem:s1] =	stream.indirect.scatter.add.f32 [tilespmem:s19], [sflag:$0x2], $0x80, s25, s20, $0xb8;
	[tilespmem:$0x1CC00] =	vst v63  }
0x5e: {  	_ =	swait.ge [sflag:s17], $0x3E80  }
0x5f: {  	[sflag:s17] =	ssyncset.done $0x0  }
0x60: {  	s31 =	sshll.u32 s2, $0x6;
	[sflag:s17] =	ssyncadd.s32 $0xFFFFC180  }
0x61: {  	s25 =	sor.u32 $0x1C02, s31;
	[bflag:$0x0] =	sbarrier.arrive $0xFFFF  }
0x62: {  	[hbm:s14], [sflag:s25] =	dma.local [spmem:s22], $0x2700  }
0x63: {  	_ =	swait.ge [sflag:s17], $0x2700  }
0x64: {  	s24 =	sadd.s32 $0x1, s24;
	[sflag:s17] =	ssyncset.done $0x0  }
0x65: {  	p1 =	sne.s32 s24, s16;
	[sflag:s17] =	ssyncadd.s32 $0xFFFFD900  }
0x66: {  	[hbm:s15], [sflag:s25] =	dma.local @!p0 [spmem:s23], $0x100  }
.Ltmp2:
0x67: {  	_ = 	snop;
	(pc) =	sbr.rel @p1 .LBB2_1-.Ltmp2, $4  }
0x68: {  	s25 =	simm.s32 @!p0 $0x2  }
0x69: {  	_ =	swait.ge @!p0 [sflag:s25], $0x100  }
0x6a: {  	[sflag:s25] =	ssyncset.done @!p0 $0x0  }
0x6b: {  	[sflag:s25] =	ssyncadd.s32 @!p0 $0xFFFFFF00  }
0x6c: {  	_ =	sfence.sel $0x180000  }
0x6d: {  	[bflag:$0x0] =	sbarrier.arrive $0xFFFF  }
0x6e: {  	p0 =	sne.s32 s2, $0x0;
	_ =	strace $0x90000053  }
0x6f: {  	s0 =	sadd.s32 @!p0 $0x100000, s0;
	[bflag:$0x2] =	sbarrier.arrive $0xFFFF  }
0x70: {  	[sflag:s0] =	ssyncadd.tile.s32 @!p0 $0x1;
	_ =	shalt  }
.Lfunc_end2:
_tile_overlayer_lowered:
.L_overlay_start_2:
0x71: {  	(tag) =	ssettag $0x2  }
0x72: {  	s0 =	rddreg [dreg:$0x0];
	s2 =	stileid.u32  }
0x73: {  	s1 =	rddreg [dreg:$0x1];
	p0 =	sne.s32 s2, $0x0  }
0x74: {  	s3 =	rddreg [dreg:$0x2];
	[bflag:$0x3] =	sbarrier.arrive $0xFFFF;
	s2 =	simm.s32 @!p0 $0x1C02  }
0x75: {  	[timem:s3], [sflag:s2] =	dma.local @!p0 [hbm:s0], s1  }
0x76: {  	s0 =	simm.s32 @!p0 $0x2  }
0x77: {  	_ =	swait.ge @!p0 [sflag:s0], s1  }
0x78: {  	s1 =	ssub.s32 @!p0 $0x0, s1;
	[sflag:s0] =	ssyncset.done @!p0 $0x0  }
0x79: {  	[sflag:s0] =	ssyncadd.s32 @!p0 s1  }
0x7a: {  	[bflag:$0x3] =	sbarrier.arrive $0xFFFF  }
0x7b: {  	_ =	shalt  }

</sc_bundles>
